<compile_context>
chip_gen: v7x
topology: tpu7x:2x2x1
jax: 0.10.2.dev20260603
libtpu: 0.0.44.dev20260713+nightly
codegen_flags: <defaults>
</compile_context>

<pallas_src>
import functools

import jax
import jax.numpy as jnp
from jax import lax
from jax.experimental import pallas as pl
from jax.experimental.pallas import tpu as pltpu
from jax.experimental.pallas import tpu_sc as plsc

NV = 100000
KO = 27
RP = 40000
DI = 64
DO = 64
NSLC = 2
SLC = 32
IVEC = 16
NC = 2
NS = 16
WIN = 128
R_ALL = KO * RP
WPS = 528
R_PAD = NS * WIN * WPS
CH = 24
NCHUNK = WPS // CH
NBUF = 4
LAG = 2
NPAD_ROWS = 96
ACC_ROWS = NV + NPAD_ROWS

MM_RB = 2000
YC = 1792
YSLC = YC // SLC


def _mm_body(x_ref, w_ref, y_ref):
    y_ref[0] = jnp.dot(
        x_ref[...].astype(jnp.bfloat16), w_ref[0],
        preferred_element_type=jnp.float32).astype(jnp.bfloat16)


def _matmul(x_data, w_all_bf16):
    return pl.pallas_call(
        _mm_body,
        grid=(NV // MM_RB, YSLC),
        in_specs=[
            pl.BlockSpec((MM_RB, DI), lambda i, jk: (i, 0)),
            pl.BlockSpec((1, DI, SLC), lambda i, jk: (jk, 0, 0)),
        ],
        out_specs=pl.BlockSpec((1, MM_RB, SLC), lambda i, jk: (jk, i, 0)),
        out_shape=jax.ShapeDtypeStruct((YSLC, NV, SLC), jnp.bfloat16),
    )(x_data, w_all_bf16)


def _sc_body(y_hbm, gidx_hbm, oidx_hbm, zseed_hbm, out_hbm,
             acc, gix, oix, stg, gsem, ssem):
    c = lax.axis_index("c")
    s = lax.axis_index("s")
    j = c
    rows_i = ACC_ROWS // NS
    r0 = s * rows_i
    pltpu.sync_copy(zseed_hbm, acc.at[pl.ds(r0, 8)])
    filled = 8
    while filled < rows_i:
        n = min(filled, rows_i - filled)
        pltpu.sync_copy(acc.at[pl.ds(r0, n)],
                        acc.at[pl.ds(r0 + filled, n)])
        filled += n
    plsc.subcore_barrier()
    w0 = s * WPS
    @pl.loop(0, NCHUNK)
    def _chunk(ci):
        base = w0 + ci * CH
        pltpu.sync_copy(gidx_hbm.at[j, pl.ds(base, CH)], gix)
        pltpu.sync_copy(oidx_hbm.at[pl.ds(base, CH)], oix)

        hg = [None] * CH
        hs = [None] * CH
        for t in range(CH + LAG):
            if t < CH:
                b = t % NBUF
                if t >= NBUF:
                    hs[t - NBUF].wait()
                hg[t] = pltpu.async_copy(
                    y_hbm.at[gix.at[t]], stg.at[b], gsem.at[b])
            v = t - LAG
            if 0 <= v < CH:
                hg[v].wait()
                hs[v] = pltpu.async_copy(
                    stg.at[v % NBUF], acc.at[oix.at[v]],
                    ssem.at[v % NBUF], add=True)
        for v in range(CH - NBUF, CH):
            hs[v].wait()

    plsc.subcore_barrier()
    rows_o = ACC_ROWS // NS
    pltpu.sync_copy(acc.at[pl.ds(s * rows_o, rows_o)],
                    out_hbm.at[pl.ds(s * rows_o, rows_o),
                               pl.ds(j * SLC, SLC)])


_sc_scatter = functools.partial(
    pl.kernel,
    out_type=jax.ShapeDtypeStruct((ACC_ROWS, DO), jnp.bfloat16),
    mesh=plsc.VectorSubcoreMesh(core_axis_name="c", subcore_axis_name="s"),
    scratch_types=[
        pltpu.VMEM_SHARED((ACC_ROWS, SLC), jnp.bfloat16),
        pltpu.VMEM((CH, WIN), jnp.int32),
        pltpu.VMEM((CH, WIN), jnp.int32),
        pltpu.VMEM((NBUF, WIN, SLC), jnp.bfloat16),
        pltpu.SemaphoreType.DMA((NBUF,)),
        pltpu.SemaphoreType.DMA((NBUF,)),
    ],
    compiler_params=pltpu.CompilerParams(use_tc_tiling_on_sc=False),
)(_sc_body)


def kernel(x_data, in_indices, out_indices, weights, bias):
    ii = in_indices.astype(jnp.int32)
    oi = out_indices.astype(jnp.int32)
    karr = jnp.arange(KO, dtype=jnp.int32)[:, None]
    gflat = (karr * NSLC * NV + ii).reshape(-1)
    oflat = oi.reshape(-1)
    npad = R_PAD - R_ALL
    p = jnp.arange(npad, dtype=jnp.int32)
    gflat = jnp.concatenate([gflat, p % NPAD_ROWS])
    oflat = jnp.concatenate([oflat, NV + (p % NPAD_ROWS)])
    g2 = gflat.reshape(NS * WPS, WIN)
    gidx = jnp.stack([g2, g2 + NV])
    oidx = oflat.reshape(NS * WPS, WIN)

    w_all = jnp.transpose(weights, (1, 0, 2)).reshape(DI, KO * DO)
    w_all = jnp.pad(w_all, ((0, 0), (0, YC - KO * DO)))
    w3 = w_all.reshape(DI, YSLC, SLC).transpose(1, 0, 2)
    y = _matmul(x_data, w3.astype(jnp.bfloat16))
    y2 = y.reshape(YSLC * NV, SLC)

    zseed = jnp.zeros((8, SLC), jnp.bfloat16)
    out = _sc_scatter(y2, gidx, oidx, zseed)
    return out[:NV].astype(jnp.float32) + bias

# --- scband reference (transcript-rebuilt; emitter-appended) ---
"""Pipeline reference for scband-sparse-conv3d-in-place-autograd-88373247082551 (READ-ONLY COPY).

The authoritative reference and input builder live on the scoring server;
editing this copy changes nothing except your own understanding.
"""

import jax, jax.numpy as jnp
import numpy as np

N_VOX = 100000
K_OFF = 27
R_PER = 40000
D_IN = 64
D_OUT = 64


def setup_inputs(seed: int = 0) -> dict:
    key = jax.random.key(seed)
    k1, k2, k3, k4 = jax.random.split(key, 4)
    x_data = jax.random.normal(k1, (N_VOX, D_IN), dtype=jnp.float32)
    in_indices = jax.random.randint(k2, (K_OFF, R_PER), 0, N_VOX, dtype=jnp.int64)
    out_indices = jax.random.randint(k3, (K_OFF, R_PER), 0, N_VOX, dtype=jnp.int64)
    # kaiming_normal fan_out for weight [k^3, in, out]: std = sqrt(2 / fan_out)
    std = float(np.sqrt(2.0 / D_OUT))
    weights = jax.random.normal(k4, (K_OFF, D_IN, D_OUT), dtype=jnp.float32) * std
    bias = jnp.zeros((D_OUT,), dtype=jnp.float32)
    return {"x_data": x_data, "in_indices": in_indices, "out_indices": out_indices, "weights": weights, "bias": bias}


def reference(x_data, in_indices, out_indices, weights, bias):
    # Sparse 3D conv via rulebook: for each kernel offset k, gather input rows,
    # matmul with weights[k], scatter-add into output rows; then add bias.
    x_out = jnp.zeros((N_VOX, D_OUT), dtype=jnp.float32)
    for k in range(K_OFF):
        in_vals = jnp.take(x_data, in_indices[k], axis=0)          # [R_PER, D_IN] gather
        x_mat = jnp.matmul(in_vals, weights[k])                     # [R_PER, D_OUT]
        x_out = x_out.at[out_indices[k]].add(x_mat)                 # scatter-add
    x_out = x_out + bias[None, :]
    return x_out

if __name__ == "__main__":
    import jax
    _d = setup_inputs()
    print(jax.jit(kernel)(*tuple(_d.values())))

</pallas_src>

<mosaic_0001>
#map = affine_map<(d0, d1) -> (0, 0)>
#map1 = affine_map<(d0, d1) -> (0, 0, 0)>
module attributes {stable_mosaic.version = 14 : i64} {
  func.func @_sc_body(%arg0: i32, %arg1: i32, %arg2: memref<5600000x32xbf16, #tpu.memory_space<hbm>>, %arg3: memref<2x8448x128xi32, #tpu.memory_space<hbm>>, %arg4: memref<8448x128xi32, #tpu.memory_space<hbm>>, %arg5: memref<8x32xbf16, #tpu.memory_space<hbm>>, %arg6: memref<100096x64xbf16, #tpu.memory_space<hbm>>, %arg7: memref<100096x32xbf16, #tpu.memory_space<vmem_shared>>, %arg8: memref<24x128xi32, #tpu.memory_space<vmem>>, %arg9: memref<24x128xi32, #tpu.memory_space<vmem>>, %arg10: memref<4x128x32xbf16, #tpu.memory_space<vmem>>, %arg11: memref<4x!tpu.dma_semaphore, #tpu.memory_space<semaphore_mem>>, %arg12: memref<4x!tpu.dma_semaphore, #tpu.memory_space<semaphore_mem>>) attributes {dimension_semantics = [#tpu.dimension_semantics<core_parallel>, #tpu.dimension_semantics<subcore_parallel>], iteration_bounds = array<i64: 2, 16>, scalar_prefetch = 0 : i64, scratch_operands = 6 : i64, tpu.core_type = #tpu.core_type<sc_vector_subcore>, window_params = [{transform_indices = #map}, {transform_indices = #map1}, {transform_indices = #map}, {transform_indices = #map}, {transform_indices = #map}]} {
    %mul3A = arith.constant 6256 : i32
    %mul3A_0 = arith.muli %arg1, %mul3A : i32
    "tpu.region"() ({
      %run_scoped3A = tpu.sem_alloc : memref<!tpu.dma_semaphore, #tpu.memory_space<semaphore_mem>>
      %dma_start3A = arith.constant 0 : i32
      %dma_start3A_33 = tpu.memref_slice %arg7[%mul3A_0, %dma_start3A] : memref<100096x32xbf16, #tpu.memory_space<vmem_shared>> -> memref<8x32xbf16, #tpu.memory_space<vmem_shared>>
      tpu.enqueue_dma source(%arg5 : memref<8x32xbf16, #tpu.memory_space<hbm>>) target(%dma_start3A_33 : memref<8x32xbf16, #tpu.memory_space<vmem_shared>>) target_semaphore(%run_scoped3A : memref<!tpu.dma_semaphore, #tpu.memory_space<semaphore_mem>>)
      %dma_wait3A = arith.constant 0 : i32
      %dma_wait3A_34 = tpu.memref_slice %arg7[%mul3A_0, %dma_wait3A] : memref<100096x32xbf16, #tpu.memory_space<vmem_shared>> -> memref<8x32xbf16, #tpu.memory_space<vmem_shared>>
      tpu.wait_dma2 semaphore(%run_scoped3A : memref<!tpu.dma_semaphore, #tpu.memory_space<semaphore_mem>>) src(%arg5 : memref<8x32xbf16, #tpu.memory_space<hbm>>) dst(%dma_wait3A_34 : memref<8x32xbf16, #tpu.memory_space<vmem_shared>>)
      tpu.yield
    }) : () -> ()
    %add3A = arith.constant 8 : i32
    %add3A_1 = arith.addi %mul3A_0, %add3A : i32
    "tpu.region"() ({
      %run_scoped3A = tpu.sem_alloc : memref<!tpu.dma_semaphore, #tpu.memory_space<semaphore_mem>>
      %dma_start3A = arith.constant 0 : i32
      %dma_start3A_33 = tpu.memref_slice %arg7[%add3A_1, %dma_start3A] : memref<100096x32xbf16, #tpu.memory_space<vmem_shared>> -> memref<8x32xbf16, #tpu.memory_space<vmem_shared>>
      %dma_start3A_34 = arith.constant 0 : i32
      %dma_start3A_35 = tpu.memref_slice %arg7[%mul3A_0, %dma_start3A_34] : memref<100096x32xbf16, #tpu.memory_space<vmem_shared>> -> memref<8x32xbf16, #tpu.memory_space<vmem_shared>>
      tpu.enqueue_dma source(%dma_start3A_35 : memref<8x32xbf16, #tpu.memory_space<vmem_shared>>) target(%dma_start3A_33 : memref<8x32xbf16, #tpu.memory_space<vmem_shared>>) target_semaphore(%run_scoped3A : memref<!tpu.dma_semaphore, #tpu.memory_space<semaphore_mem>>)
      %dma_wait3A = arith.constant 0 : i32
      %dma_wait3A_36 = tpu.memref_slice %arg7[%add3A_1, %dma_wait3A] : memref<100096x32xbf16, #tpu.memory_space<vmem_shared>> -> memref<8x32xbf16, #tpu.memory_space<vmem_shared>>
      %dma_wait3A_37 = arith.constant 0 : i32
      %dma_wait3A_38 = tpu.memref_slice %arg7[%mul3A_0, %dma_wait3A_37] : memref<100096x32xbf16, #tpu.memory_space<vmem_shared>> -> memref<8x32xbf16, #tpu.memory_space<vmem_shared>>
      tpu.wait_dma2 semaphore(%run_scoped3A : memref<!tpu.dma_semaphore, #tpu.memory_space<semaphore_mem>>) src(%dma_wait3A_38 : memref<8x32xbf16, #tpu.memory_space<vmem_shared>>) dst(%dma_wait3A_36 : memref<8x32xbf16, #tpu.memory_space<vmem_shared>>)
      tpu.yield
    }) : () -> ()
    %add3A_2 = arith.constant 16 : i32
    %add3A_3 = arith.addi %mul3A_0, %add3A_2 : i32
    "tpu.region"() ({
      %run_scoped3A = tpu.sem_alloc : memref<!tpu.dma_semaphore, #tpu.memory_space<semaphore_mem>>
      %dma_start3A = arith.constant 0 : i32
      %dma_start3A_33 = tpu.memref_slice %arg7[%add3A_3, %dma_start3A] : memref<100096x32xbf16, #tpu.memory_space<vmem_shared>> -> memref<16x32xbf16, #tpu.memory_space<vmem_shared>>
      %dma_start3A_34 = arith.constant 0 : i32
      %dma_start3A_35 = tpu.memref_slice %arg7[%mul3A_0, %dma_start3A_34] : memref<100096x32xbf16, #tpu.memory_space<vmem_shared>> -> memref<16x32xbf16, #tpu.memory_space<vmem_shared>>
      tpu.enqueue_dma source(%dma_start3A_35 : memref<16x32xbf16, #tpu.memory_space<vmem_shared>>) target(%dma_start3A_33 : memref<16x32xbf16, #tpu.memory_space<vmem_shared>>) target_semaphore(%run_scoped3A : memref<!tpu.dma_semaphore, #tpu.memory_space<semaphore_mem>>)
      %dma_wait3A = arith.constant 0 : i32
      %dma_wait3A_36 = tpu.memref_slice %arg7[%add3A_3, %dma_wait3A] : memref<100096x32xbf16, #tpu.memory_space<vmem_shared>> -> memref<16x32xbf16, #tpu.memory_space<vmem_shared>>
      %dma_wait3A_37 = arith.constant 0 : i32
      %dma_wait3A_38 = tpu.memref_slice %arg7[%mul3A_0, %dma_wait3A_37] : memref<100096x32xbf16, #tpu.memory_space<vmem_shared>> -> memref<16x32xbf16, #tpu.memory_space<vmem_shared>>
      tpu.wait_dma2 semaphore(%run_scoped3A : memref<!tpu.dma_semaphore, #tpu.memory_space<semaphore_mem>>) src(%dma_wait3A_38 : memref<16x32xbf16, #tpu.memory_space<vmem_shared>>) dst(%dma_wait3A_36 : memref<16x32xbf16, #tpu.memory_space<vmem_shared>>)
      tpu.yield
    }) : () -> ()
    %add3A_4 = arith.constant 32 : i32
    %add3A_5 = arith.addi %mul3A_0, %add3A_4 : i32
    "tpu.region"() ({
      %run_scoped3A = tpu.sem_alloc : memref<!tpu.dma_semaphore, #tpu.memory_space<semaphore_mem>>
      %dma_start3A = arith.constant 0 : i32
      %dma_start3A_33 = tpu.memref_slice %arg7[%add3A_5, %dma_start3A] : memref<100096x32xbf16, #tpu.memory_space<vmem_shared>> -> memref<32x32xbf16, #tpu.memory_space<vmem_shared>>
      %dma_start3A_34 = arith.constant 0 : i32
      %dma_start3A_35 = tpu.memref_slice %arg7[%mul3A_0, %dma_start3A_34] : memref<100096x32xbf16, #tpu.memory_space<vmem_shared>> -> memref<32x32xbf16, #tpu.memory_space<vmem_shared>>
      tpu.enqueue_dma source(%dma_start3A_35 : memref<32x32xbf16, #tpu.memory_space<vmem_shared>>) target(%dma_start3A_33 : memref<32x32xbf16, #tpu.memory_space<vmem_shared>>) target_semaphore(%run_scoped3A : memref<!tpu.dma_semaphore, #tpu.memory_space<semaphore_mem>>)
      %dma_wait3A = arith.constant 0 : i32
      %dma_wait3A_36 = tpu.memref_slice %arg7[%add3A_5, %dma_wait3A] : memref<100096x32xbf16, #tpu.memory_space<vmem_shared>> -> memref<32x32xbf16, #tpu.memory_space<vmem_shared>>
      %dma_wait3A_37 = arith.constant 0 : i32
      %dma_wait3A_38 = tpu.memref_slice %arg7[%mul3A_0, %dma_wait3A_37] : memref<100096x32xbf16, #tpu.memory_space<vmem_shared>> -> memref<32x32xbf16, #tpu.memory_space<vmem_shared>>
      tpu.wait_dma2 semaphore(%run_scoped3A : memref<!tpu.dma_semaphore, #tpu.memory_space<semaphore_mem>>) src(%dma_wait3A_38 : memref<32x32xbf16, #tpu.memory_space<vmem_shared>>) dst(%dma_wait3A_36 : memref<32x32xbf16, #tpu.memory_space<vmem_shared>>)
      tpu.yield
    }) : () -> ()
    %add3A_6 = arith.constant 64 : i32
    %add3A_7 = arith.addi %mul3A_0, %add3A_6 : i32
    "tpu.region"() ({
      %run_scoped3A = tpu.sem_alloc : memref<!tpu.dma_semaphore, #tpu.memory_space<semaphore_mem>>
      %dma_start3A = arith.constant 0 : i32
      %dma_start3A_33 = tpu.memref_slice %arg7[%add3A_7, %dma_start3A] : memref<100096x32xbf16, #tpu.memory_space<vmem_shared>> -> memref<64x32xbf16, #tpu.memory_space<vmem_shared>>
      %dma_start3A_34 = arith.constant 0 : i32
      %dma_start3A_35 = tpu.memref_slice %arg7[%mul3A_0, %dma_start3A_34] : memref<100096x32xbf16, #tpu.memory_space<vmem_shared>> -> memref<64x32xbf16, #tpu.memory_space<vmem_shared>>
      tpu.enqueue_dma source(%dma_start3A_35 : memref<64x32xbf16, #tpu.memory_space<vmem_shared>>) target(%dma_start3A_33 : memref<64x32xbf16, #tpu.memory_space<vmem_shared>>) target_semaphore(%run_scoped3A : memref<!tpu.dma_semaphore, #tpu.memory_space<semaphore_mem>>)
      %dma_wait3A = arith.constant 0 : i32
      %dma_wait3A_36 = tpu.memref_slice %arg7[%add3A_7, %dma_wait3A] : memref<100096x32xbf16, #tpu.memory_space<vmem_shared>> -> memref<64x32xbf16, #tpu.memory_space<vmem_shared>>
      %dma_wait3A_37 = arith.constant 0 : i32
      %dma_wait3A_38 = tpu.memref_slice %arg7[%mul3A_0, %dma_wait3A_37] : memref<100096x32xbf16, #tpu.memory_space<vmem_shared>> -> memref<64x32xbf16, #tpu.memory_space<vmem_shared>>
      tpu.wait_dma2 semaphore(%run_scoped3A : memref<!tpu.dma_semaphore, #tpu.memory_space<semaphore_mem>>) src(%dma_wait3A_38 : memref<64x32xbf16, #tpu.memory_space<vmem_shared>>) dst(%dma_wait3A_36 : memref<64x32xbf16, #tpu.memory_space<vmem_shared>>)
      tpu.yield
    }) : () -> ()
    %add3A_8 = arith.constant 128 : i32
    %add3A_9 = arith.addi %mul3A_0, %add3A_8 : i32
    "tpu.region"() ({
      %run_scoped3A = tpu.sem_alloc : memref<!tpu.dma_semaphore, #tpu.memory_space<semaphore_mem>>
      %dma_start3A = arith.constant 0 : i32
      %dma_start3A_33 = tpu.memref_slice %arg7[%add3A_9, %dma_start3A] : memref<100096x32xbf16, #tpu.memory_space<vmem_shared>> -> memref<128x32xbf16, #tpu.memory_space<vmem_shared>>
      %dma_start3A_34 = arith.constant 0 : i32
      %dma_start3A_35 = tpu.memref_slice %arg7[%mul3A_0, %dma_start3A_34] : memref<100096x32xbf16, #tpu.memory_space<vmem_shared>> -> memref<128x32xbf16, #tpu.memory_space<vmem_shared>>
      tpu.enqueue_dma source(%dma_start3A_35 : memref<128x32xbf16, #tpu.memory_space<vmem_shared>>) target(%dma_start3A_33 : memref<128x32xbf16, #tpu.memory_space<vmem_shared>>) target_semaphore(%run_scoped3A : memref<!tpu.dma_semaphore, #tpu.memory_space<semaphore_mem>>)
      %dma_wait3A = arith.constant 0 : i32
      %dma_wait3A_36 = tpu.memref_slice %arg7[%add3A_9, %dma_wait3A] : memref<100096x32xbf16, #tpu.memory_space<vmem_shared>> -> memref<128x32xbf16, #tpu.memory_space<vmem_shared>>
      %dma_wait3A_37 = arith.constant 0 : i32
      %dma_wait3A_38 = tpu.memref_slice %arg7[%mul3A_0, %dma_wait3A_37] : memref<100096x32xbf16, #tpu.memory_space<vmem_shared>> -> memref<128x32xbf16, #tpu.memory_space<vmem_shared>>
      tpu.wait_dma2 semaphore(%run_scoped3A : memref<!tpu.dma_semaphore, #tpu.memory_space<semaphore_mem>>) src(%dma_wait3A_38 : memref<128x32xbf16, #tpu.memory_space<vmem_shared>>) dst(%dma_wait3A_36 : memref<128x32xbf16, #tpu.memory_space<vmem_shared>>)
      tpu.yield
    }) : () -> ()
    %add3A_10 = arith.constant 256 : i32
    %add3A_11 = arith.addi %mul3A_0, %add3A_10 : i32
    "tpu.region"() ({
      %run_scoped3A = tpu.sem_alloc : memref<!tpu.dma_semaphore, #tpu.memory_space<semaphore_mem>>
      %dma_start3A = arith.constant 0 : i32
      %dma_start3A_33 = tpu.memref_slice %arg7[%add3A_11, %dma_start3A] : memref<100096x32xbf16, #tpu.memory_space<vmem_shared>> -> memref<256x32xbf16, #tpu.memory_space<vmem_shared>>
      %dma_start3A_34 = arith.constant 0 : i32
      %dma_start3A_35 = tpu.memref_slice %arg7[%mul3A_0, %dma_start3A_34] : memref<100096x32xbf16, #tpu.memory_space<vmem_shared>> -> memref<256x32xbf16, #tpu.memory_space<vmem_shared>>
      tpu.enqueue_dma source(%dma_start3A_35 : memref<256x32xbf16, #tpu.memory_space<vmem_shared>>) target(%dma_start3A_33 : memref<256x32xbf16, #tpu.memory_space<vmem_shared>>) target_semaphore(%run_scoped3A : memref<!tpu.dma_semaphore, #tpu.memory_space<semaphore_mem>>)
      %dma_wait3A = arith.constant 0 : i32
      %dma_wait3A_36 = tpu.memref_slice %arg7[%add3A_11, %dma_wait3A] : memref<100096x32xbf16, #tpu.memory_space<vmem_shared>> -> memref<256x32xbf16, #tpu.memory_space<vmem_shared>>
      %dma_wait3A_37 = arith.constant 0 : i32
      %dma_wait3A_38 = tpu.memref_slice %arg7[%mul3A_0, %dma_wait3A_37] : memref<100096x32xbf16, #tpu.memory_space<vmem_shared>> -> memref<256x32xbf16, #tpu.memory_space<vmem_shared>>
      tpu.wait_dma2 semaphore(%run_scoped3A : memref<!tpu.dma_semaphore, #tpu.memory_space<semaphore_mem>>) src(%dma_wait3A_38 : memref<256x32xbf16, #tpu.memory_space<vmem_shared>>) dst(%dma_wait3A_36 : memref<256x32xbf16, #tpu.memory_space<vmem_shared>>)
      tpu.yield
    }) : () -> ()
    %add3A_12 = arith.constant 512 : i32
    %add3A_13 = arith.addi %mul3A_0, %add3A_12 : i32
    "tpu.region"() ({
      %run_scoped3A = tpu.sem_alloc : memref<!tpu.dma_semaphore, #tpu.memory_space<semaphore_mem>>
      %dma_start3A = arith.constant 0 : i32
      %dma_start3A_33 = tpu.memref_slice %arg7[%add3A_13, %dma_start3A] : memref<100096x32xbf16, #tpu.memory_space<vmem_shared>> -> memref<512x32xbf16, #tpu.memory_space<vmem_shared>>
      %dma_start3A_34 = arith.constant 0 : i32
      %dma_start3A_35 = tpu.memref_slice %arg7[%mul3A_0, %dma_start3A_34] : memref<100096x32xbf16, #tpu.memory_space<vmem_shared>> -> memref<512x32xbf16, #tpu.memory_space<vmem_shared>>
      tpu.enqueue_dma source(%dma_start3A_35 : memref<512x32xbf16, #tpu.memory_space<vmem_shared>>) target(%dma_start3A_33 : memref<512x32xbf16, #tpu.memory_space<vmem_shared>>) target_semaphore(%run_scoped3A : memref<!tpu.dma_semaphore, #tpu.memory_space<semaphore_mem>>)
      %dma_wait3A = arith.constant 0 : i32
      %dma_wait3A_36 = tpu.memref_slice %arg7[%add3A_13, %dma_wait3A] : memref<100096x32xbf16, #tpu.memory_space<vmem_shared>> -> memref<512x32xbf16, #tpu.memory_space<vmem_shared>>
      %dma_wait3A_37 = arith.constant 0 : i32
      %dma_wait3A_38 = tpu.memref_slice %arg7[%mul3A_0, %dma_wait3A_37] : memref<100096x32xbf16, #tpu.memory_space<vmem_shared>> -> memref<512x32xbf16, #tpu.memory_space<vmem_shared>>
      tpu.wait_dma2 semaphore(%run_scoped3A : memref<!tpu.dma_semaphore, #tpu.memory_space<semaphore_mem>>) src(%dma_wait3A_38 : memref<512x32xbf16, #tpu.memory_space<vmem_shared>>) dst(%dma_wait3A_36 : memref<512x32xbf16, #tpu.memory_space<vmem_shared>>)
      tpu.yield
    }) : () -> ()
    %add3A_14 = arith.constant 1024 : i32
    %add3A_15 = arith.addi %mul3A_0, %add3A_14 : i32
    "tpu.region"() ({
      %run_scoped3A = tpu.sem_alloc : memref<!tpu.dma_semaphore, #tpu.memory_space<semaphore_mem>>
      %dma_start3A = arith.constant 0 : i32
      %dma_start3A_33 = tpu.memref_slice %arg7[%add3A_15, %dma_start3A] : memref<100096x32xbf16, #tpu.memory_space<vmem_shared>> -> memref<1024x32xbf16, #tpu.memory_space<vmem_shared>>
      %dma_start3A_34 = arith.constant 0 : i32
      %dma_start3A_35 = tpu.memref_slice %arg7[%mul3A_0, %dma_start3A_34] : memref<100096x32xbf16, #tpu.memory_space<vmem_shared>> -> memref<1024x32xbf16, #tpu.memory_space<vmem_shared>>
      tpu.enqueue_dma source(%dma_start3A_35 : memref<1024x32xbf16, #tpu.memory_space<vmem_shared>>) target(%dma_start3A_33 : memref<1024x32xbf16, #tpu.memory_space<vmem_shared>>) target_semaphore(%run_scoped3A : memref<!tpu.dma_semaphore, #tpu.memory_space<semaphore_mem>>)
      %dma_wait3A = arith.constant 0 : i32
      %dma_wait3A_36 = tpu.memref_slice %arg7[%add3A_15, %dma_wait3A] : memref<100096x32xbf16, #tpu.memory_space<vmem_shared>> -> memref<1024x32xbf16, #tpu.memory_space<vmem_shared>>
      %dma_wait3A_37 = arith.constant 0 : i32
      %dma_wait3A_38 = tpu.memref_slice %arg7[%mul3A_0, %dma_wait3A_37] : memref<100096x32xbf16, #tpu.memory_space<vmem_shared>> -> memref<1024x32xbf16, #tpu.memory_space<vmem_shared>>
      tpu.wait_dma2 semaphore(%run_scoped3A : memref<!tpu.dma_semaphore, #tpu.memory_space<semaphore_mem>>) src(%dma_wait3A_38 : memref<1024x32xbf16, #tpu.memory_space<vmem_shared>>) dst(%dma_wait3A_36 : memref<1024x32xbf16, #tpu.memory_space<vmem_shared>>)
      tpu.yield
    }) : () -> ()
    %add3A_16 = arith.constant 2048 : i32
    %add3A_17 = arith.addi %mul3A_0, %add3A_16 : i32
    "tpu.region"() ({
      %run_scoped3A = tpu.sem_alloc : memref<!tpu.dma_semaphore, #tpu.memory_space<semaphore_mem>>
      %dma_start3A = arith.constant 0 : i32
      %dma_start3A_33 = tpu.memref_slice %arg7[%add3A_17, %dma_start3A] : memref<100096x32xbf16, #tpu.memory_space<vmem_shared>> -> memref<2048x32xbf16, #tpu.memory_space<vmem_shared>>
      %dma_start3A_34 = arith.constant 0 : i32
      %dma_start3A_35 = tpu.memref_slice %arg7[%mul3A_0, %dma_start3A_34] : memref<100096x32xbf16, #tpu.memory_space<vmem_shared>> -> memref<2048x32xbf16, #tpu.memory_space<vmem_shared>>
      tpu.enqueue_dma source(%dma_start3A_35 : memref<2048x32xbf16, #tpu.memory_space<vmem_shared>>) target(%dma_start3A_33 : memref<2048x32xbf16, #tpu.memory_space<vmem_shared>>) target_semaphore(%run_scoped3A : memref<!tpu.dma_semaphore, #tpu.memory_space<semaphore_mem>>)
      %dma_wait3A = arith.constant 0 : i32
      %dma_wait3A_36 = tpu.memref_slice %arg7[%add3A_17, %dma_wait3A] : memref<100096x32xbf16, #tpu.memory_space<vmem_shared>> -> memref<2048x32xbf16, #tpu.memory_space<vmem_shared>>
      %dma_wait3A_37 = arith.constant 0 : i32
      %dma_wait3A_38 = tpu.memref_slice %arg7[%mul3A_0, %dma_wait3A_37] : memref<100096x32xbf16, #tpu.memory_space<vmem_shared>> -> memref<2048x32xbf16, #tpu.memory_space<vmem_shared>>
      tpu.wait_dma2 semaphore(%run_scoped3A : memref<!tpu.dma_semaphore, #tpu.memory_space<semaphore_mem>>) src(%dma_wait3A_38 : memref<2048x32xbf16, #tpu.memory_space<vmem_shared>>) dst(%dma_wait3A_36 : memref<2048x32xbf16, #tpu.memory_space<vmem_shared>>)
      tpu.yield
    }) : () -> ()
    %add3A_18 = arith.constant 4096 : i32
    %add3A_19 = arith.addi %mul3A_0, %add3A_18 : i32
    "tpu.region"() ({
      %run_scoped3A = tpu.sem_alloc : memref<!tpu.dma_semaphore, #tpu.memory_space<semaphore_mem>>
      %dma_start3A = arith.constant 0 : i32
      %dma_start3A_33 = tpu.memref_slice %arg7[%add3A_19, %dma_start3A] : memref<100096x32xbf16, #tpu.memory_space<vmem_shared>> -> memref<2160x32xbf16, #tpu.memory_space<vmem_shared>>
      %dma_start3A_34 = arith.constant 0 : i32
      %dma_start3A_35 = tpu.memref_slice %arg7[%mul3A_0, %dma_start3A_34] : memref<100096x32xbf16, #tpu.memory_space<vmem_shared>> -> memref<2160x32xbf16, #tpu.memory_space<vmem_shared>>
      tpu.enqueue_dma source(%dma_start3A_35 : memref<2160x32xbf16, #tpu.memory_space<vmem_shared>>) target(%dma_start3A_33 : memref<2160x32xbf16, #tpu.memory_space<vmem_shared>>) target_semaphore(%run_scoped3A : memref<!tpu.dma_semaphore, #tpu.memory_space<semaphore_mem>>)
      %dma_wait3A = arith.constant 0 : i32
      %dma_wait3A_36 = tpu.memref_slice %arg7[%add3A_19, %dma_wait3A] : memref<100096x32xbf16, #tpu.memory_space<vmem_shared>> -> memref<2160x32xbf16, #tpu.memory_space<vmem_shared>>
      %dma_wait3A_37 = arith.constant 0 : i32
      %dma_wait3A_38 = tpu.memref_slice %arg7[%mul3A_0, %dma_wait3A_37] : memref<100096x32xbf16, #tpu.memory_space<vmem_shared>> -> memref<2160x32xbf16, #tpu.memory_space<vmem_shared>>
      tpu.wait_dma2 semaphore(%run_scoped3A : memref<!tpu.dma_semaphore, #tpu.memory_space<semaphore_mem>>) src(%dma_wait3A_38 : memref<2160x32xbf16, #tpu.memory_space<vmem_shared>>) dst(%dma_wait3A_36 : memref<2160x32xbf16, #tpu.memory_space<vmem_shared>>)
      tpu.yield
    }) : () -> ()
    %barrier3A = arith.constant 0 : index
    tpu.barrier barrier_id(%barrier3A)
    %mul3A_20 = arith.constant 528 : i32
    %mul3A_21 = arith.muli %arg1, %mul3A_20 : i32
    %scan3A = arith.constant 0 : i32
    %scan3A_22 = arith.constant 22 : i32
    %scan3A_23 = arith.addi %scan3A, %scan3A_22 : i32
    %scan3A_24 = arith.constant 1 : i32
    scf.for %scan3A_33 = %scan3A to %scan3A_23 step %scan3A_24  : i32 {
      %mul3A_34 = arith.constant 1 : i32
      %mul3A_35 = arith.muli %scan3A_33, %mul3A_34 : i32
      %add3A_36 = arith.constant 0 : i32
      %add3A_37 = arith.addi %add3A_36, %mul3A_35 : i32
      %mul3A_38 = arith.constant 24 : i32
      %mul3A_39 = arith.muli %add3A_37, %mul3A_38 : i32
      %add3A_40 = arith.addi %mul3A_21, %mul3A_39 : i32
      "tpu.region"() ({
        %run_scoped3A = tpu.sem_alloc : memref<!tpu.dma_semaphore, #tpu.memory_space<semaphore_mem>>
        %dma_start3A_1479 = arith.constant 0 : i32
        %dma_start3A_1480 = tpu.memref_slice %arg3[%arg0, %add3A_40, %dma_start3A_1479] : memref<2x8448x128xi32, #tpu.memory_space<hbm>> -> memref<1x24x128xi32, #tpu.memory_space<hbm>>
        %dma_start3A_1481 = tpu.memref_squeeze %dma_start3A_1480 : memref<1x24x128xi32, #tpu.memory_space<hbm>> -> memref<24x128xi32, #tpu.memory_space<hbm>>
        %dma_start3A_1482 = arith.constant 0 : i32
        %dma_start3A_1483 = tpu.memref_slice %arg3[%arg0, %add3A_40, %dma_start3A_1482] : memref<2x8448x128xi32, #tpu.memory_space<hbm>> -> memref<1x24x128xi32, #tpu.memory_space<hbm>>
        %dma_start3A_1484 = tpu.memref_squeeze %dma_start3A_1483 : memref<1x24x128xi32, #tpu.memory_space<hbm>> -> memref<24x128xi32, #tpu.memory_space<hbm>>
        tpu.enqueue_dma source(%dma_start3A_1484 : memref<24x128xi32, #tpu.memory_space<hbm>>) target(%arg8 : memref<24x128xi32, #tpu.memory_space<vmem>>) target_semaphore(%run_scoped3A : memref<!tpu.dma_semaphore, #tpu.memory_space<semaphore_mem>>)
        %dma_wait3A_1485 = arith.constant 0 : i32
        %dma_wait3A_1486 = tpu.memref_slice %arg3[%arg0, %add3A_40, %dma_wait3A_1485] : memref<2x8448x128xi32, #tpu.memory_space<hbm>> -> memref<1x24x128xi32, #tpu.memory_space<hbm>>
        %dma_wait3A_1487 = tpu.memref_squeeze %dma_wait3A_1486 : memref<1x24x128xi32, #tpu.memory_space<hbm>> -> memref<24x128xi32, #tpu.memory_space<hbm>>
        %dma_wait3A_1488 = arith.constant 0 : i32
        %dma_wait3A_1489 = tpu.memref_slice %arg3[%arg0, %add3A_40, %dma_wait3A_1488] : memref<2x8448x128xi32, #tpu.memory_space<hbm>> -> memref<1x24x128xi32, #tpu.memory_space<hbm>>
        %dma_wait3A_1490 = tpu.memref_squeeze %dma_wait3A_1489 : memref<1x24x128xi32, #tpu.memory_space<hbm>> -> memref<24x128xi32, #tpu.memory_space<hbm>>
        tpu.wait_dma2 semaphore(%run_scoped3A : memref<!tpu.dma_semaphore, #tpu.memory_space<semaphore_mem>>) src(%dma_wait3A_1490 : memref<24x128xi32, #tpu.memory_space<hbm>>) dst(%arg8 : memref<24x128xi32, #tpu.memory_space<vmem>>)
        tpu.yield
      }) : () -> ()
      "tpu.region"() ({
        %run_scoped3A = tpu.sem_alloc : memref<!tpu.dma_semaphore, #tpu.memory_space<semaphore_mem>>
        %dma_start3A_1479 = arith.constant 0 : i32
        %dma_start3A_1480 = tpu.memref_slice %arg4[%add3A_40, %dma_start3A_1479] : memref<8448x128xi32, #tpu.memory_space<hbm>> -> memref<24x128xi32, #tpu.memory_space<hbm>>
        %dma_start3A_1481 = arith.constant 0 : i32
        %dma_start3A_1482 = tpu.memref_slice %arg4[%add3A_40, %dma_start3A_1481] : memref<8448x128xi32, #tpu.memory_space<hbm>> -> memref<24x128xi32, #tpu.memory_space<hbm>>
        tpu.enqueue_dma source(%dma_start3A_1482 : memref<24x128xi32, #tpu.memory_space<hbm>>) target(%arg9 : memref<24x128xi32, #tpu.memory_space<vmem>>) target_semaphore(%run_scoped3A : memref<!tpu.dma_semaphore, #tpu.memory_space<semaphore_mem>>)
        %dma_wait3A_1483 = arith.constant 0 : i32
        %dma_wait3A_1484 = tpu.memref_slice %arg4[%add3A_40, %dma_wait3A_1483] : memref<8448x128xi32, #tpu.memory_space<hbm>> -> memref<24x128xi32, #tpu.memory_space<hbm>>
        %dma_wait3A_1485 = arith.constant 0 : i32
        %dma_wait3A_1486 = tpu.memref_slice %arg4[%add3A_40, %dma_wait3A_1485] : memref<8448x128xi32, #tpu.memory_space<hbm>> -> memref<24x128xi32, #tpu.memory_space<hbm>>
        tpu.wait_dma2 semaphore(%run_scoped3A : memref<!tpu.dma_semaphore, #tpu.memory_space<semaphore_mem>>) src(%dma_wait3A_1486 : memref<24x128xi32, #tpu.memory_space<hbm>>) dst(%arg9 : memref<24x128xi32, #tpu.memory_space<vmem>>)
        tpu.yield
      }) : () -> ()
      %dma_start3A = arith.constant 0 : i32
      %dma_start3A_41 = arith.constant 0 : i32
      %dma_start3A_42 = arith.constant 0 : i32
      %dma_start3A_43 = arith.constant 0 : i32
      %dma_start3A_44 = arith.constant 0 : i32
      %dma_start3A_45 = tpu.memref_slice %arg10[%dma_start3A_41, %dma_start3A_43, %dma_start3A_44] : memref<4x128x32xbf16, #tpu.memory_space<vmem>> -> memref<1x128x32xbf16, #tpu.memory_space<vmem>>
      %dma_start3A_46 = tpu.memref_squeeze %dma_start3A_45 : memref<1x128x32xbf16, #tpu.memory_space<vmem>> -> memref<128x32xbf16, #tpu.memory_space<vmem>>
      %dma_start3A_47 = arith.constant 0 : i32
      %dma_start3A_48 = tpu.memref_slice %arg8[%dma_start3A, %dma_start3A_47] : memref<24x128xi32, #tpu.memory_space<vmem>> -> memref<1x128xi32, #tpu.memory_space<vmem>>
      %dma_start3A_49 = tpu.memref_squeeze %dma_start3A_48 : memref<1x128xi32, #tpu.memory_space<vmem>> -> memref<128xi32, #tpu.memory_space<vmem>>
      %dma_start3A_50 = arith.constant 0 : i32
      %dma_start3A_51 = arith.constant 0 : i32
      %dma_start3A_52 = tpu.memref_slice %arg2[%dma_start3A_50, %dma_start3A_51] : memref<5600000x32xbf16, #tpu.memory_space<hbm>> -> memref<5600000x32xbf16, #tpu.memory_space<hbm>>
      %dma_start3A_53 = tpu.memref_slice %arg11[%dma_start3A_42] : memref<4x!tpu.dma_semaphore, #tpu.memory_space<semaphore_mem>> -> memref<1x!tpu.dma_semaphore, #tpu.memory_space<semaphore_mem>>
      %dma_start3A_54 = tpu.memref_squeeze %dma_start3A_53 : memref<1x!tpu.dma_semaphore, #tpu.memory_space<semaphore_mem>> -> memref<!tpu.dma_semaphore, #tpu.memory_space<semaphore_mem>>
      tpu.enqueue_indirect_dma source(%dma_start3A_52 : memref<5600000x32xbf16, #tpu.memory_space<hbm>>) target(%dma_start3A_46 : memref<128x32xbf16, #tpu.memory_space<vmem>>) offsets(%dma_start3A_49 : memref<128xi32, #tpu.memory_space<vmem>>) semaphore(%dma_start3A_54 : memref<!tpu.dma_semaphore, #tpu.memory_space<semaphore_mem>>)
      %dma_start3A_55 = arith.constant 1 : i32
      %dma_start3A_56 = arith.constant 1 : i32
      %dma_start3A_57 = arith.constant 1 : i32
      %dma_start3A_58 = arith.constant 0 : i32
      %dma_start3A_59 = arith.constant 0 : i32
      %dma_start3A_60 = tpu.memref_slice %arg10[%dma_start3A_56, %dma_start3A_58, %dma_start3A_59] : memref<4x128x32xbf16, #tpu.memory_space<vmem>> -> memref<1x128x32xbf16, #tpu.memory_space<vmem>>
      %dma_start3A_61 = tpu.memref_squeeze %dma_start3A_60 : memref<1x128x32xbf16, #tpu.memory_space<vmem>> -> memref<128x32xbf16, #tpu.memory_space<vmem>>
      %dma_start3A_62 = arith.constant 0 : i32
      %dma_start3A_63 = tpu.memref_slice %arg8[%dma_start3A_55, %dma_start3A_62] : memref<24x128xi32, #tpu.memory_space<vmem>> -> memref<1x128xi32, #tpu.memory_space<vmem>>
      %dma_start3A_64 = tpu.memref_squeeze %dma_start3A_63 : memref<1x128xi32, #tpu.memory_space<vmem>> -> memref<128xi32, #tpu.memory_space<vmem>>
      %dma_start3A_65 = arith.constant 0 : i32
      %dma_start3A_66 = arith.constant 0 : i32
      %dma_start3A_67 = tpu.memref_slice %arg2[%dma_start3A_65, %dma_start3A_66] : memref<5600000x32xbf16, #tpu.memory_space<hbm>> -> memref<5600000x32xbf16, #tpu.memory_space<hbm>>
      %dma_start3A_68 = tpu.memref_slice %arg11[%dma_start3A_57] : memref<4x!tpu.dma_semaphore, #tpu.memory_space<semaphore_mem>> -> memref<1x!tpu.dma_semaphore, #tpu.memory_space<semaphore_mem>>
      %dma_start3A_69 = tpu.memref_squeeze %dma_start3A_68 : memref<1x!tpu.dma_semaphore, #tpu.memory_space<semaphore_mem>> -> memref<!tpu.dma_semaphore, #tpu.memory_space<semaphore_mem>>
      tpu.enqueue_indirect_dma source(%dma_start3A_67 : memref<5600000x32xbf16, #tpu.memory_space<hbm>>) target(%dma_start3A_61 : memref<128x32xbf16, #tpu.memory_space<vmem>>) offsets(%dma_start3A_64 : memref<128xi32, #tpu.memory_space<vmem>>) semaphore(%dma_start3A_69 : memref<!tpu.dma_semaphore, #tpu.memory_space<semaphore_mem>>)
      %dma_start3A_70 = arith.constant 2 : i32
      %dma_start3A_71 = arith.constant 2 : i32
      %dma_start3A_72 = arith.constant 2 : i32
      %dma_start3A_73 = arith.constant 0 : i32
      %dma_start3A_74 = arith.constant 0 : i32
      %dma_start3A_75 = tpu.memref_slice %arg10[%dma_start3A_71, %dma_start3A_73, %dma_start3A_74] : memref<4x128x32xbf16, #tpu.memory_space<vmem>> -> memref<1x128x32xbf16, #tpu.memory_space<vmem>>
      %dma_start3A_76 = tpu.memref_squeeze %dma_start3A_75 : memref<1x128x32xbf16, #tpu.memory_space<vmem>> -> memref<128x32xbf16, #tpu.memory_space<vmem>>
      %dma_start3A_77 = arith.constant 0 : i32
      %dma_start3A_78 = tpu.memref_slice %arg8[%dma_start3A_70, %dma_start3A_77] : memref<24x128xi32, #tpu.memory_space<vmem>> -> memref<1x128xi32, #tpu.memory_space<vmem>>
      %dma_start3A_79 = tpu.memref_squeeze %dma_start3A_78 : memref<1x128xi32, #tpu.memory_space<vmem>> -> memref<128xi32, #tpu.memory_space<vmem>>
      %dma_start3A_80 = arith.constant 0 : i32
      %dma_start3A_81 = arith.constant 0 : i32
      %dma_start3A_82 = tpu.memref_slice %arg2[%dma_start3A_80, %dma_start3A_81] : memref<5600000x32xbf16, #tpu.memory_space<hbm>> -> memref<5600000x32xbf16, #tpu.memory_space<hbm>>
      %dma_start3A_83 = tpu.memref_slice %arg11[%dma_start3A_72] : memref<4x!tpu.dma_semaphore, #tpu.memory_space<semaphore_mem>> -> memref<1x!tpu.dma_semaphore, #tpu.memory_space<semaphore_mem>>
      %dma_start3A_84 = tpu.memref_squeeze %dma_start3A_83 : memref<1x!tpu.dma_semaphore, #tpu.memory_space<semaphore_mem>> -> memref<!tpu.dma_semaphore, #tpu.memory_space<semaphore_mem>>
      tpu.enqueue_indirect_dma source(%dma_start3A_82 : memref<5600000x32xbf16, #tpu.memory_space<hbm>>) target(%dma_start3A_76 : memref<128x32xbf16, #tpu.memory_space<vmem>>) offsets(%dma_start3A_79 : memref<128xi32, #tpu.memory_space<vmem>>) semaphore(%dma_start3A_84 : memref<!tpu.dma_semaphore, #tpu.memory_space<semaphore_mem>>)
      %dma_wait3A = arith.constant 0 : i32
      %dma_wait3A_85 = arith.constant 0 : i32
      %dma_wait3A_86 = arith.constant 0 : i32
      %dma_wait3A_87 = arith.constant 0 : i32
      %dma_wait3A_88 = arith.constant 0 : i32
      %dma_wait3A_89 = tpu.memref_slice %arg10[%dma_wait3A_85, %dma_wait3A_87, %dma_wait3A_88] : memref<4x128x32xbf16, #tpu.memory_space<vmem>> -> memref<1x128x32xbf16, #tpu.memory_space<vmem>>
      %dma_wait3A_90 = tpu.memref_squeeze %dma_wait3A_89 : memref<1x128x32xbf16, #tpu.memory_space<vmem>> -> memref<128x32xbf16, #tpu.memory_space<vmem>>
      %dma_wait3A_91 = arith.constant 0 : i32
      %dma_wait3A_92 = tpu.memref_slice %arg8[%dma_wait3A, %dma_wait3A_91] : memref<24x128xi32, #tpu.memory_space<vmem>> -> memref<1x128xi32, #tpu.memory_space<vmem>>
      %dma_wait3A_93 = tpu.memref_squeeze %dma_wait3A_92 : memref<1x128xi32, #tpu.memory_space<vmem>> -> memref<128xi32, #tpu.memory_space<vmem>>
      %dma_wait3A_94 = arith.constant 0 : i32
      %dma_wait3A_95 = arith.constant 0 : i32
      %dma_wait3A_96 = tpu.memref_slice %arg2[%dma_wait3A_94, %dma_wait3A_95] : memref<5600000x32xbf16, #tpu.memory_space<hbm>> -> memref<5600000x32xbf16, #tpu.memory_space<hbm>>
      %dma_wait3A_97 = tpu.memref_slice %arg11[%dma_wait3A_86] : memref<4x!tpu.dma_semaphore, #tpu.memory_space<semaphore_mem>> -> memref<1x!tpu.dma_semaphore, #tpu.memory_space<semaphore_mem>>
      %dma_wait3A_98 = tpu.memref_squeeze %dma_wait3A_97 : memref<1x!tpu.dma_semaphore, #tpu.memory_space<semaphore_mem>> -> memref<!tpu.dma_semaphore, #tpu.memory_space<semaphore_mem>>
      tpu.wait_indirect_dma semaphore(%dma_wait3A_98 : memref<!tpu.dma_semaphore, #tpu.memory_space<semaphore_mem>>) src(%dma_wait3A_96 : memref<5600000x32xbf16, #tpu.memory_space<hbm>>) dst(%dma_wait3A_90 : memref<128x32xbf16, #tpu.memory_space<vmem>>)
      %dma_start3A_99 = arith.constant 0 : i32
      %dma_start3A_100 = arith.constant 0 : i32
      %dma_start3A_101 = arith.constant 0 : i32
      %dma_start3A_102 = arith.constant 0 : i32
      %dma_start3A_103 = arith.constant 0 : i32
      %dma_start3A_104 = tpu.memref_slice %arg10[%dma_start3A_99, %dma_start3A_102, %dma_start3A_103] : memref<4x128x32xbf16, #tpu.memory_space<vmem>> -> memref<1x128x32xbf16, #tpu.memory_space<vmem>>
      %dma_start3A_105 = tpu.memref_squeeze %dma_start3A_104 : memref<1x128x32xbf16, #tpu.memory_space<vmem>> -> memref<128x32xbf16, #tpu.memory_space<vmem>>
      %dma_start3A_106 = arith.constant 0 : i32
      %dma_start3A_107 = tpu.memref_slice %arg9[%dma_start3A_100, %dma_start3A_106] : memref<24x128xi32, #tpu.memory_space<vmem>> -> memref<1x128xi32, #tpu.memory_space<vmem>>
      %dma_start3A_108 = tpu.memref_squeeze %dma_start3A_107 : memref<1x128xi32, #tpu.memory_space<vmem>> -> memref<128xi32, #tpu.memory_space<vmem>>
      %dma_start3A_109 = arith.constant 0 : i32
      %dma_start3A_110 = arith.constant 0 : i32
      %dma_start3A_111 = tpu.memref_slice %arg7[%dma_start3A_109, %dma_start3A_110] : memref<100096x32xbf16, #tpu.memory_space<vmem_shared>> -> memref<100096x32xbf16, #tpu.memory_space<vmem_shared>>
      %dma_start3A_112 = tpu.memref_slice %arg12[%dma_start3A_101] : memref<4x!tpu.dma_semaphore, #tpu.memory_space<semaphore_mem>> -> memref<1x!tpu.dma_semaphore, #tpu.memory_space<semaphore_mem>>
      %dma_start3A_113 = tpu.memref_squeeze %dma_start3A_112 : memref<1x!tpu.dma_semaphore, #tpu.memory_space<semaphore_mem>> -> memref<!tpu.dma_semaphore, #tpu.memory_space<semaphore_mem>>
      tpu.enqueue_indirect_dma source(%dma_start3A_105 : memref<128x32xbf16, #tpu.memory_space<vmem>>) target(%dma_start3A_111 : memref<100096x32xbf16, #tpu.memory_space<vmem_shared>>) offsets(%dma_start3A_108 : memref<128xi32, #tpu.memory_space<vmem>>) semaphore(%dma_start3A_113 : memref<!tpu.dma_semaphore, #tpu.memory_space<semaphore_mem>>) {add = true}
      %dma_start3A_114 = arith.constant 3 : i32
      %dma_start3A_115 = arith.constant 3 : i32
      %dma_start3A_116 = arith.constant 3 : i32
      %dma_start3A_117 = arith.constant 0 : i32
      %dma_start3A_118 = arith.constant 0 : i32
      %dma_start3A_119 = tpu.memref_slice %arg10[%dma_start3A_115, %dma_start3A_117, %dma_start3A_118] : memref<4x128x32xbf16, #tpu.memory_space<vmem>> -> memref<1x128x32xbf16, #tpu.memory_space<vmem>>
      %dma_start3A_120 = tpu.memref_squeeze %dma_start3A_119 : memref<1x128x32xbf16, #tpu.memory_space<vmem>> -> memref<128x32xbf16, #tpu.memory_space<vmem>>
      %dma_start3A_121 = arith.constant 0 : i32
      %dma_start3A_122 = tpu.memref_slice %arg8[%dma_start3A_114, %dma_start3A_121] : memref<24x128xi32, #tpu.memory_space<vmem>> -> memref<1x128xi32, #tpu.memory_space<vmem>>
      %dma_start3A_123 = tpu.memref_squeeze %dma_start3A_122 : memref<1x128xi32, #tpu.memory_space<vmem>> -> memref<128xi32, #tpu.memory_space<vmem>>
      %dma_start3A_124 = arith.constant 0 : i32
      %dma_start3A_125 = arith.constant 0 : i32
      %dma_start3A_126 = tpu.memref_slice %arg2[%dma_start3A_124, %dma_start3A_125] : memref<5600000x32xbf16, #tpu.memory_space<hbm>> -> memref<5600000x32xbf16, #tpu.memory_space<hbm>>
      %dma_start3A_127 = tpu.memref_slice %arg11[%dma_start3A_116] : memref<4x!tpu.dma_semaphore, #tpu.memory_space<semaphore_mem>> -> memref<1x!tpu.dma_semaphore, #tpu.memory_space<semaphore_mem>>
      %dma_start3A_128 = tpu.memref_squeeze %dma_start3A_127 : memref<1x!tpu.dma_semaphore, #tpu.memory_space<semaphore_mem>> -> memref<!tpu.dma_semaphore, #tpu.memory_space<semaphore_mem>>
      tpu.enqueue_indirect_dma source(%dma_start3A_126 : memref<5600000x32xbf16, #tpu.memory_space<hbm>>) target(%dma_start3A_120 : memref<128x32xbf16, #tpu.memory_space<vmem>>) offsets(%dma_start3A_123 : memref<128xi32, #tpu.memory_space<vmem>>) semaphore(%dma_start3A_128 : memref<!tpu.dma_semaphore, #tpu.memory_space<semaphore_mem>>)
      %dma_wait3A_129 = arith.constant 1 : i32
      %dma_wait3A_130 = arith.constant 1 : i32
      %dma_wait3A_131 = arith.constant 1 : i32
      %dma_wait3A_132 = arith.constant 0 : i32
      %dma_wait3A_133 = arith.constant 0 : i32
      %dma_wait3A_134 = tpu.memref_slice %arg10[%dma_wait3A_130, %dma_wait3A_132, %dma_wait3A_133] : memref<4x128x32xbf16, #tpu.memory_space<vmem>> -> memref<1x128x32xbf16, #tpu.memory_space<vmem>>
      %dma_wait3A_135 = tpu.memref_squeeze %dma_wait3A_134 : memref<1x128x32xbf16, #tpu.memory_space<vmem>> -> memref<128x32xbf16, #tpu.memory_space<vmem>>
      %dma_wait3A_136 = arith.constant 0 : i32
      %dma_wait3A_137 = tpu.memref_slice %arg8[%dma_wait3A_129, %dma_wait3A_136] : memref<24x128xi32, #tpu.memory_space<vmem>> -> memref<1x128xi32, #tpu.memory_space<vmem>>
      %dma_wait3A_138 = tpu.memref_squeeze %dma_wait3A_137 : memref<1x128xi32, #tpu.memory_space<vmem>> -> memref<128xi32, #tpu.memory_space<vmem>>
      %dma_wait3A_139 = arith.constant 0 : i32
      %dma_wait3A_140 = arith.constant 0 : i32
      %dma_wait3A_141 = tpu.memref_slice %arg2[%dma_wait3A_139, %dma_wait3A_140] : memref<5600000x32xbf16, #tpu.memory_space<hbm>> -> memref<5600000x32xbf16, #tpu.memory_space<hbm>>
      %dma_wait3A_142 = tpu.memref_slice %arg11[%dma_wait3A_131] : memref<4x!tpu.dma_semaphore, #tpu.memory_space<semaphore_mem>> -> memref<1x!tpu.dma_semaphore, #tpu.memory_space<semaphore_mem>>
      %dma_wait3A_143 = tpu.memref_squeeze %dma_wait3A_142 : memref<1x!tpu.dma_semaphore, #tpu.memory_space<semaphore_mem>> -> memref<!tpu.dma_semaphore, #tpu.memory_space<semaphore_mem>>
      tpu.wait_indirect_dma semaphore(%dma_wait3A_143 : memref<!tpu.dma_semaphore, #tpu.memory_space<semaphore_mem>>) src(%dma_wait3A_141 : memref<5600000x32xbf16, #tpu.memory_space<hbm>>) dst(%dma_wait3A_135 : memref<128x32xbf16, #tpu.memory_space<vmem>>)
      %dma_start3A_144 = arith.constant 1 : i32
      %dma_start3A_145 = arith.constant 1 : i32
      %dma_start3A_146 = arith.constant 1 : i32
      %dma_start3A_147 = arith.constant 0 : i32
      %dma_start3A_148 = arith.constant 0 : i32
      %dma_start3A_149 = tpu.memref_slice %arg10[%dma_start3A_144, %dma_start3A_147, %dma_start3A_148] : memref<4x128x32xbf16, #tpu.memory_space<vmem>> -> memref<1x128x32xbf16, #tpu.memory_space<vmem>>
      %dma_start3A_150 = tpu.memref_squeeze %dma_start3A_149 : memref<1x128x32xbf16, #tpu.memory_space<vmem>> -> memref<128x32xbf16, #tpu.memory_space<vmem>>
      %dma_start3A_151 = arith.constant 0 : i32
      %dma_start3A_152 = tpu.memref_slice %arg9[%dma_start3A_145, %dma_start3A_151] : memref<24x128xi32, #tpu.memory_space<vmem>> -> memref<1x128xi32, #tpu.memory_space<vmem>>
      %dma_start3A_153 = tpu.memref_squeeze %dma_start3A_152 : memref<1x128xi32, #tpu.memory_space<vmem>> -> memref<128xi32, #tpu.memory_space<vmem>>
      %dma_start3A_154 = arith.constant 0 : i32
      %dma_start3A_155 = arith.constant 0 : i32
      %dma_start3A_156 = tpu.memref_slice %arg7[%dma_start3A_154, %dma_start3A_155] : memref<100096x32xbf16, #tpu.memory_space<vmem_shared>> -> memref<100096x32xbf16, #tpu.memory_space<vmem_shared>>
      %dma_start3A_157 = tpu.memref_slice %arg12[%dma_start3A_146] : memref<4x!tpu.dma_semaphore, #tpu.memory_space<semaphore_mem>> -> memref<1x!tpu.dma_semaphore, #tpu.memory_space<semaphore_mem>>
      %dma_start3A_158 = tpu.memref_squeeze %dma_start3A_157 : memref<1x!tpu.dma_semaphore, #tpu.memory_space<semaphore_mem>> -> memref<!tpu.dma_semaphore, #tpu.memory_space<semaphore_mem>>
      tpu.enqueue_indirect_dma source(%dma_start3A_150 : memref<128x32xbf16, #tpu.memory_space<vmem>>) target(%dma_start3A_156 : memref<100096x32xbf16, #tpu.memory_space<vmem_shared>>) offsets(%dma_start3A_153 : memref<128xi32, #tpu.memory_space<vmem>>) semaphore(%dma_start3A_158 : memref<!tpu.dma_semaphore, #tpu.memory_space<semaphore_mem>>) {add = true}
      %dma_wait3A_159 = arith.constant 0 : i32
      %dma_wait3A_160 = arith.constant 0 : i32
      %dma_wait3A_161 = arith.constant 0 : i32
      %dma_wait3A_162 = arith.constant 0 : i32
      %dma_wait3A_163 = arith.constant 0 : i32
      %dma_wait3A_164 = tpu.memref_slice %arg10[%dma_wait3A_159, %dma_wait3A_162, %dma_wait3A_163] : memref<4x128x32xbf16, #tpu.memory_space<vmem>> -> memref<1x128x32xbf16, #tpu.memory_space<vmem>>
      %dma_wait3A_165 = tpu.memref_squeeze %dma_wait3A_164 : memref<1x128x32xbf16, #tpu.memory_space<vmem>> -> memref<128x32xbf16, #tpu.memory_space<vmem>>
      %dma_wait3A_166 = arith.constant 0 : i32
      %dma_wait3A_167 = tpu.memref_slice %arg9[%dma_wait3A_160, %dma_wait3A_166] : memref<24x128xi32, #tpu.memory_space<vmem>> -> memref<1x128xi32, #tpu.memory_space<vmem>>
      %dma_wait3A_168 = tpu.memref_squeeze %dma_wait3A_167 : memref<1x128xi32, #tpu.memory_space<vmem>> -> memref<128xi32, #tpu.memory_space<vmem>>
      %dma_wait3A_169 = arith.constant 0 : i32
      %dma_wait3A_170 = arith.constant 0 : i32
      %dma_wait3A_171 = tpu.memref_slice %arg7[%dma_wait3A_169, %dma_wait3A_170] : memref<100096x32xbf16, #tpu.memory_space<vmem_shared>> -> memref<100096x32xbf16, #tpu.memory_space<vmem_shared>>
      %dma_wait3A_172 = tpu.memref_slice %arg12[%dma_wait3A_161] : memref<4x!tpu.dma_semaphore, #tpu.memory_space<semaphore_mem>> -> memref<1x!tpu.dma_semaphore, #tpu.memory_space<semaphore_mem>>
      %dma_wait3A_173 = tpu.memref_squeeze %dma_wait3A_172 : memref<1x!tpu.dma_semaphore, #tpu.memory_space<semaphore_mem>> -> memref<!tpu.dma_semaphore, #tpu.memory_space<semaphore_mem>>
      tpu.wait_indirect_dma semaphore(%dma_wait3A_173 : memref<!tpu.dma_semaphore, #tpu.memory_space<semaphore_mem>>) src(%dma_wait3A_165 : memref<128x32xbf16, #tpu.memory_space<vmem>>) dst(%dma_wait3A_171 : memref<100096x32xbf16, #tpu.memory_space<vmem_shared>>)
      %dma_start3A_174 = arith.constant 4 : i32
      %dma_start3A_175 = arith.constant 0 : i32
      %dma_start3A_176 = arith.constant 0 : i32
      %dma_start3A_177 = arith.constant 0 : i32
      %dma_start3A_178 = arith.constant 0 : i32
      %dma_start3A_179 = tpu.memref_slice %arg10[%dma_start3A_175, %dma_start3A_177, %dma_start3A_178] : memref<4x128x32xbf16, #tpu.memory_space<vmem>> -> memref<1x128x32xbf16, #tpu.memory_space<vmem>>
      %dma_start3A_180 = tpu.memref_squeeze %dma_start3A_179 : memref<1x128x32xbf16, #tpu.memory_space<vmem>> -> memref<128x32xbf16, #tpu.memory_space<vmem>>
      %dma_start3A_181 = arith.constant 0 : i32
      %dma_start3A_182 = tpu.memref_slice %arg8[%dma_start3A_174, %dma_start3A_181] : memref<24x128xi32, #tpu.memory_space<vmem>> -> memref<1x128xi32, #tpu.memory_space<vmem>>
      %dma_start3A_183 = tpu.memref_squeeze %dma_start3A_182 : memref<1x128xi32, #tpu.memory_space<vmem>> -> memref<128xi32, #tpu.memory_space<vmem>>
      %dma_start3A_184 = arith.constant 0 : i32
      %dma_start3A_185 = arith.constant 0 : i32
      %dma_start3A_186 = tpu.memref_slice %arg2[%dma_start3A_184, %dma_start3A_185] : memref<5600000x32xbf16, #tpu.memory_space<hbm>> -> memref<5600000x32xbf16, #tpu.memory_space<hbm>>
      %dma_start3A_187 = tpu.memref_slice %arg11[%dma_start3A_176] : memref<4x!tpu.dma_semaphore, #tpu.memory_space<semaphore_mem>> -> memref<1x!tpu.dma_semaphore, #tpu.memory_space<semaphore_mem>>
      %dma_start3A_188 = tpu.memref_squeeze %dma_start3A_187 : memref<1x!tpu.dma_semaphore, #tpu.memory_space<semaphore_mem>> -> memref<!tpu.dma_semaphore, #tpu.memory_space<semaphore_mem>>
      tpu.enqueue_indirect_dma source(%dma_start3A_186 : memref<5600000x32xbf16, #tpu.memory_space<hbm>>) target(%dma_start3A_180 : memref<128x32xbf16, #tpu.memory_space<vmem>>) offsets(%dma_start3A_183 : memref<128xi32, #tpu.memory_space<vmem>>) semaphore(%dma_start3A_188 : memref<!tpu.dma_semaphore, #tpu.memory_space<semaphore_mem>>)
      %dma_wait3A_189 = arith.constant 2 : i32
      %dma_wait3A_190 = arith.constant 2 : i32
      %dma_wait3A_191 = arith.constant 2 : i32
      %dma_wait3A_192 = arith.constant 0 : i32
      %dma_wait3A_193 = arith.constant 0 : i32
      %dma_wait3A_194 = tpu.memref_slice %arg10[%dma_wait3A_190, %dma_wait3A_192, %dma_wait3A_193] : memref<4x128x32xbf16, #tpu.memory_space<vmem>> -> memref<1x128x32xbf16, #tpu.memory_space<vmem>>
      %dma_wait3A_195 = tpu.memref_squeeze %dma_wait3A_194 : memref<1x128x32xbf16, #tpu.memory_space<vmem>> -> memref<128x32xbf16, #tpu.memory_space<vmem>>
      %dma_wait3A_196 = arith.constant 0 : i32
      %dma_wait3A_197 = tpu.memref_slice %arg8[%dma_wait3A_189, %dma_wait3A_196] : memref<24x128xi32, #tpu.memory_space<vmem>> -> memref<1x128xi32, #tpu.memory_space<vmem>>
      %dma_wait3A_198 = tpu.memref_squeeze %dma_wait3A_197 : memref<1x128xi32, #tpu.memory_space<vmem>> -> memref<128xi32, #tpu.memory_space<vmem>>
      %dma_wait3A_199 = arith.constant 0 : i32
      %dma_wait3A_200 = arith.constant 0 : i32
      %dma_wait3A_201 = tpu.memref_slice %arg2[%dma_wait3A_199, %dma_wait3A_200] : memref<5600000x32xbf16, #tpu.memory_space<hbm>> -> memref<5600000x32xbf16, #tpu.memory_space<hbm>>
      %dma_wait3A_202 = tpu.memref_slice %arg11[%dma_wait3A_191] : memref<4x!tpu.dma_semaphore, #tpu.memory_space<semaphore_mem>> -> memref<1x!tpu.dma_semaphore, #tpu.memory_space<semaphore_mem>>
      %dma_wait3A_203 = tpu.memref_squeeze %dma_wait3A_202 : memref<1x!tpu.dma_semaphore, #tpu.memory_space<semaphore_mem>> -> memref<!tpu.dma_semaphore, #tpu.memory_space<semaphore_mem>>
      tpu.wait_indirect_dma semaphore(%dma_wait3A_203 : memref<!tpu.dma_semaphore, #tpu.memory_space<semaphore_mem>>) src(%dma_wait3A_201 : memref<5600000x32xbf16, #tpu.memory_space<hbm>>) dst(%dma_wait3A_195 : memref<128x32xbf16, #tpu.memory_space<vmem>>)
      %dma_start3A_204 = arith.constant 2 : i32
      %dma_start3A_205 = arith.constant 2 : i32
      %dma_start3A_206 = arith.constant 2 : i32
      %dma_start3A_207 = arith.constant 0 : i32
      %dma_start3A_208 = arith.constant 0 : i32
      %dma_start3A_209 = tpu.memref_slice %arg10[%dma_start3A_204, %dma_start3A_207, %dma_start3A_208] : memref<4x128x32xbf16, #tpu.memory_space<vmem>> -> memref<1x128x32xbf16, #tpu.memory_space<vmem>>
      %dma_start3A_210 = tpu.memref_squeeze %dma_start3A_209 : memref<1x128x32xbf16, #tpu.memory_space<vmem>> -> memref<128x32xbf16, #tpu.memory_space<vmem>>
      %dma_start3A_211 = arith.constant 0 : i32
      %dma_start3A_212 = tpu.memref_slice %arg9[%dma_start3A_205, %dma_start3A_211] : memref<24x128xi32, #tpu.memory_space<vmem>> -> memref<1x128xi32, #tpu.memory_space<vmem>>
      %dma_start3A_213 = tpu.memref_squeeze %dma_start3A_212 : memref<1x128xi32, #tpu.memory_space<vmem>> -> memref<128xi32, #tpu.memory_space<vmem>>
      %dma_start3A_214 = arith.constant 0 : i32
      %dma_start3A_215 = arith.constant 0 : i32
      %dma_start3A_216 = tpu.memref_slice %arg7[%dma_start3A_214, %dma_start3A_215] : memref<100096x32xbf16, #tpu.memory_space<vmem_shared>> -> memref<100096x32xbf16, #tpu.memory_space<vmem_shared>>
      %dma_start3A_217 = tpu.memref_slice %arg12[%dma_start3A_206] : memref<4x!tpu.dma_semaphore, #tpu.memory_space<semaphore_mem>> -> memref<1x!tpu.dma_semaphore, #tpu.memory_space<semaphore_mem>>
      %dma_start3A_218 = tpu.memref_squeeze %dma_start3A_217 : memref<1x!tpu.dma_semaphore, #tpu.memory_space<semaphore_mem>> -> memref<!tpu.dma_semaphore, #tpu.memory_space<semaphore_mem>>
      tpu.enqueue_indirect_dma source(%dma_start3A_210 : memref<128x32xbf16, #tpu.memory_space<vmem>>) target(%dma_start3A_216 : memref<100096x32xbf16, #tpu.memory_space<vmem_shared>>) offsets(%dma_start3A_213 : memref<128xi32, #tpu.memory_space<vmem>>) semaphore(%dma_start3A_218 : memref<!tpu.dma_semaphore, #tpu.memory_space<semaphore_mem>>) {add = true}
      %dma_wait3A_219 = arith.constant 1 : i32
      %dma_wait3A_220 = arith.constant 1 : i32
      %dma_wait3A_221 = arith.constant 1 : i32
      %dma_wait3A_222 = arith.constant 0 : i32
      %dma_wait3A_223 = arith.constant 0 : i32
      %dma_wait3A_224 = tpu.memref_slice %arg10[%dma_wait3A_219, %dma_wait3A_222, %dma_wait3A_223] : memref<4x128x32xbf16, #tpu.memory_space<vmem>> -> memref<1x128x32xbf16, #tpu.memory_space<vmem>>
      %dma_wait3A_225 = tpu.memref_squeeze %dma_wait3A_224 : memref<1x128x32xbf16, #tpu.memory_space<vmem>> -> memref<128x32xbf16, #tpu.memory_space<vmem>>
      %dma_wait3A_226 = arith.constant 0 : i32
      %dma_wait3A_227 = tpu.memref_slice %arg9[%dma_wait3A_220, %dma_wait3A_226] : memref<24x128xi32, #tpu.memory_space<vmem>> -> memref<1x128xi32, #tpu.memory_space<vmem>>
      %dma_wait3A_228 = tpu.memref_squeeze %dma_wait3A_227 : memref<1x128xi32, #tpu.memory_space<vmem>> -> memref<128xi32, #tpu.memory_space<vmem>>
      %dma_wait3A_229 = arith.constant 0 : i32
      %dma_wait3A_230 = arith.constant 0 : i32
      %dma_wait3A_231 = tpu.memref_slice %arg7[%dma_wait3A_229, %dma_wait3A_230] : memref<100096x32xbf16, #tpu.memory_space<vmem_shared>> -> memref<100096x32xbf16, #tpu.memory_space<vmem_shared>>
      %dma_wait3A_232 = tpu.memref_slice %arg12[%dma_wait3A_221] : memref<4x!tpu.dma_semaphore, #tpu.memory_space<semaphore_mem>> -> memref<1x!tpu.dma_semaphore, #tpu.memory_space<semaphore_mem>>
      %dma_wait3A_233 = tpu.memref_squeeze %dma_wait3A_232 : memref<1x!tpu.dma_semaphore, #tpu.memory_space<semaphore_mem>> -> memref<!tpu.dma_semaphore, #tpu.memory_space<semaphore_mem>>
      tpu.wait_indirect_dma semaphore(%dma_wait3A_233 : memref<!tpu.dma_semaphore, #tpu.memory_space<semaphore_mem>>) src(%dma_wait3A_225 : memref<128x32xbf16, #tpu.memory_space<vmem>>) dst(%dma_wait3A_231 : memref<100096x32xbf16, #tpu.memory_space<vmem_shared>>)
      %dma_start3A_234 = arith.constant 5 : i32
      %dma_start3A_235 = arith.constant 1 : i32
      %dma_start3A_236 = arith.constant 1 : i32
      %dma_start3A_237 = arith.constant 0 : i32
      %dma_start3A_238 = arith.constant 0 : i32
      %dma_start3A_239 = tpu.memref_slice %arg10[%dma_start3A_235, %dma_start3A_237, %dma_start3A_238] : memref<4x128x32xbf16, #tpu.memory_space<vmem>> -> memref<1x128x32xbf16, #tpu.memory_space<vmem>>
      %dma_start3A_240 = tpu.memref_squeeze %dma_start3A_239 : memref<1x128x32xbf16, #tpu.memory_space<vmem>> -> memref<128x32xbf16, #tpu.memory_space<vmem>>
      %dma_start3A_241 = arith.constant 0 : i32
      %dma_start3A_242 = tpu.memref_slice %arg8[%dma_start3A_234, %dma_start3A_241] : memref<24x128xi32, #tpu.memory_space<vmem>> -> memref<1x128xi32, #tpu.memory_space<vmem>>
      %dma_start3A_243 = tpu.memref_squeeze %dma_start3A_242 : memref<1x128xi32, #tpu.memory_space<vmem>> -> memref<128xi32, #tpu.memory_space<vmem>>
      %dma_start3A_244 = arith.constant 0 : i32
      %dma_start3A_245 = arith.constant 0 : i32
      %dma_start3A_246 = tpu.memref_slice %arg2[%dma_start3A_244, %dma_start3A_245] : memref<5600000x32xbf16, #tpu.memory_space<hbm>> -> memref<5600000x32xbf16, #tpu.memory_space<hbm>>
      %dma_start3A_247 = tpu.memref_slice %arg11[%dma_start3A_236] : memref<4x!tpu.dma_semaphore, #tpu.memory_space<semaphore_mem>> -> memref<1x!tpu.dma_semaphore, #tpu.memory_space<semaphore_mem>>
      %dma_start3A_248 = tpu.memref_squeeze %dma_start3A_247 : memref<1x!tpu.dma_semaphore, #tpu.memory_space<semaphore_mem>> -> memref<!tpu.dma_semaphore, #tpu.memory_space<semaphore_mem>>
      tpu.enqueue_indirect_dma source(%dma_start3A_246 : memref<5600000x32xbf16, #tpu.memory_space<hbm>>) target(%dma_start3A_240 : memref<128x32xbf16, #tpu.memory_space<vmem>>) offsets(%dma_start3A_243 : memref<128xi32, #tpu.memory_space<vmem>>) semaphore(%dma_start3A_248 : memref<!tpu.dma_semaphore, #tpu.memory_space<semaphore_mem>>)
      %dma_wait3A_249 = arith.constant 3 : i32
      %dma_wait3A_250 = arith.constant 3 : i32
      %dma_wait3A_251 = arith.constant 3 : i32
      %dma_wait3A_252 = arith.constant 0 : i32
      %dma_wait3A_253 = arith.constant 0 : i32
      %dma_wait3A_254 = tpu.memref_slice %arg10[%dma_wait3A_250, %dma_wait3A_252, %dma_wait3A_253] : memref<4x128x32xbf16, #tpu.memory_space<vmem>> -> memref<1x128x32xbf16, #tpu.memory_space<vmem>>
      %dma_wait3A_255 = tpu.memref_squeeze %dma_wait3A_254 : memref<1x128x32xbf16, #tpu.memory_space<vmem>> -> memref<128x32xbf16, #tpu.memory_space<vmem>>
      %dma_wait3A_256 = arith.constant 0 : i32
      %dma_wait3A_257 = tpu.memref_slice %arg8[%dma_wait3A_249, %dma_wait3A_256] : memref<24x128xi32, #tpu.memory_space<vmem>> -> memref<1x128xi32, #tpu.memory_space<vmem>>
      %dma_wait3A_258 = tpu.memref_squeeze %dma_wait3A_257 : memref<1x128xi32, #tpu.memory_space<vmem>> -> memref<128xi32, #tpu.memory_space<vmem>>
      %dma_wait3A_259 = arith.constant 0 : i32
      %dma_wait3A_260 = arith.constant 0 : i32
      %dma_wait3A_261 = tpu.memref_slice %arg2[%dma_wait3A_259, %dma_wait3A_260] : memref<5600000x32xbf16, #tpu.memory_space<hbm>> -> memref<5600000x32xbf16, #tpu.memory_space<hbm>>
      %dma_wait3A_262 = tpu.memref_slice %arg11[%dma_wait3A_251] : memref<4x!tpu.dma_semaphore, #tpu.memory_space<semaphore_mem>> -> memref<1x!tpu.dma_semaphore, #tpu.memory_space<semaphore_mem>>
      %dma_wait3A_263 = tpu.memref_squeeze %dma_wait3A_262 : memref<1x!tpu.dma_semaphore, #tpu.memory_space<semaphore_mem>> -> memref<!tpu.dma_semaphore, #tpu.memory_space<semaphore_mem>>
      tpu.wait_indirect_dma semaphore(%dma_wait3A_263 : memref<!tpu.dma_semaphore, #tpu.memory_space<semaphore_mem>>) src(%dma_wait3A_261 : memref<5600000x32xbf16, #tpu.memory_space<hbm>>) dst(%dma_wait3A_255 : memref<128x32xbf16, #tpu.memory_space<vmem>>)
      %dma_start3A_264 = arith.constant 3 : i32
      %dma_start3A_265 = arith.constant 3 : i32
      %dma_start3A_266 = arith.constant 3 : i32
      %dma_start3A_267 = arith.constant 0 : i32
      %dma_start3A_268 = arith.constant 0 : i32
      %dma_start3A_269 = tpu.memref_slice %arg10[%dma_start3A_264, %dma_start3A_267, %dma_start3A_268] : memref<4x128x32xbf16, #tpu.memory_space<vmem>> -> memref<1x128x32xbf16, #tpu.memory_space<vmem>>
      %dma_start3A_270 = tpu.memref_squeeze %dma_start3A_269 : memref<1x128x32xbf16, #tpu.memory_space<vmem>> -> memref<128x32xbf16, #tpu.memory_space<vmem>>
      %dma_start3A_271 = arith.constant 0 : i32
      %dma_start3A_272 = tpu.memref_slice %arg9[%dma_start3A_265, %dma_start3A_271] : memref<24x128xi32, #tpu.memory_space<vmem>> -> memref<1x128xi32, #tpu.memory_space<vmem>>
      %dma_start3A_273 = tpu.memref_squeeze %dma_start3A_272 : memref<1x128xi32, #tpu.memory_space<vmem>> -> memref<128xi32, #tpu.memory_space<vmem>>
      %dma_start3A_274 = arith.constant 0 : i32
      %dma_start3A_275 = arith.constant 0 : i32
      %dma_start3A_276 = tpu.memref_slice %arg7[%dma_start3A_274, %dma_start3A_275] : memref<100096x32xbf16, #tpu.memory_space<vmem_shared>> -> memref<100096x32xbf16, #tpu.memory_space<vmem_shared>>
      %dma_start3A_277 = tpu.memref_slice %arg12[%dma_start3A_266] : memref<4x!tpu.dma_semaphore, #tpu.memory_space<semaphore_mem>> -> memref<1x!tpu.dma_semaphore, #tpu.memory_space<semaphore_mem>>
      %dma_start3A_278 = tpu.memref_squeeze %dma_start3A_277 : memref<1x!tpu.dma_semaphore, #tpu.memory_space<semaphore_mem>> -> memref<!tpu.dma_semaphore, #tpu.memory_space<semaphore_mem>>
      tpu.enqueue_indirect_dma source(%dma_start3A_270 : memref<128x32xbf16, #tpu.memory_space<vmem>>) target(%dma_start3A_276 : memref<100096x32xbf16, #tpu.memory_space<vmem_shared>>) offsets(%dma_start3A_273 : memref<128xi32, #tpu.memory_space<vmem>>) semaphore(%dma_start3A_278 : memref<!tpu.dma_semaphore, #tpu.memory_space<semaphore_mem>>) {add = true}
      %dma_wait3A_279 = arith.constant 2 : i32
      %dma_wait3A_280 = arith.constant 2 : i32
      %dma_wait3A_281 = arith.constant 2 : i32
      %dma_wait3A_282 = arith.constant 0 : i32
      %dma_wait3A_283 = arith.constant 0 : i32
      %dma_wait3A_284 = tpu.memref_slice %arg10[%dma_wait3A_279, %dma_wait3A_282, %dma_wait3A_283] : memref<4x128x32xbf16, #tpu.memory_space<vmem>> -> memref<1x128x32xbf16, #tpu.memory_space<vmem>>
      %dma_wait3A_285 = tpu.memref_squeeze %dma_wait3A_284 : memref<1x128x32xbf16, #tpu.memory_space<vmem>> -> memref<128x32xbf16, #tpu.memory_space<vmem>>
      %dma_wait3A_286 = arith.constant 0 : i32
      %dma_wait3A_287 = tpu.memref_slice %arg9[%dma_wait3A_280, %dma_wait3A_286] : memref<24x128xi32, #tpu.memory_space<vmem>> -> memref<1x128xi32, #tpu.memory_space<vmem>>
      %dma_wait3A_288 = tpu.memref_squeeze %dma_wait3A_287 : memref<1x128xi32, #tpu.memory_space<vmem>> -> memref<128xi32, #tpu.memory_space<vmem>>
      %dma_wait3A_289 = arith.constant 0 : i32
      %dma_wait3A_290 = arith.constant 0 : i32
      %dma_wait3A_291 = tpu.memref_slice %arg7[%dma_wait3A_289, %dma_wait3A_290] : memref<100096x32xbf16, #tpu.memory_space<vmem_shared>> -> memref<100096x32xbf16, #tpu.memory_space<vmem_shared>>
      %dma_wait3A_292 = tpu.memref_slice %arg12[%dma_wait3A_281] : memref<4x!tpu.dma_semaphore, #tpu.memory_space<semaphore_mem>> -> memref<1x!tpu.dma_semaphore, #tpu.memory_space<semaphore_mem>>
      %dma_wait3A_293 = tpu.memref_squeeze %dma_wait3A_292 : memref<1x!tpu.dma_semaphore, #tpu.memory_space<semaphore_mem>> -> memref<!tpu.dma_semaphore, #tpu.memory_space<semaphore_mem>>
      tpu.wait_indirect_dma semaphore(%dma_wait3A_293 : memref<!tpu.dma_semaphore, #tpu.memory_space<semaphore_mem>>) src(%dma_wait3A_285 : memref<128x32xbf16, #tpu.memory_space<vmem>>) dst(%dma_wait3A_291 : memref<100096x32xbf16, #tpu.memory_space<vmem_shared>>)
      %dma_start3A_294 = arith.constant 6 : i32
      %dma_start3A_295 = arith.constant 2 : i32
      %dma_start3A_296 = arith.constant 2 : i32
      %dma_start3A_297 = arith.constant 0 : i32
      %dma_start3A_298 = arith.constant 0 : i32
      %dma_start3A_299 = tpu.memref_slice %arg10[%dma_start3A_295, %dma_start3A_297, %dma_start3A_298] : memref<4x128x32xbf16, #tpu.memory_space<vmem>> -> memref<1x128x32xbf16, #tpu.memory_space<vmem>>
      %dma_start3A_300 = tpu.memref_squeeze %dma_start3A_299 : memref<1x128x32xbf16, #tpu.memory_space<vmem>> -> memref<128x32xbf16, #tpu.memory_space<vmem>>
      %dma_start3A_301 = arith.constant 0 : i32
      %dma_start3A_302 = tpu.memref_slice %arg8[%dma_start3A_294, %dma_start3A_301] : memref<24x128xi32, #tpu.memory_space<vmem>> -> memref<1x128xi32, #tpu.memory_space<vmem>>
      %dma_start3A_303 = tpu.memref_squeeze %dma_start3A_302 : memref<1x128xi32, #tpu.memory_space<vmem>> -> memref<128xi32, #tpu.memory_space<vmem>>
      %dma_start3A_304 = arith.constant 0 : i32
      %dma_start3A_305 = arith.constant 0 : i32
      %dma_start3A_306 = tpu.memref_slice %arg2[%dma_start3A_304, %dma_start3A_305] : memref<5600000x32xbf16, #tpu.memory_space<hbm>> -> memref<5600000x32xbf16, #tpu.memory_space<hbm>>
      %dma_start3A_307 = tpu.memref_slice %arg11[%dma_start3A_296] : memref<4x!tpu.dma_semaphore, #tpu.memory_space<semaphore_mem>> -> memref<1x!tpu.dma_semaphore, #tpu.memory_space<semaphore_mem>>
      %dma_start3A_308 = tpu.memref_squeeze %dma_start3A_307 : memref<1x!tpu.dma_semaphore, #tpu.memory_space<semaphore_mem>> -> memref<!tpu.dma_semaphore, #tpu.memory_space<semaphore_mem>>
      tpu.enqueue_indirect_dma source(%dma_start3A_306 : memref<5600000x32xbf16, #tpu.memory_space<hbm>>) target(%dma_start3A_300 : memref<128x32xbf16, #tpu.memory_space<vmem>>) offsets(%dma_start3A_303 : memref<128xi32, #tpu.memory_space<vmem>>) semaphore(%dma_start3A_308 : memref<!tpu.dma_semaphore, #tpu.memory_space<semaphore_mem>>)
      %dma_wait3A_309 = arith.constant 4 : i32
      %dma_wait3A_310 = arith.constant 0 : i32
      %dma_wait3A_311 = arith.constant 0 : i32
      %dma_wait3A_312 = arith.constant 0 : i32
      %dma_wait3A_313 = arith.constant 0 : i32
      %dma_wait3A_314 = tpu.memref_slice %arg10[%dma_wait3A_310, %dma_wait3A_312, %dma_wait3A_313] : memref<4x128x32xbf16, #tpu.memory_space<vmem>> -> memref<1x128x32xbf16, #tpu.memory_space<vmem>>
      %dma_wait3A_315 = tpu.memref_squeeze %dma_wait3A_314 : memref<1x128x32xbf16, #tpu.memory_space<vmem>> -> memref<128x32xbf16, #tpu.memory_space<vmem>>
      %dma_wait3A_316 = arith.constant 0 : i32
      %dma_wait3A_317 = tpu.memref_slice %arg8[%dma_wait3A_309, %dma_wait3A_316] : memref<24x128xi32, #tpu.memory_space<vmem>> -> memref<1x128xi32, #tpu.memory_space<vmem>>
      %dma_wait3A_318 = tpu.memref_squeeze %dma_wait3A_317 : memref<1x128xi32, #tpu.memory_space<vmem>> -> memref<128xi32, #tpu.memory_space<vmem>>
      %dma_wait3A_319 = arith.constant 0 : i32
      %dma_wait3A_320 = arith.constant 0 : i32
      %dma_wait3A_321 = tpu.memref_slice %arg2[%dma_wait3A_319, %dma_wait3A_320] : memref<5600000x32xbf16, #tpu.memory_space<hbm>> -> memref<5600000x32xbf16, #tpu.memory_space<hbm>>
      %dma_wait3A_322 = tpu.memref_slice %arg11[%dma_wait3A_311] : memref<4x!tpu.dma_semaphore, #tpu.memory_space<semaphore_mem>> -> memref<1x!tpu.dma_semaphore, #tpu.memory_space<semaphore_mem>>
      %dma_wait3A_323 = tpu.memref_squeeze %dma_wait3A_322 : memref<1x!tpu.dma_semaphore, #tpu.memory_space<semaphore_mem>> -> memref<!tpu.dma_semaphore, #tpu.memory_space<semaphore_mem>>
      tpu.wait_indirect_dma semaphore(%dma_wait3A_323 : memref<!tpu.dma_semaphore, #tpu.memory_space<semaphore_mem>>) src(%dma_wait3A_321 : memref<5600000x32xbf16, #tpu.memory_space<hbm>>) dst(%dma_wait3A_315 : memref<128x32xbf16, #tpu.memory_space<vmem>>)
      %dma_start3A_324 = arith.constant 0 : i32
      %dma_start3A_325 = arith.constant 4 : i32
      %dma_start3A_326 = arith.constant 0 : i32
      %dma_start3A_327 = arith.constant 0 : i32
      %dma_start3A_328 = arith.constant 0 : i32
      %dma_start3A_329 = tpu.memref_slice %arg10[%dma_start3A_324, %dma_start3A_327, %dma_start3A_328] : memref<4x128x32xbf16, #tpu.memory_space<vmem>> -> memref<1x128x32xbf16, #tpu.memory_space<vmem>>
      %dma_start3A_330 = tpu.memref_squeeze %dma_start3A_329 : memref<1x128x32xbf16, #tpu.memory_space<vmem>> -> memref<128x32xbf16, #tpu.memory_space<vmem>>
      %dma_start3A_331 = arith.constant 0 : i32
      %dma_start3A_332 = tpu.memref_slice %arg9[%dma_start3A_325, %dma_start3A_331] : memref<24x128xi32, #tpu.memory_space<vmem>> -> memref<1x128xi32, #tpu.memory_space<vmem>>
      %dma_start3A_333 = tpu.memref_squeeze %dma_start3A_332 : memref<1x128xi32, #tpu.memory_space<vmem>> -> memref<128xi32, #tpu.memory_space<vmem>>
      %dma_start3A_334 = arith.constant 0 : i32
      %dma_start3A_335 = arith.constant 0 : i32
      %dma_start3A_336 = tpu.memref_slice %arg7[%dma_start3A_334, %dma_start3A_335] : memref<100096x32xbf16, #tpu.memory_space<vmem_shared>> -> memref<100096x32xbf16, #tpu.memory_space<vmem_shared>>
      %dma_start3A_337 = tpu.memref_slice %arg12[%dma_start3A_326] : memref<4x!tpu.dma_semaphore, #tpu.memory_space<semaphore_mem>> -> memref<1x!tpu.dma_semaphore, #tpu.memory_space<semaphore_mem>>
      %dma_start3A_338 = tpu.memref_squeeze %dma_start3A_337 : memref<1x!tpu.dma_semaphore, #tpu.memory_space<semaphore_mem>> -> memref<!tpu.dma_semaphore, #tpu.memory_space<semaphore_mem>>
      tpu.enqueue_indirect_dma source(%dma_start3A_330 : memref<128x32xbf16, #tpu.memory_space<vmem>>) target(%dma_start3A_336 : memref<100096x32xbf16, #tpu.memory_space<vmem_shared>>) offsets(%dma_start3A_333 : memref<128xi32, #tpu.memory_space<vmem>>) semaphore(%dma_start3A_338 : memref<!tpu.dma_semaphore, #tpu.memory_space<semaphore_mem>>) {add = true}
      %dma_wait3A_339 = arith.constant 3 : i32
      %dma_wait3A_340 = arith.constant 3 : i32
      %dma_wait3A_341 = arith.constant 3 : i32
      %dma_wait3A_342 = arith.constant 0 : i32
      %dma_wait3A_343 = arith.constant 0 : i32
      %dma_wait3A_344 = tpu.memref_slice %arg10[%dma_wait3A_339, %dma_wait3A_342, %dma_wait3A_343] : memref<4x128x32xbf16, #tpu.memory_space<vmem>> -> memref<1x128x32xbf16, #tpu.memory_space<vmem>>
      %dma_wait3A_345 = tpu.memref_squeeze %dma_wait3A_344 : memref<1x128x32xbf16, #tpu.memory_space<vmem>> -> memref<128x32xbf16, #tpu.memory_space<vmem>>
      %dma_wait3A_346 = arith.constant 0 : i32
      %dma_wait3A_347 = tpu.memref_slice %arg9[%dma_wait3A_340, %dma_wait3A_346] : memref<24x128xi32, #tpu.memory_space<vmem>> -> memref<1x128xi32, #tpu.memory_space<vmem>>
      %dma_wait3A_348 = tpu.memref_squeeze %dma_wait3A_347 : memref<1x128xi32, #tpu.memory_space<vmem>> -> memref<128xi32, #tpu.memory_space<vmem>>
      %dma_wait3A_349 = arith.constant 0 : i32
      %dma_wait3A_350 = arith.constant 0 : i32
      %dma_wait3A_351 = tpu.memref_slice %arg7[%dma_wait3A_349, %dma_wait3A_350] : memref<100096x32xbf16, #tpu.memory_space<vmem_shared>> -> memref<100096x32xbf16, #tpu.memory_space<vmem_shared>>
      %dma_wait3A_352 = tpu.memref_slice %arg12[%dma_wait3A_341] : memref<4x!tpu.dma_semaphore, #tpu.memory_space<semaphore_mem>> -> memref<1x!tpu.dma_semaphore, #tpu.memory_space<semaphore_mem>>
      %dma_wait3A_353 = tpu.memref_squeeze %dma_wait3A_352 : memref<1x!tpu.dma_semaphore, #tpu.memory_space<semaphore_mem>> -> memref<!tpu.dma_semaphore, #tpu.memory_space<semaphore_mem>>
      tpu.wait_indirect_dma semaphore(%dma_wait3A_353 : memref<!tpu.dma_semaphore, #tpu.memory_space<semaphore_mem>>) src(%dma_wait3A_345 : memref<128x32xbf16, #tpu.memory_space<vmem>>) dst(%dma_wait3A_351 : memref<100096x32xbf16, #tpu.memory_space<vmem_shared>>)
      %dma_start3A_354 = arith.constant 7 : i32
      %dma_start3A_355 = arith.constant 3 : i32
      %dma_start3A_356 = arith.constant 3 : i32
      %dma_start3A_357 = arith.constant 0 : i32
      %dma_start3A_358 = arith.constant 0 : i32
      %dma_start3A_359 = tpu.memref_slice %arg10[%dma_start3A_355, %dma_start3A_357, %dma_start3A_358] : memref<4x128x32xbf16, #tpu.memory_space<vmem>> -> memref<1x128x32xbf16, #tpu.memory_space<vmem>>
      %dma_start3A_360 = tpu.memref_squeeze %dma_start3A_359 : memref<1x128x32xbf16, #tpu.memory_space<vmem>> -> memref<128x32xbf16, #tpu.memory_space<vmem>>
      %dma_start3A_361 = arith.constant 0 : i32
      %dma_start3A_362 = tpu.memref_slice %arg8[%dma_start3A_354, %dma_start3A_361] : memref<24x128xi32, #tpu.memory_space<vmem>> -> memref<1x128xi32, #tpu.memory_space<vmem>>
      %dma_start3A_363 = tpu.memref_squeeze %dma_start3A_362 : memref<1x128xi32, #tpu.memory_space<vmem>> -> memref<128xi32, #tpu.memory_space<vmem>>
      %dma_start3A_364 = arith.constant 0 : i32
      %dma_start3A_365 = arith.constant 0 : i32
      %dma_start3A_366 = tpu.memref_slice %arg2[%dma_start3A_364, %dma_start3A_365] : memref<5600000x32xbf16, #tpu.memory_space<hbm>> -> memref<5600000x32xbf16, #tpu.memory_space<hbm>>
      %dma_start3A_367 = tpu.memref_slice %arg11[%dma_start3A_356] : memref<4x!tpu.dma_semaphore, #tpu.memory_space<semaphore_mem>> -> memref<1x!tpu.dma_semaphore, #tpu.memory_space<semaphore_mem>>
      %dma_start3A_368 = tpu.memref_squeeze %dma_start3A_367 : memref<1x!tpu.dma_semaphore, #tpu.memory_space<semaphore_mem>> -> memref<!tpu.dma_semaphore, #tpu.memory_space<semaphore_mem>>
      tpu.enqueue_indirect_dma source(%dma_start3A_366 : memref<5600000x32xbf16, #tpu.memory_space<hbm>>) target(%dma_start3A_360 : memref<128x32xbf16, #tpu.memory_space<vmem>>) offsets(%dma_start3A_363 : memref<128xi32, #tpu.memory_space<vmem>>) semaphore(%dma_start3A_368 : memref<!tpu.dma_semaphore, #tpu.memory_space<semaphore_mem>>)
      %dma_wait3A_369 = arith.constant 5 : i32
      %dma_wait3A_370 = arith.constant 1 : i32
      %dma_wait3A_371 = arith.constant 1 : i32
      %dma_wait3A_372 = arith.constant 0 : i32
      %dma_wait3A_373 = arith.constant 0 : i32
      %dma_wait3A_374 = tpu.memref_slice %arg10[%dma_wait3A_370, %dma_wait3A_372, %dma_wait3A_373] : memref<4x128x32xbf16, #tpu.memory_space<vmem>> -> memref<1x128x32xbf16, #tpu.memory_space<vmem>>
      %dma_wait3A_375 = tpu.memref_squeeze %dma_wait3A_374 : memref<1x128x32xbf16, #tpu.memory_space<vmem>> -> memref<128x32xbf16, #tpu.memory_space<vmem>>
      %dma_wait3A_376 = arith.constant 0 : i32
      %dma_wait3A_377 = tpu.memref_slice %arg8[%dma_wait3A_369, %dma_wait3A_376] : memref<24x128xi32, #tpu.memory_space<vmem>> -> memref<1x128xi32, #tpu.memory_space<vmem>>
      %dma_wait3A_378 = tpu.memref_squeeze %dma_wait3A_377 : memref<1x128xi32, #tpu.memory_space<vmem>> -> memref<128xi32, #tpu.memory_space<vmem>>
      %dma_wait3A_379 = arith.constant 0 : i32
      %dma_wait3A_380 = arith.constant 0 : i32
      %dma_wait3A_381 = tpu.memref_slice %arg2[%dma_wait3A_379, %dma_wait3A_380] : memref<5600000x32xbf16, #tpu.memory_space<hbm>> -> memref<5600000x32xbf16, #tpu.memory_space<hbm>>
      %dma_wait3A_382 = tpu.memref_slice %arg11[%dma_wait3A_371] : memref<4x!tpu.dma_semaphore, #tpu.memory_space<semaphore_mem>> -> memref<1x!tpu.dma_semaphore, #tpu.memory_space<semaphore_mem>>
      %dma_wait3A_383 = tpu.memref_squeeze %dma_wait3A_382 : memref<1x!tpu.dma_semaphore, #tpu.memory_space<semaphore_mem>> -> memref<!tpu.dma_semaphore, #tpu.memory_space<semaphore_mem>>
      tpu.wait_indirect_dma semaphore(%dma_wait3A_383 : memref<!tpu.dma_semaphore, #tpu.memory_space<semaphore_mem>>) src(%dma_wait3A_381 : memref<5600000x32xbf16, #tpu.memory_space<hbm>>) dst(%dma_wait3A_375 : memref<128x32xbf16, #tpu.memory_space<vmem>>)
      %dma_start3A_384 = arith.constant 1 : i32
      %dma_start3A_385 = arith.constant 5 : i32
      %dma_start3A_386 = arith.constant 1 : i32
      %dma_start3A_387 = arith.constant 0 : i32
      %dma_start3A_388 = arith.constant 0 : i32
      %dma_start3A_389 = tpu.memref_slice %arg10[%dma_start3A_384, %dma_start3A_387, %dma_start3A_388] : memref<4x128x32xbf16, #tpu.memory_space<vmem>> -> memref<1x128x32xbf16, #tpu.memory_space<vmem>>
      %dma_start3A_390 = tpu.memref_squeeze %dma_start3A_389 : memref<1x128x32xbf16, #tpu.memory_space<vmem>> -> memref<128x32xbf16, #tpu.memory_space<vmem>>
      %dma_start3A_391 = arith.constant 0 : i32
      %dma_start3A_392 = tpu.memref_slice %arg9[%dma_start3A_385, %dma_start3A_391] : memref<24x128xi32, #tpu.memory_space<vmem>> -> memref<1x128xi32, #tpu.memory_space<vmem>>
      %dma_start3A_393 = tpu.memref_squeeze %dma_start3A_392 : memref<1x128xi32, #tpu.memory_space<vmem>> -> memref<128xi32, #tpu.memory_space<vmem>>
      %dma_start3A_394 = arith.constant 0 : i32
      %dma_start3A_395 = arith.constant 0 : i32
      %dma_start3A_396 = tpu.memref_slice %arg7[%dma_start3A_394, %dma_start3A_395] : memref<100096x32xbf16, #tpu.memory_space<vmem_shared>> -> memref<100096x32xbf16, #tpu.memory_space<vmem_shared>>
      %dma_start3A_397 = tpu.memref_slice %arg12[%dma_start3A_386] : memref<4x!tpu.dma_semaphore, #tpu.memory_space<semaphore_mem>> -> memref<1x!tpu.dma_semaphore, #tpu.memory_space<semaphore_mem>>
      %dma_start3A_398 = tpu.memref_squeeze %dma_start3A_397 : memref<1x!tpu.dma_semaphore, #tpu.memory_space<semaphore_mem>> -> memref<!tpu.dma_semaphore, #tpu.memory_space<semaphore_mem>>
      tpu.enqueue_indirect_dma source(%dma_start3A_390 : memref<128x32xbf16, #tpu.memory_space<vmem>>) target(%dma_start3A_396 : memref<100096x32xbf16, #tpu.memory_space<vmem_shared>>) offsets(%dma_start3A_393 : memref<128xi32, #tpu.memory_space<vmem>>) semaphore(%dma_start3A_398 : memref<!tpu.dma_semaphore, #tpu.memory_space<semaphore_mem>>) {add = true}
      %dma_wait3A_399 = arith.constant 0 : i32
      %dma_wait3A_400 = arith.constant 4 : i32
      %dma_wait3A_401 = arith.constant 0 : i32
      %dma_wait3A_402 = arith.constant 0 : i32
      %dma_wait3A_403 = arith.constant 0 : i32
      %dma_wait3A_404 = tpu.memref_slice %arg10[%dma_wait3A_399, %dma_wait3A_402, %dma_wait3A_403] : memref<4x128x32xbf16, #tpu.memory_space<vmem>> -> memref<1x128x32xbf16, #tpu.memory_space<vmem>>
      %dma_wait3A_405 = tpu.memref_squeeze %dma_wait3A_404 : memref<1x128x32xbf16, #tpu.memory_space<vmem>> -> memref<128x32xbf16, #tpu.memory_space<vmem>>
      %dma_wait3A_406 = arith.constant 0 : i32
      %dma_wait3A_407 = tpu.memref_slice %arg9[%dma_wait3A_400, %dma_wait3A_406] : memref<24x128xi32, #tpu.memory_space<vmem>> -> memref<1x128xi32, #tpu.memory_space<vmem>>
      %dma_wait3A_408 = tpu.memref_squeeze %dma_wait3A_407 : memref<1x128xi32, #tpu.memory_space<vmem>> -> memref<128xi32, #tpu.memory_space<vmem>>
      %dma_wait3A_409 = arith.constant 0 : i32
      %dma_wait3A_410 = arith.constant 0 : i32
      %dma_wait3A_411 = tpu.memref_slice %arg7[%dma_wait3A_409, %dma_wait3A_410] : memref<100096x32xbf16, #tpu.memory_space<vmem_shared>> -> memref<100096x32xbf16, #tpu.memory_space<vmem_shared>>
      %dma_wait3A_412 = tpu.memref_slice %arg12[%dma_wait3A_401] : memref<4x!tpu.dma_semaphore, #tpu.memory_space<semaphore_mem>> -> memref<1x!tpu.dma_semaphore, #tpu.memory_space<semaphore_mem>>
      %dma_wait3A_413 = tpu.memref_squeeze %dma_wait3A_412 : memref<1x!tpu.dma_semaphore, #tpu.memory_space<semaphore_mem>> -> memref<!tpu.dma_semaphore, #tpu.memory_space<semaphore_mem>>
      tpu.wait_indirect_dma semaphore(%dma_wait3A_413 : memref<!tpu.dma_semaphore, #tpu.memory_space<semaphore_mem>>) src(%dma_wait3A_405 : memref<128x32xbf16, #tpu.memory_space<vmem>>) dst(%dma_wait3A_411 : memref<100096x32xbf16, #tpu.memory_space<vmem_shared>>)
      %dma_start3A_414 = arith.constant 8 : i32
      %dma_start3A_415 = arith.constant 0 : i32
      %dma_start3A_416 = arith.constant 0 : i32
      %dma_start3A_417 = arith.constant 0 : i32
      %dma_start3A_418 = arith.constant 0 : i32
      %dma_start3A_419 = tpu.memref_slice %arg10[%dma_start3A_415, %dma_start3A_417, %dma_start3A_418] : memref<4x128x32xbf16, #tpu.memory_space<vmem>> -> memref<1x128x32xbf16, #tpu.memory_space<vmem>>
      %dma_start3A_420 = tpu.memref_squeeze %dma_start3A_419 : memref<1x128x32xbf16, #tpu.memory_space<vmem>> -> memref<128x32xbf16, #tpu.memory_space<vmem>>
      %dma_start3A_421 = arith.constant 0 : i32
      %dma_start3A_422 = tpu.memref_slice %arg8[%dma_start3A_414, %dma_start3A_421] : memref<24x128xi32, #tpu.memory_space<vmem>> -> memref<1x128xi32, #tpu.memory_space<vmem>>
      %dma_start3A_423 = tpu.memref_squeeze %dma_start3A_422 : memref<1x128xi32, #tpu.memory_space<vmem>> -> memref<128xi32, #tpu.memory_space<vmem>>
      %dma_start3A_424 = arith.constant 0 : i32
      %dma_start3A_425 = arith.constant 0 : i32
      %dma_start3A_426 = tpu.memref_slice %arg2[%dma_start3A_424, %dma_start3A_425] : memref<5600000x32xbf16, #tpu.memory_space<hbm>> -> memref<5600000x32xbf16, #tpu.memory_space<hbm>>
      %dma_start3A_427 = tpu.memref_slice %arg11[%dma_start3A_416] : memref<4x!tpu.dma_semaphore, #tpu.memory_space<semaphore_mem>> -> memref<1x!tpu.dma_semaphore, #tpu.memory_space<semaphore_mem>>
      %dma_start3A_428 = tpu.memref_squeeze %dma_start3A_427 : memref<1x!tpu.dma_semaphore, #tpu.memory_space<semaphore_mem>> -> memref<!tpu.dma_semaphore, #tpu.memory_space<semaphore_mem>>
      tpu.enqueue_indirect_dma source(%dma_start3A_426 : memref<5600000x32xbf16, #tpu.memory_space<hbm>>) target(%dma_start3A_420 : memref<128x32xbf16, #tpu.memory_space<vmem>>) offsets(%dma_start3A_423 : memref<128xi32, #tpu.memory_space<vmem>>) semaphore(%dma_start3A_428 : memref<!tpu.dma_semaphore, #tpu.memory_space<semaphore_mem>>)
      %dma_wait3A_429 = arith.constant 6 : i32
      %dma_wait3A_430 = arith.constant 2 : i32
      %dma_wait3A_431 = arith.constant 2 : i32
      %dma_wait3A_432 = arith.constant 0 : i32
      %dma_wait3A_433 = arith.constant 0 : i32
      %dma_wait3A_434 = tpu.memref_slice %arg10[%dma_wait3A_430, %dma_wait3A_432, %dma_wait3A_433] : memref<4x128x32xbf16, #tpu.memory_space<vmem>> -> memref<1x128x32xbf16, #tpu.memory_space<vmem>>
      %dma_wait3A_435 = tpu.memref_squeeze %dma_wait3A_434 : memref<1x128x32xbf16, #tpu.memory_space<vmem>> -> memref<128x32xbf16, #tpu.memory_space<vmem>>
      %dma_wait3A_436 = arith.constant 0 : i32
      %dma_wait3A_437 = tpu.memref_slice %arg8[%dma_wait3A_429, %dma_wait3A_436] : memref<24x128xi32, #tpu.memory_space<vmem>> -> memref<1x128xi32, #tpu.memory_space<vmem>>
      %dma_wait3A_438 = tpu.memref_squeeze %dma_wait3A_437 : memref<1x128xi32, #tpu.memory_space<vmem>> -> memref<128xi32, #tpu.memory_space<vmem>>
      %dma_wait3A_439 = arith.constant 0 : i32
      %dma_wait3A_440 = arith.constant 0 : i32
      %dma_wait3A_441 = tpu.memref_slice %arg2[%dma_wait3A_439, %dma_wait3A_440] : memref<5600000x32xbf16, #tpu.memory_space<hbm>> -> memref<5600000x32xbf16, #tpu.memory_space<hbm>>
      %dma_wait3A_442 = tpu.memref_slice %arg11[%dma_wait3A_431] : memref<4x!tpu.dma_semaphore, #tpu.memory_space<semaphore_mem>> -> memref<1x!tpu.dma_semaphore, #tpu.memory_space<semaphore_mem>>
      %dma_wait3A_443 = tpu.memref_squeeze %dma_wait3A_442 : memref<1x!tpu.dma_semaphore, #tpu.memory_space<semaphore_mem>> -> memref<!tpu.dma_semaphore, #tpu.memory_space<semaphore_mem>>
      tpu.wait_indirect_dma semaphore(%dma_wait3A_443 : memref<!tpu.dma_semaphore, #tpu.memory_space<semaphore_mem>>) src(%dma_wait3A_441 : memref<5600000x32xbf16, #tpu.memory_space<hbm>>) dst(%dma_wait3A_435 : memref<128x32xbf16, #tpu.memory_space<vmem>>)
      %dma_start3A_444 = arith.constant 2 : i32
      %dma_start3A_445 = arith.constant 6 : i32
      %dma_start3A_446 = arith.constant 2 : i32
      %dma_start3A_447 = arith.constant 0 : i32
      %dma_start3A_448 = arith.constant 0 : i32
      %dma_start3A_449 = tpu.memref_slice %arg10[%dma_start3A_444, %dma_start3A_447, %dma_start3A_448] : memref<4x128x32xbf16, #tpu.memory_space<vmem>> -> memref<1x128x32xbf16, #tpu.memory_space<vmem>>
      %dma_start3A_450 = tpu.memref_squeeze %dma_start3A_449 : memref<1x128x32xbf16, #tpu.memory_space<vmem>> -> memref<128x32xbf16, #tpu.memory_space<vmem>>
      %dma_start3A_451 = arith.constant 0 : i32
      %dma_start3A_452 = tpu.memref_slice %arg9[%dma_start3A_445, %dma_start3A_451] : memref<24x128xi32, #tpu.memory_space<vmem>> -> memref<1x128xi32, #tpu.memory_space<vmem>>
      %dma_start3A_453 = tpu.memref_squeeze %dma_start3A_452 : memref<1x128xi32, #tpu.memory_space<vmem>> -> memref<128xi32, #tpu.memory_space<vmem>>
      %dma_start3A_454 = arith.constant 0 : i32
      %dma_start3A_455 = arith.constant 0 : i32
      %dma_start3A_456 = tpu.memref_slice %arg7[%dma_start3A_454, %dma_start3A_455] : memref<100096x32xbf16, #tpu.memory_space<vmem_shared>> -> memref<100096x32xbf16, #tpu.memory_space<vmem_shared>>
      %dma_start3A_457 = tpu.memref_slice %arg12[%dma_start3A_446] : memref<4x!tpu.dma_semaphore, #tpu.memory_space<semaphore_mem>> -> memref<1x!tpu.dma_semaphore, #tpu.memory_space<semaphore_mem>>
      %dma_start3A_458 = tpu.memref_squeeze %dma_start3A_457 : memref<1x!tpu.dma_semaphore, #tpu.memory_space<semaphore_mem>> -> memref<!tpu.dma_semaphore, #tpu.memory_space<semaphore_mem>>
      tpu.enqueue_indirect_dma source(%dma_start3A_450 : memref<128x32xbf16, #tpu.memory_space<vmem>>) target(%dma_start3A_456 : memref<100096x32xbf16, #tpu.memory_space<vmem_shared>>) offsets(%dma_start3A_453 : memref<128xi32, #tpu.memory_space<vmem>>) semaphore(%dma_start3A_458 : memref<!tpu.dma_semaphore, #tpu.memory_space<semaphore_mem>>) {add = true}
      %dma_wait3A_459 = arith.constant 1 : i32
      %dma_wait3A_460 = arith.constant 5 : i32
      %dma_wait3A_461 = arith.constant 1 : i32
      %dma_wait3A_462 = arith.constant 0 : i32
      %dma_wait3A_463 = arith.constant 0 : i32
      %dma_wait3A_464 = tpu.memref_slice %arg10[%dma_wait3A_459, %dma_wait3A_462, %dma_wait3A_463] : memref<4x128x32xbf16, #tpu.memory_space<vmem>> -> memref<1x128x32xbf16, #tpu.memory_space<vmem>>
      %dma_wait3A_465 = tpu.memref_squeeze %dma_wait3A_464 : memref<1x128x32xbf16, #tpu.memory_space<vmem>> -> memref<128x32xbf16, #tpu.memory_space<vmem>>
      %dma_wait3A_466 = arith.constant 0 : i32
      %dma_wait3A_467 = tpu.memref_slice %arg9[%dma_wait3A_460, %dma_wait3A_466] : memref<24x128xi32, #tpu.memory_space<vmem>> -> memref<1x128xi32, #tpu.memory_space<vmem>>
      %dma_wait3A_468 = tpu.memref_squeeze %dma_wait3A_467 : memref<1x128xi32, #tpu.memory_space<vmem>> -> memref<128xi32, #tpu.memory_space<vmem>>
      %dma_wait3A_469 = arith.constant 0 : i32
      %dma_wait3A_470 = arith.constant 0 : i32
      %dma_wait3A_471 = tpu.memref_slice %arg7[%dma_wait3A_469, %dma_wait3A_470] : memref<100096x32xbf16, #tpu.memory_space<vmem_shared>> -> memref<100096x32xbf16, #tpu.memory_space<vmem_shared>>
      %dma_wait3A_472 = tpu.memref_slice %arg12[%dma_wait3A_461] : memref<4x!tpu.dma_semaphore, #tpu.memory_space<semaphore_mem>> -> memref<1x!tpu.dma_semaphore, #tpu.memory_space<semaphore_mem>>
      %dma_wait3A_473 = tpu.memref_squeeze %dma_wait3A_472 : memref<1x!tpu.dma_semaphore, #tpu.memory_space<semaphore_mem>> -> memref<!tpu.dma_semaphore, #tpu.memory_space<semaphore_mem>>
      tpu.wait_indirect_dma semaphore(%dma_wait3A_473 : memref<!tpu.dma_semaphore, #tpu.memory_space<semaphore_mem>>) src(%dma_wait3A_465 : memref<128x32xbf16, #tpu.memory_space<vmem>>) dst(%dma_wait3A_471 : memref<100096x32xbf16, #tpu.memory_space<vmem_shared>>)
      %dma_start3A_474 = arith.constant 9 : i32
      %dma_start3A_475 = arith.constant 1 : i32
      %dma_start3A_476 = arith.constant 1 : i32
      %dma_start3A_477 = arith.constant 0 : i32
      %dma_start3A_478 = arith.constant 0 : i32
      %dma_start3A_479 = tpu.memref_slice %arg10[%dma_start3A_475, %dma_start3A_477, %dma_start3A_478] : memref<4x128x32xbf16, #tpu.memory_space<vmem>> -> memref<1x128x32xbf16, #tpu.memory_space<vmem>>
      %dma_start3A_480 = tpu.memref_squeeze %dma_start3A_479 : memref<1x128x32xbf16, #tpu.memory_space<vmem>> -> memref<128x32xbf16, #tpu.memory_space<vmem>>
      %dma_start3A_481 = arith.constant 0 : i32
      %dma_start3A_482 = tpu.memref_slice %arg8[%dma_start3A_474, %dma_start3A_481] : memref<24x128xi32, #tpu.memory_space<vmem>> -> memref<1x128xi32, #tpu.memory_space<vmem>>
      %dma_start3A_483 = tpu.memref_squeeze %dma_start3A_482 : memref<1x128xi32, #tpu.memory_space<vmem>> -> memref<128xi32, #tpu.memory_space<vmem>>
      %dma_start3A_484 = arith.constant 0 : i32
      %dma_start3A_485 = arith.constant 0 : i32
      %dma_start3A_486 = tpu.memref_slice %arg2[%dma_start3A_484, %dma_start3A_485] : memref<5600000x32xbf16, #tpu.memory_space<hbm>> -> memref<5600000x32xbf16, #tpu.memory_space<hbm>>
      %dma_start3A_487 = tpu.memref_slice %arg11[%dma_start3A_476] : memref<4x!tpu.dma_semaphore, #tpu.memory_space<semaphore_mem>> -> memref<1x!tpu.dma_semaphore, #tpu.memory_space<semaphore_mem>>
      %dma_start3A_488 = tpu.memref_squeeze %dma_start3A_487 : memref<1x!tpu.dma_semaphore, #tpu.memory_space<semaphore_mem>> -> memref<!tpu.dma_semaphore, #tpu.memory_space<semaphore_mem>>
      tpu.enqueue_indirect_dma source(%dma_start3A_486 : memref<5600000x32xbf16, #tpu.memory_space<hbm>>) target(%dma_start3A_480 : memref<128x32xbf16, #tpu.memory_space<vmem>>) offsets(%dma_start3A_483 : memref<128xi32, #tpu.memory_space<vmem>>) semaphore(%dma_start3A_488 : memref<!tpu.dma_semaphore, #tpu.memory_space<semaphore_mem>>)
      %dma_wait3A_489 = arith.constant 7 : i32
      %dma_wait3A_490 = arith.constant 3 : i32
      %dma_wait3A_491 = arith.constant 3 : i32
      %dma_wait3A_492 = arith.constant 0 : i32
      %dma_wait3A_493 = arith.constant 0 : i32
      %dma_wait3A_494 = tpu.memref_slice %arg10[%dma_wait3A_490, %dma_wait3A_492, %dma_wait3A_493] : memref<4x128x32xbf16, #tpu.memory_space<vmem>> -> memref<1x128x32xbf16, #tpu.memory_space<vmem>>
      %dma_wait3A_495 = tpu.memref_squeeze %dma_wait3A_494 : memref<1x128x32xbf16, #tpu.memory_space<vmem>> -> memref<128x32xbf16, #tpu.memory_space<vmem>>
      %dma_wait3A_496 = arith.constant 0 : i32
      %dma_wait3A_497 = tpu.memref_slice %arg8[%dma_wait3A_489, %dma_wait3A_496] : memref<24x128xi32, #tpu.memory_space<vmem>> -> memref<1x128xi32, #tpu.memory_space<vmem>>
      %dma_wait3A_498 = tpu.memref_squeeze %dma_wait3A_497 : memref<1x128xi32, #tpu.memory_space<vmem>> -> memref<128xi32, #tpu.memory_space<vmem>>
      %dma_wait3A_499 = arith.constant 0 : i32
      %dma_wait3A_500 = arith.constant 0 : i32
      %dma_wait3A_501 = tpu.memref_slice %arg2[%dma_wait3A_499, %dma_wait3A_500] : memref<5600000x32xbf16, #tpu.memory_space<hbm>> -> memref<5600000x32xbf16, #tpu.memory_space<hbm>>
      %dma_wait3A_502 = tpu.memref_slice %arg11[%dma_wait3A_491] : memref<4x!tpu.dma_semaphore, #tpu.memory_space<semaphore_mem>> -> memref<1x!tpu.dma_semaphore, #tpu.memory_space<semaphore_mem>>
      %dma_wait3A_503 = tpu.memref_squeeze %dma_wait3A_502 : memref<1x!tpu.dma_semaphore, #tpu.memory_space<semaphore_mem>> -> memref<!tpu.dma_semaphore, #tpu.memory_space<semaphore_mem>>
      tpu.wait_indirect_dma semaphore(%dma_wait3A_503 : memref<!tpu.dma_semaphore, #tpu.memory_space<semaphore_mem>>) src(%dma_wait3A_501 : memref<5600000x32xbf16, #tpu.memory_space<hbm>>) dst(%dma_wait3A_495 : memref<128x32xbf16, #tpu.memory_space<vmem>>)
      %dma_start3A_504 = arith.constant 3 : i32
      %dma_start3A_505 = arith.constant 7 : i32
      %dma_start3A_506 = arith.constant 3 : i32
      %dma_start3A_507 = arith.constant 0 : i32
      %dma_start3A_508 = arith.constant 0 : i32
      %dma_start3A_509 = tpu.memref_slice %arg10[%dma_start3A_504, %dma_start3A_507, %dma_start3A_508] : memref<4x128x32xbf16, #tpu.memory_space<vmem>> -> memref<1x128x32xbf16, #tpu.memory_space<vmem>>
      %dma_start3A_510 = tpu.memref_squeeze %dma_start3A_509 : memref<1x128x32xbf16, #tpu.memory_space<vmem>> -> memref<128x32xbf16, #tpu.memory_space<vmem>>
      %dma_start3A_511 = arith.constant 0 : i32
      %dma_start3A_512 = tpu.memref_slice %arg9[%dma_start3A_505, %dma_start3A_511] : memref<24x128xi32, #tpu.memory_space<vmem>> -> memref<1x128xi32, #tpu.memory_space<vmem>>
      %dma_start3A_513 = tpu.memref_squeeze %dma_start3A_512 : memref<1x128xi32, #tpu.memory_space<vmem>> -> memref<128xi32, #tpu.memory_space<vmem>>
      %dma_start3A_514 = arith.constant 0 : i32
      %dma_start3A_515 = arith.constant 0 : i32
      %dma_start3A_516 = tpu.memref_slice %arg7[%dma_start3A_514, %dma_start3A_515] : memref<100096x32xbf16, #tpu.memory_space<vmem_shared>> -> memref<100096x32xbf16, #tpu.memory_space<vmem_shared>>
      %dma_start3A_517 = tpu.memref_slice %arg12[%dma_start3A_506] : memref<4x!tpu.dma_semaphore, #tpu.memory_space<semaphore_mem>> -> memref<1x!tpu.dma_semaphore, #tpu.memory_space<semaphore_mem>>
      %dma_start3A_518 = tpu.memref_squeeze %dma_start3A_517 : memref<1x!tpu.dma_semaphore, #tpu.memory_space<semaphore_mem>> -> memref<!tpu.dma_semaphore, #tpu.memory_space<semaphore_mem>>
      tpu.enqueue_indirect_dma source(%dma_start3A_510 : memref<128x32xbf16, #tpu.memory_space<vmem>>) target(%dma_start3A_516 : memref<100096x32xbf16, #tpu.memory_space<vmem_shared>>) offsets(%dma_start3A_513 : memref<128xi32, #tpu.memory_space<vmem>>) semaphore(%dma_start3A_518 : memref<!tpu.dma_semaphore, #tpu.memory_space<semaphore_mem>>) {add = true}
      %dma_wait3A_519 = arith.constant 2 : i32
      %dma_wait3A_520 = arith.constant 6 : i32
      %dma_wait3A_521 = arith.constant 2 : i32
      %dma_wait3A_522 = arith.constant 0 : i32
      %dma_wait3A_523 = arith.constant 0 : i32
      %dma_wait3A_524 = tpu.memref_slice %arg10[%dma_wait3A_519, %dma_wait3A_522, %dma_wait3A_523] : memref<4x128x32xbf16, #tpu.memory_space<vmem>> -> memref<1x128x32xbf16, #tpu.memory_space<vmem>>
      %dma_wait3A_525 = tpu.memref_squeeze %dma_wait3A_524 : memref<1x128x32xbf16, #tpu.memory_space<vmem>> -> memref<128x32xbf16, #tpu.memory_space<vmem>>
      %dma_wait3A_526 = arith.constant 0 : i32
      %dma_wait3A_527 = tpu.memref_slice %arg9[%dma_wait3A_520, %dma_wait3A_526] : memref<24x128xi32, #tpu.memory_space<vmem>> -> memref<1x128xi32, #tpu.memory_space<vmem>>
      %dma_wait3A_528 = tpu.memref_squeeze %dma_wait3A_527 : memref<1x128xi32, #tpu.memory_space<vmem>> -> memref<128xi32, #tpu.memory_space<vmem>>
      %dma_wait3A_529 = arith.constant 0 : i32
      %dma_wait3A_530 = arith.constant 0 : i32
      %dma_wait3A_531 = tpu.memref_slice %arg7[%dma_wait3A_529, %dma_wait3A_530] : memref<100096x32xbf16, #tpu.memory_space<vmem_shared>> -> memref<100096x32xbf16, #tpu.memory_space<vmem_shared>>
      %dma_wait3A_532 = tpu.memref_slice %arg12[%dma_wait3A_521] : memref<4x!tpu.dma_semaphore, #tpu.memory_space<semaphore_mem>> -> memref<1x!tpu.dma_semaphore, #tpu.memory_space<semaphore_mem>>
      %dma_wait3A_533 = tpu.memref_squeeze %dma_wait3A_532 : memref<1x!tpu.dma_semaphore, #tpu.memory_space<semaphore_mem>> -> memref<!tpu.dma_semaphore, #tpu.memory_space<semaphore_mem>>
      tpu.wait_indirect_dma semaphore(%dma_wait3A_533 : memref<!tpu.dma_semaphore, #tpu.memory_space<semaphore_mem>>) src(%dma_wait3A_525 : memref<128x32xbf16, #tpu.memory_space<vmem>>) dst(%dma_wait3A_531 : memref<100096x32xbf16, #tpu.memory_space<vmem_shared>>)
      %dma_start3A_534 = arith.constant 10 : i32
      %dma_start3A_535 = arith.constant 2 : i32
      %dma_start3A_536 = arith.constant 2 : i32
      %dma_start3A_537 = arith.constant 0 : i32
      %dma_start3A_538 = arith.constant 0 : i32
      %dma_start3A_539 = tpu.memref_slice %arg10[%dma_start3A_535, %dma_start3A_537, %dma_start3A_538] : memref<4x128x32xbf16, #tpu.memory_space<vmem>> -> memref<1x128x32xbf16, #tpu.memory_space<vmem>>
      %dma_start3A_540 = tpu.memref_squeeze %dma_start3A_539 : memref<1x128x32xbf16, #tpu.memory_space<vmem>> -> memref<128x32xbf16, #tpu.memory_space<vmem>>
      %dma_start3A_541 = arith.constant 0 : i32
      %dma_start3A_542 = tpu.memref_slice %arg8[%dma_start3A_534, %dma_start3A_541] : memref<24x128xi32, #tpu.memory_space<vmem>> -> memref<1x128xi32, #tpu.memory_space<vmem>>
      %dma_start3A_543 = tpu.memref_squeeze %dma_start3A_542 : memref<1x128xi32, #tpu.memory_space<vmem>> -> memref<128xi32, #tpu.memory_space<vmem>>
      %dma_start3A_544 = arith.constant 0 : i32
      %dma_start3A_545 = arith.constant 0 : i32
      %dma_start3A_546 = tpu.memref_slice %arg2[%dma_start3A_544, %dma_start3A_545] : memref<5600000x32xbf16, #tpu.memory_space<hbm>> -> memref<5600000x32xbf16, #tpu.memory_space<hbm>>
      %dma_start3A_547 = tpu.memref_slice %arg11[%dma_start3A_536] : memref<4x!tpu.dma_semaphore, #tpu.memory_space<semaphore_mem>> -> memref<1x!tpu.dma_semaphore, #tpu.memory_space<semaphore_mem>>
      %dma_start3A_548 = tpu.memref_squeeze %dma_start3A_547 : memref<1x!tpu.dma_semaphore, #tpu.memory_space<semaphore_mem>> -> memref<!tpu.dma_semaphore, #tpu.memory_space<semaphore_mem>>
      tpu.enqueue_indirect_dma source(%dma_start3A_546 : memref<5600000x32xbf16, #tpu.memory_space<hbm>>) target(%dma_start3A_540 : memref<128x32xbf16, #tpu.memory_space<vmem>>) offsets(%dma_start3A_543 : memref<128xi32, #tpu.memory_space<vmem>>) semaphore(%dma_start3A_548 : memref<!tpu.dma_semaphore, #tpu.memory_space<semaphore_mem>>)
      %dma_wait3A_549 = arith.constant 8 : i32
      %dma_wait3A_550 = arith.constant 0 : i32
      %dma_wait3A_551 = arith.constant 0 : i32
      %dma_wait3A_552 = arith.constant 0 : i32
      %dma_wait3A_553 = arith.constant 0 : i32
      %dma_wait3A_554 = tpu.memref_slice %arg10[%dma_wait3A_550, %dma_wait3A_552, %dma_wait3A_553] : memref<4x128x32xbf16, #tpu.memory_space<vmem>> -> memref<1x128x32xbf16, #tpu.memory_space<vmem>>
      %dma_wait3A_555 = tpu.memref_squeeze %dma_wait3A_554 : memref<1x128x32xbf16, #tpu.memory_space<vmem>> -> memref<128x32xbf16, #tpu.memory_space<vmem>>
      %dma_wait3A_556 = arith.constant 0 : i32
      %dma_wait3A_557 = tpu.memref_slice %arg8[%dma_wait3A_549, %dma_wait3A_556] : memref<24x128xi32, #tpu.memory_space<vmem>> -> memref<1x128xi32, #tpu.memory_space<vmem>>
      %dma_wait3A_558 = tpu.memref_squeeze %dma_wait3A_557 : memref<1x128xi32, #tpu.memory_space<vmem>> -> memref<128xi32, #tpu.memory_space<vmem>>
      %dma_wait3A_559 = arith.constant 0 : i32
      %dma_wait3A_560 = arith.constant 0 : i32
      %dma_wait3A_561 = tpu.memref_slice %arg2[%dma_wait3A_559, %dma_wait3A_560] : memref<5600000x32xbf16, #tpu.memory_space<hbm>> -> memref<5600000x32xbf16, #tpu.memory_space<hbm>>
      %dma_wait3A_562 = tpu.memref_slice %arg11[%dma_wait3A_551] : memref<4x!tpu.dma_semaphore, #tpu.memory_space<semaphore_mem>> -> memref<1x!tpu.dma_semaphore, #tpu.memory_space<semaphore_mem>>
      %dma_wait3A_563 = tpu.memref_squeeze %dma_wait3A_562 : memref<1x!tpu.dma_semaphore, #tpu.memory_space<semaphore_mem>> -> memref<!tpu.dma_semaphore, #tpu.memory_space<semaphore_mem>>
      tpu.wait_indirect_dma semaphore(%dma_wait3A_563 : memref<!tpu.dma_semaphore, #tpu.memory_space<semaphore_mem>>) src(%dma_wait3A_561 : memref<5600000x32xbf16, #tpu.memory_space<hbm>>) dst(%dma_wait3A_555 : memref<128x32xbf16, #tpu.memory_space<vmem>>)
      %dma_start3A_564 = arith.constant 0 : i32
      %dma_start3A_565 = arith.constant 8 : i32
      %dma_start3A_566 = arith.constant 0 : i32
      %dma_start3A_567 = arith.constant 0 : i32
      %dma_start3A_568 = arith.constant 0 : i32
      %dma_start3A_569 = tpu.memref_slice %arg10[%dma_start3A_564, %dma_start3A_567, %dma_start3A_568] : memref<4x128x32xbf16, #tpu.memory_space<vmem>> -> memref<1x128x32xbf16, #tpu.memory_space<vmem>>
      %dma_start3A_570 = tpu.memref_squeeze %dma_start3A_569 : memref<1x128x32xbf16, #tpu.memory_space<vmem>> -> memref<128x32xbf16, #tpu.memory_space<vmem>>
      %dma_start3A_571 = arith.constant 0 : i32
      %dma_start3A_572 = tpu.memref_slice %arg9[%dma_start3A_565, %dma_start3A_571] : memref<24x128xi32, #tpu.memory_space<vmem>> -> memref<1x128xi32, #tpu.memory_space<vmem>>
      %dma_start3A_573 = tpu.memref_squeeze %dma_start3A_572 : memref<1x128xi32, #tpu.memory_space<vmem>> -> memref<128xi32, #tpu.memory_space<vmem>>
      %dma_start3A_574 = arith.constant 0 : i32
      %dma_start3A_575 = arith.constant 0 : i32
      %dma_start3A_576 = tpu.memref_slice %arg7[%dma_start3A_574, %dma_start3A_575] : memref<100096x32xbf16, #tpu.memory_space<vmem_shared>> -> memref<100096x32xbf16, #tpu.memory_space<vmem_shared>>
      %dma_start3A_577 = tpu.memref_slice %arg12[%dma_start3A_566] : memref<4x!tpu.dma_semaphore, #tpu.memory_space<semaphore_mem>> -> memref<1x!tpu.dma_semaphore, #tpu.memory_space<semaphore_mem>>
      %dma_start3A_578 = tpu.memref_squeeze %dma_start3A_577 : memref<1x!tpu.dma_semaphore, #tpu.memory_space<semaphore_mem>> -> memref<!tpu.dma_semaphore, #tpu.memory_space<semaphore_mem>>
      tpu.enqueue_indirect_dma source(%dma_start3A_570 : memref<128x32xbf16, #tpu.memory_space<vmem>>) target(%dma_start3A_576 : memref<100096x32xbf16, #tpu.memory_space<vmem_shared>>) offsets(%dma_start3A_573 : memref<128xi32, #tpu.memory_space<vmem>>) semaphore(%dma_start3A_578 : memref<!tpu.dma_semaphore, #tpu.memory_space<semaphore_mem>>) {add = true}
      %dma_wait3A_579 = arith.constant 3 : i32
      %dma_wait3A_580 = arith.constant 7 : i32
      %dma_wait3A_581 = arith.constant 3 : i32
      %dma_wait3A_582 = arith.constant 0 : i32
      %dma_wait3A_583 = arith.constant 0 : i32
      %dma_wait3A_584 = tpu.memref_slice %arg10[%dma_wait3A_579, %dma_wait3A_582, %dma_wait3A_583] : memref<4x128x32xbf16, #tpu.memory_space<vmem>> -> memref<1x128x32xbf16, #tpu.memory_space<vmem>>
      %dma_wait3A_585 = tpu.memref_squeeze %dma_wait3A_584 : memref<1x128x32xbf16, #tpu.memory_space<vmem>> -> memref<128x32xbf16, #tpu.memory_space<vmem>>
      %dma_wait3A_586 = arith.constant 0 : i32
      %dma_wait3A_587 = tpu.memref_slice %arg9[%dma_wait3A_580, %dma_wait3A_586] : memref<24x128xi32, #tpu.memory_space<vmem>> -> memref<1x128xi32, #tpu.memory_space<vmem>>
      %dma_wait3A_588 = tpu.memref_squeeze %dma_wait3A_587 : memref<1x128xi32, #tpu.memory_space<vmem>> -> memref<128xi32, #tpu.memory_space<vmem>>
      %dma_wait3A_589 = arith.constant 0 : i32
      %dma_wait3A_590 = arith.constant 0 : i32
      %dma_wait3A_591 = tpu.memref_slice %arg7[%dma_wait3A_589, %dma_wait3A_590] : memref<100096x32xbf16, #tpu.memory_space<vmem_shared>> -> memref<100096x32xbf16, #tpu.memory_space<vmem_shared>>
      %dma_wait3A_592 = tpu.memref_slice %arg12[%dma_wait3A_581] : memref<4x!tpu.dma_semaphore, #tpu.memory_space<semaphore_mem>> -> memref<1x!tpu.dma_semaphore, #tpu.memory_space<semaphore_mem>>
      %dma_wait3A_593 = tpu.memref_squeeze %dma_wait3A_592 : memref<1x!tpu.dma_semaphore, #tpu.memory_space<semaphore_mem>> -> memref<!tpu.dma_semaphore, #tpu.memory_space<semaphore_mem>>
      tpu.wait_indirect_dma semaphore(%dma_wait3A_593 : memref<!tpu.dma_semaphore, #tpu.memory_space<semaphore_mem>>) src(%dma_wait3A_585 : memref<128x32xbf16, #tpu.memory_space<vmem>>) dst(%dma_wait3A_591 : memref<100096x32xbf16, #tpu.memory_space<vmem_shared>>)
      %dma_start3A_594 = arith.constant 11 : i32
      %dma_start3A_595 = arith.constant 3 : i32
      %dma_start3A_596 = arith.constant 3 : i32
      %dma_start3A_597 = arith.constant 0 : i32
      %dma_start3A_598 = arith.constant 0 : i32
      %dma_start3A_599 = tpu.memref_slice %arg10[%dma_start3A_595, %dma_start3A_597, %dma_start3A_598] : memref<4x128x32xbf16, #tpu.memory_space<vmem>> -> memref<1x128x32xbf16, #tpu.memory_space<vmem>>
      %dma_start3A_600 = tpu.memref_squeeze %dma_start3A_599 : memref<1x128x32xbf16, #tpu.memory_space<vmem>> -> memref<128x32xbf16, #tpu.memory_space<vmem>>
      %dma_start3A_601 = arith.constant 0 : i32
      %dma_start3A_602 = tpu.memref_slice %arg8[%dma_start3A_594, %dma_start3A_601] : memref<24x128xi32, #tpu.memory_space<vmem>> -> memref<1x128xi32, #tpu.memory_space<vmem>>
      %dma_start3A_603 = tpu.memref_squeeze %dma_start3A_602 : memref<1x128xi32, #tpu.memory_space<vmem>> -> memref<128xi32, #tpu.memory_space<vmem>>
      %dma_start3A_604 = arith.constant 0 : i32
      %dma_start3A_605 = arith.constant 0 : i32
      %dma_start3A_606 = tpu.memref_slice %arg2[%dma_start3A_604, %dma_start3A_605] : memref<5600000x32xbf16, #tpu.memory_space<hbm>> -> memref<5600000x32xbf16, #tpu.memory_space<hbm>>
      %dma_start3A_607 = tpu.memref_slice %arg11[%dma_start3A_596] : memref<4x!tpu.dma_semaphore, #tpu.memory_space<semaphore_mem>> -> memref<1x!tpu.dma_semaphore, #tpu.memory_space<semaphore_mem>>
      %dma_start3A_608 = tpu.memref_squeeze %dma_start3A_607 : memref<1x!tpu.dma_semaphore, #tpu.memory_space<semaphore_mem>> -> memref<!tpu.dma_semaphore, #tpu.memory_space<semaphore_mem>>
      tpu.enqueue_indirect_dma source(%dma_start3A_606 : memref<5600000x32xbf16, #tpu.memory_space<hbm>>) target(%dma_start3A_600 : memref<128x32xbf16, #tpu.memory_space<vmem>>) offsets(%dma_start3A_603 : memref<128xi32, #tpu.memory_space<vmem>>) semaphore(%dma_start3A_608 : memref<!tpu.dma_semaphore, #tpu.memory_space<semaphore_mem>>)
      %dma_wait3A_609 = arith.constant 9 : i32
      %dma_wait3A_610 = arith.constant 1 : i32
      %dma_wait3A_611 = arith.constant 1 : i32
      %dma_wait3A_612 = arith.constant 0 : i32
      %dma_wait3A_613 = arith.constant 0 : i32
      %dma_wait3A_614 = tpu.memref_slice %arg10[%dma_wait3A_610, %dma_wait3A_612, %dma_wait3A_613] : memref<4x128x32xbf16, #tpu.memory_space<vmem>> -> memref<1x128x32xbf16, #tpu.memory_space<vmem>>
      %dma_wait3A_615 = tpu.memref_squeeze %dma_wait3A_614 : memref<1x128x32xbf16, #tpu.memory_space<vmem>> -> memref<128x32xbf16, #tpu.memory_space<vmem>>
      %dma_wait3A_616 = arith.constant 0 : i32
      %dma_wait3A_617 = tpu.memref_slice %arg8[%dma_wait3A_609, %dma_wait3A_616] : memref<24x128xi32, #tpu.memory_space<vmem>> -> memref<1x128xi32, #tpu.memory_space<vmem>>
      %dma_wait3A_618 = tpu.memref_squeeze %dma_wait3A_617 : memref<1x128xi32, #tpu.memory_space<vmem>> -> memref<128xi32, #tpu.memory_space<vmem>>
      %dma_wait3A_619 = arith.constant 0 : i32
      %dma_wait3A_620 = arith.constant 0 : i32
      %dma_wait3A_621 = tpu.memref_slice %arg2[%dma_wait3A_619, %dma_wait3A_620] : memref<5600000x32xbf16, #tpu.memory_space<hbm>> -> memref<5600000x32xbf16, #tpu.memory_space<hbm>>
      %dma_wait3A_622 = tpu.memref_slice %arg11[%dma_wait3A_611] : memref<4x!tpu.dma_semaphore, #tpu.memory_space<semaphore_mem>> -> memref<1x!tpu.dma_semaphore, #tpu.memory_space<semaphore_mem>>
      %dma_wait3A_623 = tpu.memref_squeeze %dma_wait3A_622 : memref<1x!tpu.dma_semaphore, #tpu.memory_space<semaphore_mem>> -> memref<!tpu.dma_semaphore, #tpu.memory_space<semaphore_mem>>
      tpu.wait_indirect_dma semaphore(%dma_wait3A_623 : memref<!tpu.dma_semaphore, #tpu.memory_space<semaphore_mem>>) src(%dma_wait3A_621 : memref<5600000x32xbf16, #tpu.memory_space<hbm>>) dst(%dma_wait3A_615 : memref<128x32xbf16, #tpu.memory_space<vmem>>)
      %dma_start3A_624 = arith.constant 1 : i32
      %dma_start3A_625 = arith.constant 9 : i32
      %dma_start3A_626 = arith.constant 1 : i32
      %dma_start3A_627 = arith.constant 0 : i32
      %dma_start3A_628 = arith.constant 0 : i32
      %dma_start3A_629 = tpu.memref_slice %arg10[%dma_start3A_624, %dma_start3A_627, %dma_start3A_628] : memref<4x128x32xbf16, #tpu.memory_space<vmem>> -> memref<1x128x32xbf16, #tpu.memory_space<vmem>>
      %dma_start3A_630 = tpu.memref_squeeze %dma_start3A_629 : memref<1x128x32xbf16, #tpu.memory_space<vmem>> -> memref<128x32xbf16, #tpu.memory_space<vmem>>
      %dma_start3A_631 = arith.constant 0 : i32
      %dma_start3A_632 = tpu.memref_slice %arg9[%dma_start3A_625, %dma_start3A_631] : memref<24x128xi32, #tpu.memory_space<vmem>> -> memref<1x128xi32, #tpu.memory_space<vmem>>
      %dma_start3A_633 = tpu.memref_squeeze %dma_start3A_632 : memref<1x128xi32, #tpu.memory_space<vmem>> -> memref<128xi32, #tpu.memory_space<vmem>>
      %dma_start3A_634 = arith.constant 0 : i32
      %dma_start3A_635 = arith.constant 0 : i32
      %dma_start3A_636 = tpu.memref_slice %arg7[%dma_start3A_634, %dma_start3A_635] : memref<100096x32xbf16, #tpu.memory_space<vmem_shared>> -> memref<100096x32xbf16, #tpu.memory_space<vmem_shared>>
      %dma_start3A_637 = tpu.memref_slice %arg12[%dma_start3A_626] : memref<4x!tpu.dma_semaphore, #tpu.memory_space<semaphore_mem>> -> memref<1x!tpu.dma_semaphore, #tpu.memory_space<semaphore_mem>>
      %dma_start3A_638 = tpu.memref_squeeze %dma_start3A_637 : memref<1x!tpu.dma_semaphore, #tpu.memory_space<semaphore_mem>> -> memref<!tpu.dma_semaphore, #tpu.memory_space<semaphore_mem>>
      tpu.enqueue_indirect_dma source(%dma_start3A_630 : memref<128x32xbf16, #tpu.memory_space<vmem>>) target(%dma_start3A_636 : memref<100096x32xbf16, #tpu.memory_space<vmem_shared>>) offsets(%dma_start3A_633 : memref<128xi32, #tpu.memory_space<vmem>>) semaphore(%dma_start3A_638 : memref<!tpu.dma_semaphore, #tpu.memory_space<semaphore_mem>>) {add = true}
      %dma_wait3A_639 = arith.constant 0 : i32
      %dma_wait3A_640 = arith.constant 8 : i32
      %dma_wait3A_641 = arith.constant 0 : i32
      %dma_wait3A_642 = arith.constant 0 : i32
      %dma_wait3A_643 = arith.constant 0 : i32
      %dma_wait3A_644 = tpu.memref_slice %arg10[%dma_wait3A_639, %dma_wait3A_642, %dma_wait3A_643] : memref<4x128x32xbf16, #tpu.memory_space<vmem>> -> memref<1x128x32xbf16, #tpu.memory_space<vmem>>
      %dma_wait3A_645 = tpu.memref_squeeze %dma_wait3A_644 : memref<1x128x32xbf16, #tpu.memory_space<vmem>> -> memref<128x32xbf16, #tpu.memory_space<vmem>>
      %dma_wait3A_646 = arith.constant 0 : i32
      %dma_wait3A_647 = tpu.memref_slice %arg9[%dma_wait3A_640, %dma_wait3A_646] : memref<24x128xi32, #tpu.memory_space<vmem>> -> memref<1x128xi32, #tpu.memory_space<vmem>>
      %dma_wait3A_648 = tpu.memref_squeeze %dma_wait3A_647 : memref<1x128xi32, #tpu.memory_space<vmem>> -> memref<128xi32, #tpu.memory_space<vmem>>
      %dma_wait3A_649 = arith.constant 0 : i32
      %dma_wait3A_650 = arith.constant 0 : i32
      %dma_wait3A_651 = tpu.memref_slice %arg7[%dma_wait3A_649, %dma_wait3A_650] : memref<100096x32xbf16, #tpu.memory_space<vmem_shared>> -> memref<100096x32xbf16, #tpu.memory_space<vmem_shared>>
      %dma_wait3A_652 = tpu.memref_slice %arg12[%dma_wait3A_641] : memref<4x!tpu.dma_semaphore, #tpu.memory_space<semaphore_mem>> -> memref<1x!tpu.dma_semaphore, #tpu.memory_space<semaphore_mem>>
      %dma_wait3A_653 = tpu.memref_squeeze %dma_wait3A_652 : memref<1x!tpu.dma_semaphore, #tpu.memory_space<semaphore_mem>> -> memref<!tpu.dma_semaphore, #tpu.memory_space<semaphore_mem>>
      tpu.wait_indirect_dma semaphore(%dma_wait3A_653 : memref<!tpu.dma_semaphore, #tpu.memory_space<semaphore_mem>>) src(%dma_wait3A_645 : memref<128x32xbf16, #tpu.memory_space<vmem>>) dst(%dma_wait3A_651 : memref<100096x32xbf16, #tpu.memory_space<vmem_shared>>)
      %dma_start3A_654 = arith.constant 12 : i32
      %dma_start3A_655 = arith.constant 0 : i32
      %dma_start3A_656 = arith.constant 0 : i32
      %dma_start3A_657 = arith.constant 0 : i32
      %dma_start3A_658 = arith.constant 0 : i32
      %dma_start3A_659 = tpu.memref_slice %arg10[%dma_start3A_655, %dma_start3A_657, %dma_start3A_658] : memref<4x128x32xbf16, #tpu.memory_space<vmem>> -> memref<1x128x32xbf16, #tpu.memory_space<vmem>>
      %dma_start3A_660 = tpu.memref_squeeze %dma_start3A_659 : memref<1x128x32xbf16, #tpu.memory_space<vmem>> -> memref<128x32xbf16, #tpu.memory_space<vmem>>
      %dma_start3A_661 = arith.constant 0 : i32
      %dma_start3A_662 = tpu.memref_slice %arg8[%dma_start3A_654, %dma_start3A_661] : memref<24x128xi32, #tpu.memory_space<vmem>> -> memref<1x128xi32, #tpu.memory_space<vmem>>
      %dma_start3A_663 = tpu.memref_squeeze %dma_start3A_662 : memref<1x128xi32, #tpu.memory_space<vmem>> -> memref<128xi32, #tpu.memory_space<vmem>>
      %dma_start3A_664 = arith.constant 0 : i32
      %dma_start3A_665 = arith.constant 0 : i32
      %dma_start3A_666 = tpu.memref_slice %arg2[%dma_start3A_664, %dma_start3A_665] : memref<5600000x32xbf16, #tpu.memory_space<hbm>> -> memref<5600000x32xbf16, #tpu.memory_space<hbm>>
      %dma_start3A_667 = tpu.memref_slice %arg11[%dma_start3A_656] : memref<4x!tpu.dma_semaphore, #tpu.memory_space<semaphore_mem>> -> memref<1x!tpu.dma_semaphore, #tpu.memory_space<semaphore_mem>>
      %dma_start3A_668 = tpu.memref_squeeze %dma_start3A_667 : memref<1x!tpu.dma_semaphore, #tpu.memory_space<semaphore_mem>> -> memref<!tpu.dma_semaphore, #tpu.memory_space<semaphore_mem>>
      tpu.enqueue_indirect_dma source(%dma_start3A_666 : memref<5600000x32xbf16, #tpu.memory_space<hbm>>) target(%dma_start3A_660 : memref<128x32xbf16, #tpu.memory_space<vmem>>) offsets(%dma_start3A_663 : memref<128xi32, #tpu.memory_space<vmem>>) semaphore(%dma_start3A_668 : memref<!tpu.dma_semaphore, #tpu.memory_space<semaphore_mem>>)
      %dma_wait3A_669 = arith.constant 10 : i32
      %dma_wait3A_670 = arith.constant 2 : i32
      %dma_wait3A_671 = arith.constant 2 : i32
      %dma_wait3A_672 = arith.constant 0 : i32
      %dma_wait3A_673 = arith.constant 0 : i32
      %dma_wait3A_674 = tpu.memref_slice %arg10[%dma_wait3A_670, %dma_wait3A_672, %dma_wait3A_673] : memref<4x128x32xbf16, #tpu.memory_space<vmem>> -> memref<1x128x32xbf16, #tpu.memory_space<vmem>>
      %dma_wait3A_675 = tpu.memref_squeeze %dma_wait3A_674 : memref<1x128x32xbf16, #tpu.memory_space<vmem>> -> memref<128x32xbf16, #tpu.memory_space<vmem>>
      %dma_wait3A_676 = arith.constant 0 : i32
      %dma_wait3A_677 = tpu.memref_slice %arg8[%dma_wait3A_669, %dma_wait3A_676] : memref<24x128xi32, #tpu.memory_space<vmem>> -> memref<1x128xi32, #tpu.memory_space<vmem>>
      %dma_wait3A_678 = tpu.memref_squeeze %dma_wait3A_677 : memref<1x128xi32, #tpu.memory_space<vmem>> -> memref<128xi32, #tpu.memory_space<vmem>>
      %dma_wait3A_679 = arith.constant 0 : i32
      %dma_wait3A_680 = arith.constant 0 : i32
      %dma_wait3A_681 = tpu.memref_slice %arg2[%dma_wait3A_679, %dma_wait3A_680] : memref<5600000x32xbf16, #tpu.memory_space<hbm>> -> memref<5600000x32xbf16, #tpu.memory_space<hbm>>
      %dma_wait3A_682 = tpu.memref_slice %arg11[%dma_wait3A_671] : memref<4x!tpu.dma_semaphore, #tpu.memory_space<semaphore_mem>> -> memref<1x!tpu.dma_semaphore, #tpu.memory_space<semaphore_mem>>
      %dma_wait3A_683 = tpu.memref_squeeze %dma_wait3A_682 : memref<1x!tpu.dma_semaphore, #tpu.memory_space<semaphore_mem>> -> memref<!tpu.dma_semaphore, #tpu.memory_space<semaphore_mem>>
      tpu.wait_indirect_dma semaphore(%dma_wait3A_683 : memref<!tpu.dma_semaphore, #tpu.memory_space<semaphore_mem>>) src(%dma_wait3A_681 : memref<5600000x32xbf16, #tpu.memory_space<hbm>>) dst(%dma_wait3A_675 : memref<128x32xbf16, #tpu.memory_space<vmem>>)
      %dma_start3A_684 = arith.constant 2 : i32
      %dma_start3A_685 = arith.constant 10 : i32
      %dma_start3A_686 = arith.constant 2 : i32
      %dma_start3A_687 = arith.constant 0 : i32
      %dma_start3A_688 = arith.constant 0 : i32
      %dma_start3A_689 = tpu.memref_slice %arg10[%dma_start3A_684, %dma_start3A_687, %dma_start3A_688] : memref<4x128x32xbf16, #tpu.memory_space<vmem>> -> memref<1x128x32xbf16, #tpu.memory_space<vmem>>
      %dma_start3A_690 = tpu.memref_squeeze %dma_start3A_689 : memref<1x128x32xbf16, #tpu.memory_space<vmem>> -> memref<128x32xbf16, #tpu.memory_space<vmem>>
      %dma_start3A_691 = arith.constant 0 : i32
      %dma_start3A_692 = tpu.memref_slice %arg9[%dma_start3A_685, %dma_start3A_691] : memref<24x128xi32, #tpu.memory_space<vmem>> -> memref<1x128xi32, #tpu.memory_space<vmem>>
      %dma_start3A_693 = tpu.memref_squeeze %dma_start3A_692 : memref<1x128xi32, #tpu.memory_space<vmem>> -> memref<128xi32, #tpu.memory_space<vmem>>
      %dma_start3A_694 = arith.constant 0 : i32
      %dma_start3A_695 = arith.constant 0 : i32
      %dma_start3A_696 = tpu.memref_slice %arg7[%dma_start3A_694, %dma_start3A_695] : memref<100096x32xbf16, #tpu.memory_space<vmem_shared>> -> memref<100096x32xbf16, #tpu.memory_space<vmem_shared>>
      %dma_start3A_697 = tpu.memref_slice %arg12[%dma_start3A_686] : memref<4x!tpu.dma_semaphore, #tpu.memory_space<semaphore_mem>> -> memref<1x!tpu.dma_semaphore, #tpu.memory_space<semaphore_mem>>
      %dma_start3A_698 = tpu.memref_squeeze %dma_start3A_697 : memref<1x!tpu.dma_semaphore, #tpu.memory_space<semaphore_mem>> -> memref<!tpu.dma_semaphore, #tpu.memory_space<semaphore_mem>>
      tpu.enqueue_indirect_dma source(%dma_start3A_690 : memref<128x32xbf16, #tpu.memory_space<vmem>>) target(%dma_start3A_696 : memref<100096x32xbf16, #tpu.memory_space<vmem_shared>>) offsets(%dma_start3A_693 : memref<128xi32, #tpu.memory_space<vmem>>) semaphore(%dma_start3A_698 : memref<!tpu.dma_semaphore, #tpu.memory_space<semaphore_mem>>) {add = true}
      %dma_wait3A_699 = arith.constant 1 : i32
      %dma_wait3A_700 = arith.constant 9 : i32
      %dma_wait3A_701 = arith.constant 1 : i32
      %dma_wait3A_702 = arith.constant 0 : i32
      %dma_wait3A_703 = arith.constant 0 : i32
      %dma_wait3A_704 = tpu.memref_slice %arg10[%dma_wait3A_699, %dma_wait3A_702, %dma_wait3A_703] : memref<4x128x32xbf16, #tpu.memory_space<vmem>> -> memref<1x128x32xbf16, #tpu.memory_space<vmem>>
      %dma_wait3A_705 = tpu.memref_squeeze %dma_wait3A_704 : memref<1x128x32xbf16, #tpu.memory_space<vmem>> -> memref<128x32xbf16, #tpu.memory_space<vmem>>
      %dma_wait3A_706 = arith.constant 0 : i32
      %dma_wait3A_707 = tpu.memref_slice %arg9[%dma_wait3A_700, %dma_wait3A_706] : memref<24x128xi32, #tpu.memory_space<vmem>> -> memref<1x128xi32, #tpu.memory_space<vmem>>
      %dma_wait3A_708 = tpu.memref_squeeze %dma_wait3A_707 : memref<1x128xi32, #tpu.memory_space<vmem>> -> memref<128xi32, #tpu.memory_space<vmem>>
      %dma_wait3A_709 = arith.constant 0 : i32
      %dma_wait3A_710 = arith.constant 0 : i32
      %dma_wait3A_711 = tpu.memref_slice %arg7[%dma_wait3A_709, %dma_wait3A_710] : memref<100096x32xbf16, #tpu.memory_space<vmem_shared>> -> memref<100096x32xbf16, #tpu.memory_space<vmem_shared>>
      %dma_wait3A_712 = tpu.memref_slice %arg12[%dma_wait3A_701] : memref<4x!tpu.dma_semaphore, #tpu.memory_space<semaphore_mem>> -> memref<1x!tpu.dma_semaphore, #tpu.memory_space<semaphore_mem>>
      %dma_wait3A_713 = tpu.memref_squeeze %dma_wait3A_712 : memref<1x!tpu.dma_semaphore, #tpu.memory_space<semaphore_mem>> -> memref<!tpu.dma_semaphore, #tpu.memory_space<semaphore_mem>>
      tpu.wait_indirect_dma semaphore(%dma_wait3A_713 : memref<!tpu.dma_semaphore, #tpu.memory_space<semaphore_mem>>) src(%dma_wait3A_705 : memref<128x32xbf16, #tpu.memory_space<vmem>>) dst(%dma_wait3A_711 : memref<100096x32xbf16, #tpu.memory_space<vmem_shared>>)
      %dma_start3A_714 = arith.constant 13 : i32
      %dma_start3A_715 = arith.constant 1 : i32
      %dma_start3A_716 = arith.constant 1 : i32
      %dma_start3A_717 = arith.constant 0 : i32
      %dma_start3A_718 = arith.constant 0 : i32
      %dma_start3A_719 = tpu.memref_slice %arg10[%dma_start3A_715, %dma_start3A_717, %dma_start3A_718] : memref<4x128x32xbf16, #tpu.memory_space<vmem>> -> memref<1x128x32xbf16, #tpu.memory_space<vmem>>
      %dma_start3A_720 = tpu.memref_squeeze %dma_start3A_719 : memref<1x128x32xbf16, #tpu.memory_space<vmem>> -> memref<128x32xbf16, #tpu.memory_space<vmem>>
      %dma_start3A_721 = arith.constant 0 : i32
      %dma_start3A_722 = tpu.memref_slice %arg8[%dma_start3A_714, %dma_start3A_721] : memref<24x128xi32, #tpu.memory_space<vmem>> -> memref<1x128xi32, #tpu.memory_space<vmem>>
      %dma_start3A_723 = tpu.memref_squeeze %dma_start3A_722 : memref<1x128xi32, #tpu.memory_space<vmem>> -> memref<128xi32, #tpu.memory_space<vmem>>
      %dma_start3A_724 = arith.constant 0 : i32
      %dma_start3A_725 = arith.constant 0 : i32
      %dma_start3A_726 = tpu.memref_slice %arg2[%dma_start3A_724, %dma_start3A_725] : memref<5600000x32xbf16, #tpu.memory_space<hbm>> -> memref<5600000x32xbf16, #tpu.memory_space<hbm>>
      %dma_start3A_727 = tpu.memref_slice %arg11[%dma_start3A_716] : memref<4x!tpu.dma_semaphore, #tpu.memory_space<semaphore_mem>> -> memref<1x!tpu.dma_semaphore, #tpu.memory_space<semaphore_mem>>
      %dma_start3A_728 = tpu.memref_squeeze %dma_start3A_727 : memref<1x!tpu.dma_semaphore, #tpu.memory_space<semaphore_mem>> -> memref<!tpu.dma_semaphore, #tpu.memory_space<semaphore_mem>>
      tpu.enqueue_indirect_dma source(%dma_start3A_726 : memref<5600000x32xbf16, #tpu.memory_space<hbm>>) target(%dma_start3A_720 : memref<128x32xbf16, #tpu.memory_space<vmem>>) offsets(%dma_start3A_723 : memref<128xi32, #tpu.memory_space<vmem>>) semaphore(%dma_start3A_728 : memref<!tpu.dma_semaphore, #tpu.memory_space<semaphore_mem>>)
      %dma_wait3A_729 = arith.constant 11 : i32
      %dma_wait3A_730 = arith.constant 3 : i32
      %dma_wait3A_731 = arith.constant 3 : i32
      %dma_wait3A_732 = arith.constant 0 : i32
      %dma_wait3A_733 = arith.constant 0 : i32
      %dma_wait3A_734 = tpu.memref_slice %arg10[%dma_wait3A_730, %dma_wait3A_732, %dma_wait3A_733] : memref<4x128x32xbf16, #tpu.memory_space<vmem>> -> memref<1x128x32xbf16, #tpu.memory_space<vmem>>
      %dma_wait3A_735 = tpu.memref_squeeze %dma_wait3A_734 : memref<1x128x32xbf16, #tpu.memory_space<vmem>> -> memref<128x32xbf16, #tpu.memory_space<vmem>>
      %dma_wait3A_736 = arith.constant 0 : i32
      %dma_wait3A_737 = tpu.memref_slice %arg8[%dma_wait3A_729, %dma_wait3A_736] : memref<24x128xi32, #tpu.memory_space<vmem>> -> memref<1x128xi32, #tpu.memory_space<vmem>>
      %dma_wait3A_738 = tpu.memref_squeeze %dma_wait3A_737 : memref<1x128xi32, #tpu.memory_space<vmem>> -> memref<128xi32, #tpu.memory_space<vmem>>
      %dma_wait3A_739 = arith.constant 0 : i32
      %dma_wait3A_740 = arith.constant 0 : i32
      %dma_wait3A_741 = tpu.memref_slice %arg2[%dma_wait3A_739, %dma_wait3A_740] : memref<5600000x32xbf16, #tpu.memory_space<hbm>> -> memref<5600000x32xbf16, #tpu.memory_space<hbm>>
      %dma_wait3A_742 = tpu.memref_slice %arg11[%dma_wait3A_731] : memref<4x!tpu.dma_semaphore, #tpu.memory_space<semaphore_mem>> -> memref<1x!tpu.dma_semaphore, #tpu.memory_space<semaphore_mem>>
      %dma_wait3A_743 = tpu.memref_squeeze %dma_wait3A_742 : memref<1x!tpu.dma_semaphore, #tpu.memory_space<semaphore_mem>> -> memref<!tpu.dma_semaphore, #tpu.memory_space<semaphore_mem>>
      tpu.wait_indirect_dma semaphore(%dma_wait3A_743 : memref<!tpu.dma_semaphore, #tpu.memory_space<semaphore_mem>>) src(%dma_wait3A_741 : memref<5600000x32xbf16, #tpu.memory_space<hbm>>) dst(%dma_wait3A_735 : memref<128x32xbf16, #tpu.memory_space<vmem>>)
      %dma_start3A_744 = arith.constant 3 : i32
      %dma_start3A_745 = arith.constant 11 : i32
      %dma_start3A_746 = arith.constant 3 : i32
      %dma_start3A_747 = arith.constant 0 : i32
      %dma_start3A_748 = arith.constant 0 : i32
      %dma_start3A_749 = tpu.memref_slice %arg10[%dma_start3A_744, %dma_start3A_747, %dma_start3A_748] : memref<4x128x32xbf16, #tpu.memory_space<vmem>> -> memref<1x128x32xbf16, #tpu.memory_space<vmem>>
      %dma_start3A_750 = tpu.memref_squeeze %dma_start3A_749 : memref<1x128x32xbf16, #tpu.memory_space<vmem>> -> memref<128x32xbf16, #tpu.memory_space<vmem>>
      %dma_start3A_751 = arith.constant 0 : i32
      %dma_start3A_752 = tpu.memref_slice %arg9[%dma_start3A_745, %dma_start3A_751] : memref<24x128xi32, #tpu.memory_space<vmem>> -> memref<1x128xi32, #tpu.memory_space<vmem>>
      %dma_start3A_753 = tpu.memref_squeeze %dma_start3A_752 : memref<1x128xi32, #tpu.memory_space<vmem>> -> memref<128xi32, #tpu.memory_space<vmem>>
      %dma_start3A_754 = arith.constant 0 : i32
      %dma_start3A_755 = arith.constant 0 : i32
      %dma_start3A_756 = tpu.memref_slice %arg7[%dma_start3A_754, %dma_start3A_755] : memref<100096x32xbf16, #tpu.memory_space<vmem_shared>> -> memref<100096x32xbf16, #tpu.memory_space<vmem_shared>>
      %dma_start3A_757 = tpu.memref_slice %arg12[%dma_start3A_746] : memref<4x!tpu.dma_semaphore, #tpu.memory_space<semaphore_mem>> -> memref<1x!tpu.dma_semaphore, #tpu.memory_space<semaphore_mem>>
      %dma_start3A_758 = tpu.memref_squeeze %dma_start3A_757 : memref<1x!tpu.dma_semaphore, #tpu.memory_space<semaphore_mem>> -> memref<!tpu.dma_semaphore, #tpu.memory_space<semaphore_mem>>
      tpu.enqueue_indirect_dma source(%dma_start3A_750 : memref<128x32xbf16, #tpu.memory_space<vmem>>) target(%dma_start3A_756 : memref<100096x32xbf16, #tpu.memory_space<vmem_shared>>) offsets(%dma_start3A_753 : memref<128xi32, #tpu.memory_space<vmem>>) semaphore(%dma_start3A_758 : memref<!tpu.dma_semaphore, #tpu.memory_space<semaphore_mem>>) {add = true}
      %dma_wait3A_759 = arith.constant 2 : i32
      %dma_wait3A_760 = arith.constant 10 : i32
      %dma_wait3A_761 = arith.constant 2 : i32
      %dma_wait3A_762 = arith.constant 0 : i32
      %dma_wait3A_763 = arith.constant 0 : i32
      %dma_wait3A_764 = tpu.memref_slice %arg10[%dma_wait3A_759, %dma_wait3A_762, %dma_wait3A_763] : memref<4x128x32xbf16, #tpu.memory_space<vmem>> -> memref<1x128x32xbf16, #tpu.memory_space<vmem>>
      %dma_wait3A_765 = tpu.memref_squeeze %dma_wait3A_764 : memref<1x128x32xbf16, #tpu.memory_space<vmem>> -> memref<128x32xbf16, #tpu.memory_space<vmem>>
      %dma_wait3A_766 = arith.constant 0 : i32
      %dma_wait3A_767 = tpu.memref_slice %arg9[%dma_wait3A_760, %dma_wait3A_766] : memref<24x128xi32, #tpu.memory_space<vmem>> -> memref<1x128xi32, #tpu.memory_space<vmem>>
      %dma_wait3A_768 = tpu.memref_squeeze %dma_wait3A_767 : memref<1x128xi32, #tpu.memory_space<vmem>> -> memref<128xi32, #tpu.memory_space<vmem>>
      %dma_wait3A_769 = arith.constant 0 : i32
      %dma_wait3A_770 = arith.constant 0 : i32
      %dma_wait3A_771 = tpu.memref_slice %arg7[%dma_wait3A_769, %dma_wait3A_770] : memref<100096x32xbf16, #tpu.memory_space<vmem_shared>> -> memref<100096x32xbf16, #tpu.memory_space<vmem_shared>>
      %dma_wait3A_772 = tpu.memref_slice %arg12[%dma_wait3A_761] : memref<4x!tpu.dma_semaphore, #tpu.memory_space<semaphore_mem>> -> memref<1x!tpu.dma_semaphore, #tpu.memory_space<semaphore_mem>>
      %dma_wait3A_773 = tpu.memref_squeeze %dma_wait3A_772 : memref<1x!tpu.dma_semaphore, #tpu.memory_space<semaphore_mem>> -> memref<!tpu.dma_semaphore, #tpu.memory_space<semaphore_mem>>
      tpu.wait_indirect_dma semaphore(%dma_wait3A_773 : memref<!tpu.dma_semaphore, #tpu.memory_space<semaphore_mem>>) src(%dma_wait3A_765 : memref<128x32xbf16, #tpu.memory_space<vmem>>) dst(%dma_wait3A_771 : memref<100096x32xbf16, #tpu.memory_space<vmem_shared>>)
      %dma_start3A_774 = arith.constant 14 : i32
      %dma_start3A_775 = arith.constant 2 : i32
      %dma_start3A_776 = arith.constant 2 : i32
      %dma_start3A_777 = arith.constant 0 : i32
      %dma_start3A_778 = arith.constant 0 : i32
      %dma_start3A_779 = tpu.memref_slice %arg10[%dma_start3A_775, %dma_start3A_777, %dma_start3A_778] : memref<4x128x32xbf16, #tpu.memory_space<vmem>> -> memref<1x128x32xbf16, #tpu.memory_space<vmem>>
      %dma_start3A_780 = tpu.memref_squeeze %dma_start3A_779 : memref<1x128x32xbf16, #tpu.memory_space<vmem>> -> memref<128x32xbf16, #tpu.memory_space<vmem>>
      %dma_start3A_781 = arith.constant 0 : i32
      %dma_start3A_782 = tpu.memref_slice %arg8[%dma_start3A_774, %dma_start3A_781] : memref<24x128xi32, #tpu.memory_space<vmem>> -> memref<1x128xi32, #tpu.memory_space<vmem>>
      %dma_start3A_783 = tpu.memref_squeeze %dma_start3A_782 : memref<1x128xi32, #tpu.memory_space<vmem>> -> memref<128xi32, #tpu.memory_space<vmem>>
      %dma_start3A_784 = arith.constant 0 : i32
      %dma_start3A_785 = arith.constant 0 : i32
      %dma_start3A_786 = tpu.memref_slice %arg2[%dma_start3A_784, %dma_start3A_785] : memref<5600000x32xbf16, #tpu.memory_space<hbm>> -> memref<5600000x32xbf16, #tpu.memory_space<hbm>>
      %dma_start3A_787 = tpu.memref_slice %arg11[%dma_start3A_776] : memref<4x!tpu.dma_semaphore, #tpu.memory_space<semaphore_mem>> -> memref<1x!tpu.dma_semaphore, #tpu.memory_space<semaphore_mem>>
      %dma_start3A_788 = tpu.memref_squeeze %dma_start3A_787 : memref<1x!tpu.dma_semaphore, #tpu.memory_space<semaphore_mem>> -> memref<!tpu.dma_semaphore, #tpu.memory_space<semaphore_mem>>
      tpu.enqueue_indirect_dma source(%dma_start3A_786 : memref<5600000x32xbf16, #tpu.memory_space<hbm>>) target(%dma_start3A_780 : memref<128x32xbf16, #tpu.memory_space<vmem>>) offsets(%dma_start3A_783 : memref<128xi32, #tpu.memory_space<vmem>>) semaphore(%dma_start3A_788 : memref<!tpu.dma_semaphore, #tpu.memory_space<semaphore_mem>>)
      %dma_wait3A_789 = arith.constant 12 : i32
      %dma_wait3A_790 = arith.constant 0 : i32
      %dma_wait3A_791 = arith.constant 0 : i32
      %dma_wait3A_792 = arith.constant 0 : i32
      %dma_wait3A_793 = arith.constant 0 : i32
      %dma_wait3A_794 = tpu.memref_slice %arg10[%dma_wait3A_790, %dma_wait3A_792, %dma_wait3A_793] : memref<4x128x32xbf16, #tpu.memory_space<vmem>> -> memref<1x128x32xbf16, #tpu.memory_space<vmem>>
      %dma_wait3A_795 = tpu.memref_squeeze %dma_wait3A_794 : memref<1x128x32xbf16, #tpu.memory_space<vmem>> -> memref<128x32xbf16, #tpu.memory_space<vmem>>
      %dma_wait3A_796 = arith.constant 0 : i32
      %dma_wait3A_797 = tpu.memref_slice %arg8[%dma_wait3A_789, %dma_wait3A_796] : memref<24x128xi32, #tpu.memory_space<vmem>> -> memref<1x128xi32, #tpu.memory_space<vmem>>
      %dma_wait3A_798 = tpu.memref_squeeze %dma_wait3A_797 : memref<1x128xi32, #tpu.memory_space<vmem>> -> memref<128xi32, #tpu.memory_space<vmem>>
      %dma_wait3A_799 = arith.constant 0 : i32
      %dma_wait3A_800 = arith.constant 0 : i32
      %dma_wait3A_801 = tpu.memref_slice %arg2[%dma_wait3A_799, %dma_wait3A_800] : memref<5600000x32xbf16, #tpu.memory_space<hbm>> -> memref<5600000x32xbf16, #tpu.memory_space<hbm>>
      %dma_wait3A_802 = tpu.memref_slice %arg11[%dma_wait3A_791] : memref<4x!tpu.dma_semaphore, #tpu.memory_space<semaphore_mem>> -> memref<1x!tpu.dma_semaphore, #tpu.memory_space<semaphore_mem>>
      %dma_wait3A_803 = tpu.memref_squeeze %dma_wait3A_802 : memref<1x!tpu.dma_semaphore, #tpu.memory_space<semaphore_mem>> -> memref<!tpu.dma_semaphore, #tpu.memory_space<semaphore_mem>>
      tpu.wait_indirect_dma semaphore(%dma_wait3A_803 : memref<!tpu.dma_semaphore, #tpu.memory_space<semaphore_mem>>) src(%dma_wait3A_801 : memref<5600000x32xbf16, #tpu.memory_space<hbm>>) dst(%dma_wait3A_795 : memref<128x32xbf16, #tpu.memory_space<vmem>>)
      %dma_start3A_804 = arith.constant 0 : i32
      %dma_start3A_805 = arith.constant 12 : i32
      %dma_start3A_806 = arith.constant 0 : i32
      %dma_start3A_807 = arith.constant 0 : i32
      %dma_start3A_808 = arith.constant 0 : i32
      %dma_start3A_809 = tpu.memref_slice %arg10[%dma_start3A_804, %dma_start3A_807, %dma_start3A_808] : memref<4x128x32xbf16, #tpu.memory_space<vmem>> -> memref<1x128x32xbf16, #tpu.memory_space<vmem>>
      %dma_start3A_810 = tpu.memref_squeeze %dma_start3A_809 : memref<1x128x32xbf16, #tpu.memory_space<vmem>> -> memref<128x32xbf16, #tpu.memory_space<vmem>>
      %dma_start3A_811 = arith.constant 0 : i32
      %dma_start3A_812 = tpu.memref_slice %arg9[%dma_start3A_805, %dma_start3A_811] : memref<24x128xi32, #tpu.memory_space<vmem>> -> memref<1x128xi32, #tpu.memory_space<vmem>>
      %dma_start3A_813 = tpu.memref_squeeze %dma_start3A_812 : memref<1x128xi32, #tpu.memory_space<vmem>> -> memref<128xi32, #tpu.memory_space<vmem>>
      %dma_start3A_814 = arith.constant 0 : i32
      %dma_start3A_815 = arith.constant 0 : i32
      %dma_start3A_816 = tpu.memref_slice %arg7[%dma_start3A_814, %dma_start3A_815] : memref<100096x32xbf16, #tpu.memory_space<vmem_shared>> -> memref<100096x32xbf16, #tpu.memory_space<vmem_shared>>
      %dma_start3A_817 = tpu.memref_slice %arg12[%dma_start3A_806] : memref<4x!tpu.dma_semaphore, #tpu.memory_space<semaphore_mem>> -> memref<1x!tpu.dma_semaphore, #tpu.memory_space<semaphore_mem>>
      %dma_start3A_818 = tpu.memref_squeeze %dma_start3A_817 : memref<1x!tpu.dma_semaphore, #tpu.memory_space<semaphore_mem>> -> memref<!tpu.dma_semaphore, #tpu.memory_space<semaphore_mem>>
      tpu.enqueue_indirect_dma source(%dma_start3A_810 : memref<128x32xbf16, #tpu.memory_space<vmem>>) target(%dma_start3A_816 : memref<100096x32xbf16, #tpu.memory_space<vmem_shared>>) offsets(%dma_start3A_813 : memref<128xi32, #tpu.memory_space<vmem>>) semaphore(%dma_start3A_818 : memref<!tpu.dma_semaphore, #tpu.memory_space<semaphore_mem>>) {add = true}
      %dma_wait3A_819 = arith.constant 3 : i32
      %dma_wait3A_820 = arith.constant 11 : i32
      %dma_wait3A_821 = arith.constant 3 : i32
      %dma_wait3A_822 = arith.constant 0 : i32
      %dma_wait3A_823 = arith.constant 0 : i32
      %dma_wait3A_824 = tpu.memref_slice %arg10[%dma_wait3A_819, %dma_wait3A_822, %dma_wait3A_823] : memref<4x128x32xbf16, #tpu.memory_space<vmem>> -> memref<1x128x32xbf16, #tpu.memory_space<vmem>>
      %dma_wait3A_825 = tpu.memref_squeeze %dma_wait3A_824 : memref<1x128x32xbf16, #tpu.memory_space<vmem>> -> memref<128x32xbf16, #tpu.memory_space<vmem>>
      %dma_wait3A_826 = arith.constant 0 : i32
      %dma_wait3A_827 = tpu.memref_slice %arg9[%dma_wait3A_820, %dma_wait3A_826] : memref<24x128xi32, #tpu.memory_space<vmem>> -> memref<1x128xi32, #tpu.memory_space<vmem>>
      %dma_wait3A_828 = tpu.memref_squeeze %dma_wait3A_827 : memref<1x128xi32, #tpu.memory_space<vmem>> -> memref<128xi32, #tpu.memory_space<vmem>>
      %dma_wait3A_829 = arith.constant 0 : i32
      %dma_wait3A_830 = arith.constant 0 : i32
      %dma_wait3A_831 = tpu.memref_slice %arg7[%dma_wait3A_829, %dma_wait3A_830] : memref<100096x32xbf16, #tpu.memory_space<vmem_shared>> -> memref<100096x32xbf16, #tpu.memory_space<vmem_shared>>
      %dma_wait3A_832 = tpu.memref_slice %arg12[%dma_wait3A_821] : memref<4x!tpu.dma_semaphore, #tpu.memory_space<semaphore_mem>> -> memref<1x!tpu.dma_semaphore, #tpu.memory_space<semaphore_mem>>
      %dma_wait3A_833 = tpu.memref_squeeze %dma_wait3A_832 : memref<1x!tpu.dma_semaphore, #tpu.memory_space<semaphore_mem>> -> memref<!tpu.dma_semaphore, #tpu.memory_space<semaphore_mem>>
      tpu.wait_indirect_dma semaphore(%dma_wait3A_833 : memref<!tpu.dma_semaphore, #tpu.memory_space<semaphore_mem>>) src(%dma_wait3A_825 : memref<128x32xbf16, #tpu.memory_space<vmem>>) dst(%dma_wait3A_831 : memref<100096x32xbf16, #tpu.memory_space<vmem_shared>>)
      %dma_start3A_834 = arith.constant 15 : i32
      %dma_start3A_835 = arith.constant 3 : i32
      %dma_start3A_836 = arith.constant 3 : i32
      %dma_start3A_837 = arith.constant 0 : i32
      %dma_start3A_838 = arith.constant 0 : i32
      %dma_start3A_839 = tpu.memref_slice %arg10[%dma_start3A_835, %dma_start3A_837, %dma_start3A_838] : memref<4x128x32xbf16, #tpu.memory_space<vmem>> -> memref<1x128x32xbf16, #tpu.memory_space<vmem>>
      %dma_start3A_840 = tpu.memref_squeeze %dma_start3A_839 : memref<1x128x32xbf16, #tpu.memory_space<vmem>> -> memref<128x32xbf16, #tpu.memory_space<vmem>>
      %dma_start3A_841 = arith.constant 0 : i32
      %dma_start3A_842 = tpu.memref_slice %arg8[%dma_start3A_834, %dma_start3A_841] : memref<24x128xi32, #tpu.memory_space<vmem>> -> memref<1x128xi32, #tpu.memory_space<vmem>>
      %dma_start3A_843 = tpu.memref_squeeze %dma_start3A_842 : memref<1x128xi32, #tpu.memory_space<vmem>> -> memref<128xi32, #tpu.memory_space<vmem>>
      %dma_start3A_844 = arith.constant 0 : i32
      %dma_start3A_845 = arith.constant 0 : i32
      %dma_start3A_846 = tpu.memref_slice %arg2[%dma_start3A_844, %dma_start3A_845] : memref<5600000x32xbf16, #tpu.memory_space<hbm>> -> memref<5600000x32xbf16, #tpu.memory_space<hbm>>
      %dma_start3A_847 = tpu.memref_slice %arg11[%dma_start3A_836] : memref<4x!tpu.dma_semaphore, #tpu.memory_space<semaphore_mem>> -> memref<1x!tpu.dma_semaphore, #tpu.memory_space<semaphore_mem>>
      %dma_start3A_848 = tpu.memref_squeeze %dma_start3A_847 : memref<1x!tpu.dma_semaphore, #tpu.memory_space<semaphore_mem>> -> memref<!tpu.dma_semaphore, #tpu.memory_space<semaphore_mem>>
      tpu.enqueue_indirect_dma source(%dma_start3A_846 : memref<5600000x32xbf16, #tpu.memory_space<hbm>>) target(%dma_start3A_840 : memref<128x32xbf16, #tpu.memory_space<vmem>>) offsets(%dma_start3A_843 : memref<128xi32, #tpu.memory_space<vmem>>) semaphore(%dma_start3A_848 : memref<!tpu.dma_semaphore, #tpu.memory_space<semaphore_mem>>)
      %dma_wait3A_849 = arith.constant 13 : i32
      %dma_wait3A_850 = arith.constant 1 : i32
      %dma_wait3A_851 = arith.constant 1 : i32
      %dma_wait3A_852 = arith.constant 0 : i32
      %dma_wait3A_853 = arith.constant 0 : i32
      %dma_wait3A_854 = tpu.memref_slice %arg10[%dma_wait3A_850, %dma_wait3A_852, %dma_wait3A_853] : memref<4x128x32xbf16, #tpu.memory_space<vmem>> -> memref<1x128x32xbf16, #tpu.memory_space<vmem>>
      %dma_wait3A_855 = tpu.memref_squeeze %dma_wait3A_854 : memref<1x128x32xbf16, #tpu.memory_space<vmem>> -> memref<128x32xbf16, #tpu.memory_space<vmem>>
      %dma_wait3A_856 = arith.constant 0 : i32
      %dma_wait3A_857 = tpu.memref_slice %arg8[%dma_wait3A_849, %dma_wait3A_856] : memref<24x128xi32, #tpu.memory_space<vmem>> -> memref<1x128xi32, #tpu.memory_space<vmem>>
      %dma_wait3A_858 = tpu.memref_squeeze %dma_wait3A_857 : memref<1x128xi32, #tpu.memory_space<vmem>> -> memref<128xi32, #tpu.memory_space<vmem>>
      %dma_wait3A_859 = arith.constant 0 : i32
      %dma_wait3A_860 = arith.constant 0 : i32
      %dma_wait3A_861 = tpu.memref_slice %arg2[%dma_wait3A_859, %dma_wait3A_860] : memref<5600000x32xbf16, #tpu.memory_space<hbm>> -> memref<5600000x32xbf16, #tpu.memory_space<hbm>>
      %dma_wait3A_862 = tpu.memref_slice %arg11[%dma_wait3A_851] : memref<4x!tpu.dma_semaphore, #tpu.memory_space<semaphore_mem>> -> memref<1x!tpu.dma_semaphore, #tpu.memory_space<semaphore_mem>>
      %dma_wait3A_863 = tpu.memref_squeeze %dma_wait3A_862 : memref<1x!tpu.dma_semaphore, #tpu.memory_space<semaphore_mem>> -> memref<!tpu.dma_semaphore, #tpu.memory_space<semaphore_mem>>
      tpu.wait_indirect_dma semaphore(%dma_wait3A_863 : memref<!tpu.dma_semaphore, #tpu.memory_space<semaphore_mem>>) src(%dma_wait3A_861 : memref<5600000x32xbf16, #tpu.memory_space<hbm>>) dst(%dma_wait3A_855 : memref<128x32xbf16, #tpu.memory_space<vmem>>)
      %dma_start3A_864 = arith.constant 1 : i32
      %dma_start3A_865 = arith.constant 13 : i32
      %dma_start3A_866 = arith.constant 1 : i32
      %dma_start3A_867 = arith.constant 0 : i32
      %dma_start3A_868 = arith.constant 0 : i32
      %dma_start3A_869 = tpu.memref_slice %arg10[%dma_start3A_864, %dma_start3A_867, %dma_start3A_868] : memref<4x128x32xbf16, #tpu.memory_space<vmem>> -> memref<1x128x32xbf16, #tpu.memory_space<vmem>>
      %dma_start3A_870 = tpu.memref_squeeze %dma_start3A_869 : memref<1x128x32xbf16, #tpu.memory_space<vmem>> -> memref<128x32xbf16, #tpu.memory_space<vmem>>
      %dma_start3A_871 = arith.constant 0 : i32
      %dma_start3A_872 = tpu.memref_slice %arg9[%dma_start3A_865, %dma_start3A_871] : memref<24x128xi32, #tpu.memory_space<vmem>> -> memref<1x128xi32, #tpu.memory_space<vmem>>
      %dma_start3A_873 = tpu.memref_squeeze %dma_start3A_872 : memref<1x128xi32, #tpu.memory_space<vmem>> -> memref<128xi32, #tpu.memory_space<vmem>>
      %dma_start3A_874 = arith.constant 0 : i32
      %dma_start3A_875 = arith.constant 0 : i32
      %dma_start3A_876 = tpu.memref_slice %arg7[%dma_start3A_874, %dma_start3A_875] : memref<100096x32xbf16, #tpu.memory_space<vmem_shared>> -> memref<100096x32xbf16, #tpu.memory_space<vmem_shared>>
      %dma_start3A_877 = tpu.memref_slice %arg12[%dma_start3A_866] : memref<4x!tpu.dma_semaphore, #tpu.memory_space<semaphore_mem>> -> memref<1x!tpu.dma_semaphore, #tpu.memory_space<semaphore_mem>>
      %dma_start3A_878 = tpu.memref_squeeze %dma_start3A_877 : memref<1x!tpu.dma_semaphore, #tpu.memory_space<semaphore_mem>> -> memref<!tpu.dma_semaphore, #tpu.memory_space<semaphore_mem>>
      tpu.enqueue_indirect_dma source(%dma_start3A_870 : memref<128x32xbf16, #tpu.memory_space<vmem>>) target(%dma_start3A_876 : memref<100096x32xbf16, #tpu.memory_space<vmem_shared>>) offsets(%dma_start3A_873 : memref<128xi32, #tpu.memory_space<vmem>>) semaphore(%dma_start3A_878 : memref<!tpu.dma_semaphore, #tpu.memory_space<semaphore_mem>>) {add = true}
      %dma_wait3A_879 = arith.constant 0 : i32
      %dma_wait3A_880 = arith.constant 12 : i32
      %dma_wait3A_881 = arith.constant 0 : i32
      %dma_wait3A_882 = arith.constant 0 : i32
      %dma_wait3A_883 = arith.constant 0 : i32
      %dma_wait3A_884 = tpu.memref_slice %arg10[%dma_wait3A_879, %dma_wait3A_882, %dma_wait3A_883] : memref<4x128x32xbf16, #tpu.memory_space<vmem>> -> memref<1x128x32xbf16, #tpu.memory_space<vmem>>
      %dma_wait3A_885 = tpu.memref_squeeze %dma_wait3A_884 : memref<1x128x32xbf16, #tpu.memory_space<vmem>> -> memref<128x32xbf16, #tpu.memory_space<vmem>>
      %dma_wait3A_886 = arith.constant 0 : i32
      %dma_wait3A_887 = tpu.memref_slice %arg9[%dma_wait3A_880, %dma_wait3A_886] : memref<24x128xi32, #tpu.memory_space<vmem>> -> memref<1x128xi32, #tpu.memory_space<vmem>>
      %dma_wait3A_888 = tpu.memref_squeeze %dma_wait3A_887 : memref<1x128xi32, #tpu.memory_space<vmem>> -> memref<128xi32, #tpu.memory_space<vmem>>
      %dma_wait3A_889 = arith.constant 0 : i32
      %dma_wait3A_890 = arith.constant 0 : i32
      %dma_wait3A_891 = tpu.memref_slice %arg7[%dma_wait3A_889, %dma_wait3A_890] : memref<100096x32xbf16, #tpu.memory_space<vmem_shared>> -> memref<100096x32xbf16, #tpu.memory_space<vmem_shared>>
      %dma_wait3A_892 = tpu.memref_slice %arg12[%dma_wait3A_881] : memref<4x!tpu.dma_semaphore, #tpu.memory_space<semaphore_mem>> -> memref<1x!tpu.dma_semaphore, #tpu.memory_space<semaphore_mem>>
      %dma_wait3A_893 = tpu.memref_squeeze %dma_wait3A_892 : memref<1x!tpu.dma_semaphore, #tpu.memory_space<semaphore_mem>> -> memref<!tpu.dma_semaphore, #tpu.memory_space<semaphore_mem>>
      tpu.wait_indirect_dma semaphore(%dma_wait3A_893 : memref<!tpu.dma_semaphore, #tpu.memory_space<semaphore_mem>>) src(%dma_wait3A_885 : memref<128x32xbf16, #tpu.memory_space<vmem>>) dst(%dma_wait3A_891 : memref<100096x32xbf16, #tpu.memory_space<vmem_shared>>)
      %dma_start3A_894 = arith.constant 16 : i32
      %dma_start3A_895 = arith.constant 0 : i32
      %dma_start3A_896 = arith.constant 0 : i32
      %dma_start3A_897 = arith.constant 0 : i32
      %dma_start3A_898 = arith.constant 0 : i32
      %dma_start3A_899 = tpu.memref_slice %arg10[%dma_start3A_895, %dma_start3A_897, %dma_start3A_898] : memref<4x128x32xbf16, #tpu.memory_space<vmem>> -> memref<1x128x32xbf16, #tpu.memory_space<vmem>>
      %dma_start3A_900 = tpu.memref_squeeze %dma_start3A_899 : memref<1x128x32xbf16, #tpu.memory_space<vmem>> -> memref<128x32xbf16, #tpu.memory_space<vmem>>
      %dma_start3A_901 = arith.constant 0 : i32
      %dma_start3A_902 = tpu.memref_slice %arg8[%dma_start3A_894, %dma_start3A_901] : memref<24x128xi32, #tpu.memory_space<vmem>> -> memref<1x128xi32, #tpu.memory_space<vmem>>
      %dma_start3A_903 = tpu.memref_squeeze %dma_start3A_902 : memref<1x128xi32, #tpu.memory_space<vmem>> -> memref<128xi32, #tpu.memory_space<vmem>>
      %dma_start3A_904 = arith.constant 0 : i32
      %dma_start3A_905 = arith.constant 0 : i32
      %dma_start3A_906 = tpu.memref_slice %arg2[%dma_start3A_904, %dma_start3A_905] : memref<5600000x32xbf16, #tpu.memory_space<hbm>> -> memref<5600000x32xbf16, #tpu.memory_space<hbm>>
      %dma_start3A_907 = tpu.memref_slice %arg11[%dma_start3A_896] : memref<4x!tpu.dma_semaphore, #tpu.memory_space<semaphore_mem>> -> memref<1x!tpu.dma_semaphore, #tpu.memory_space<semaphore_mem>>
      %dma_start3A_908 = tpu.memref_squeeze %dma_start3A_907 : memref<1x!tpu.dma_semaphore, #tpu.memory_space<semaphore_mem>> -> memref<!tpu.dma_semaphore, #tpu.memory_space<semaphore_mem>>
      tpu.enqueue_indirect_dma source(%dma_start3A_906 : memref<5600000x32xbf16, #tpu.memory_space<hbm>>) target(%dma_start3A_900 : memref<128x32xbf16, #tpu.memory_space<vmem>>) offsets(%dma_start3A_903 : memref<128xi32, #tpu.memory_space<vmem>>) semaphore(%dma_start3A_908 : memref<!tpu.dma_semaphore, #tpu.memory_space<semaphore_mem>>)
      %dma_wait3A_909 = arith.constant 14 : i32
      %dma_wait3A_910 = arith.constant 2 : i32
      %dma_wait3A_911 = arith.constant 2 : i32
      %dma_wait3A_912 = arith.constant 0 : i32
      %dma_wait3A_913 = arith.constant 0 : i32
      %dma_wait3A_914 = tpu.memref_slice %arg10[%dma_wait3A_910, %dma_wait3A_912, %dma_wait3A_913] : memref<4x128x32xbf16, #tpu.memory_space<vmem>> -> memref<1x128x32xbf16, #tpu.memory_space<vmem>>
      %dma_wait3A_915 = tpu.memref_squeeze %dma_wait3A_914 : memref<1x128x32xbf16, #tpu.memory_space<vmem>> -> memref<128x32xbf16, #tpu.memory_space<vmem>>
      %dma_wait3A_916 = arith.constant 0 : i32
      %dma_wait3A_917 = tpu.memref_slice %arg8[%dma_wait3A_909, %dma_wait3A_916] : memref<24x128xi32, #tpu.memory_space<vmem>> -> memref<1x128xi32, #tpu.memory_space<vmem>>
      %dma_wait3A_918 = tpu.memref_squeeze %dma_wait3A_917 : memref<1x128xi32, #tpu.memory_space<vmem>> -> memref<128xi32, #tpu.memory_space<vmem>>
      %dma_wait3A_919 = arith.constant 0 : i32
      %dma_wait3A_920 = arith.constant 0 : i32
      %dma_wait3A_921 = tpu.memref_slice %arg2[%dma_wait3A_919, %dma_wait3A_920] : memref<5600000x32xbf16, #tpu.memory_space<hbm>> -> memref<5600000x32xbf16, #tpu.memory_space<hbm>>
      %dma_wait3A_922 = tpu.memref_slice %arg11[%dma_wait3A_911] : memref<4x!tpu.dma_semaphore, #tpu.memory_space<semaphore_mem>> -> memref<1x!tpu.dma_semaphore, #tpu.memory_space<semaphore_mem>>
      %dma_wait3A_923 = tpu.memref_squeeze %dma_wait3A_922 : memref<1x!tpu.dma_semaphore, #tpu.memory_space<semaphore_mem>> -> memref<!tpu.dma_semaphore, #tpu.memory_space<semaphore_mem>>
      tpu.wait_indirect_dma semaphore(%dma_wait3A_923 : memref<!tpu.dma_semaphore, #tpu.memory_space<semaphore_mem>>) src(%dma_wait3A_921 : memref<5600000x32xbf16, #tpu.memory_space<hbm>>) dst(%dma_wait3A_915 : memref<128x32xbf16, #tpu.memory_space<vmem>>)
      %dma_start3A_924 = arith.constant 2 : i32
      %dma_start3A_925 = arith.constant 14 : i32
      %dma_start3A_926 = arith.constant 2 : i32
      %dma_start3A_927 = arith.constant 0 : i32
      %dma_start3A_928 = arith.constant 0 : i32
      %dma_start3A_929 = tpu.memref_slice %arg10[%dma_start3A_924, %dma_start3A_927, %dma_start3A_928] : memref<4x128x32xbf16, #tpu.memory_space<vmem>> -> memref<1x128x32xbf16, #tpu.memory_space<vmem>>
      %dma_start3A_930 = tpu.memref_squeeze %dma_start3A_929 : memref<1x128x32xbf16, #tpu.memory_space<vmem>> -> memref<128x32xbf16, #tpu.memory_space<vmem>>
      %dma_start3A_931 = arith.constant 0 : i32
      %dma_start3A_932 = tpu.memref_slice %arg9[%dma_start3A_925, %dma_start3A_931] : memref<24x128xi32, #tpu.memory_space<vmem>> -> memref<1x128xi32, #tpu.memory_space<vmem>>
      %dma_start3A_933 = tpu.memref_squeeze %dma_start3A_932 : memref<1x128xi32, #tpu.memory_space<vmem>> -> memref<128xi32, #tpu.memory_space<vmem>>
      %dma_start3A_934 = arith.constant 0 : i32
      %dma_start3A_935 = arith.constant 0 : i32
      %dma_start3A_936 = tpu.memref_slice %arg7[%dma_start3A_934, %dma_start3A_935] : memref<100096x32xbf16, #tpu.memory_space<vmem_shared>> -> memref<100096x32xbf16, #tpu.memory_space<vmem_shared>>
      %dma_start3A_937 = tpu.memref_slice %arg12[%dma_start3A_926] : memref<4x!tpu.dma_semaphore, #tpu.memory_space<semaphore_mem>> -> memref<1x!tpu.dma_semaphore, #tpu.memory_space<semaphore_mem>>
      %dma_start3A_938 = tpu.memref_squeeze %dma_start3A_937 : memref<1x!tpu.dma_semaphore, #tpu.memory_space<semaphore_mem>> -> memref<!tpu.dma_semaphore, #tpu.memory_space<semaphore_mem>>
      tpu.enqueue_indirect_dma source(%dma_start3A_930 : memref<128x32xbf16, #tpu.memory_space<vmem>>) target(%dma_start3A_936 : memref<100096x32xbf16, #tpu.memory_space<vmem_shared>>) offsets(%dma_start3A_933 : memref<128xi32, #tpu.memory_space<vmem>>) semaphore(%dma_start3A_938 : memref<!tpu.dma_semaphore, #tpu.memory_space<semaphore_mem>>) {add = true}
      %dma_wait3A_939 = arith.constant 1 : i32
      %dma_wait3A_940 = arith.constant 13 : i32
      %dma_wait3A_941 = arith.constant 1 : i32
      %dma_wait3A_942 = arith.constant 0 : i32
      %dma_wait3A_943 = arith.constant 0 : i32
      %dma_wait3A_944 = tpu.memref_slice %arg10[%dma_wait3A_939, %dma_wait3A_942, %dma_wait3A_943] : memref<4x128x32xbf16, #tpu.memory_space<vmem>> -> memref<1x128x32xbf16, #tpu.memory_space<vmem>>
      %dma_wait3A_945 = tpu.memref_squeeze %dma_wait3A_944 : memref<1x128x32xbf16, #tpu.memory_space<vmem>> -> memref<128x32xbf16, #tpu.memory_space<vmem>>
      %dma_wait3A_946 = arith.constant 0 : i32
      %dma_wait3A_947 = tpu.memref_slice %arg9[%dma_wait3A_940, %dma_wait3A_946] : memref<24x128xi32, #tpu.memory_space<vmem>> -> memref<1x128xi32, #tpu.memory_space<vmem>>
      %dma_wait3A_948 = tpu.memref_squeeze %dma_wait3A_947 : memref<1x128xi32, #tpu.memory_space<vmem>> -> memref<128xi32, #tpu.memory_space<vmem>>
      %dma_wait3A_949 = arith.constant 0 : i32
      %dma_wait3A_950 = arith.constant 0 : i32
      %dma_wait3A_951 = tpu.memref_slice %arg7[%dma_wait3A_949, %dma_wait3A_950] : memref<100096x32xbf16, #tpu.memory_space<vmem_shared>> -> memref<100096x32xbf16, #tpu.memory_space<vmem_shared>>
      %dma_wait3A_952 = tpu.memref_slice %arg12[%dma_wait3A_941] : memref<4x!tpu.dma_semaphore, #tpu.memory_space<semaphore_mem>> -> memref<1x!tpu.dma_semaphore, #tpu.memory_space<semaphore_mem>>
      %dma_wait3A_953 = tpu.memref_squeeze %dma_wait3A_952 : memref<1x!tpu.dma_semaphore, #tpu.memory_space<semaphore_mem>> -> memref<!tpu.dma_semaphore, #tpu.memory_space<semaphore_mem>>
      tpu.wait_indirect_dma semaphore(%dma_wait3A_953 : memref<!tpu.dma_semaphore, #tpu.memory_space<semaphore_mem>>) src(%dma_wait3A_945 : memref<128x32xbf16, #tpu.memory_space<vmem>>) dst(%dma_wait3A_951 : memref<100096x32xbf16, #tpu.memory_space<vmem_shared>>)
      %dma_start3A_954 = arith.constant 17 : i32
      %dma_start3A_955 = arith.constant 1 : i32
      %dma_start3A_956 = arith.constant 1 : i32
      %dma_start3A_957 = arith.constant 0 : i32
      %dma_start3A_958 = arith.constant 0 : i32
      %dma_start3A_959 = tpu.memref_slice %arg10[%dma_start3A_955, %dma_start3A_957, %dma_start3A_958] : memref<4x128x32xbf16, #tpu.memory_space<vmem>> -> memref<1x128x32xbf16, #tpu.memory_space<vmem>>
      %dma_start3A_960 = tpu.memref_squeeze %dma_start3A_959 : memref<1x128x32xbf16, #tpu.memory_space<vmem>> -> memref<128x32xbf16, #tpu.memory_space<vmem>>
      %dma_start3A_961 = arith.constant 0 : i32
      %dma_start3A_962 = tpu.memref_slice %arg8[%dma_start3A_954, %dma_start3A_961] : memref<24x128xi32, #tpu.memory_space<vmem>> -> memref<1x128xi32, #tpu.memory_space<vmem>>
      %dma_start3A_963 = tpu.memref_squeeze %dma_start3A_962 : memref<1x128xi32, #tpu.memory_space<vmem>> -> memref<128xi32, #tpu.memory_space<vmem>>
      %dma_start3A_964 = arith.constant 0 : i32
      %dma_start3A_965 = arith.constant 0 : i32
      %dma_start3A_966 = tpu.memref_slice %arg2[%dma_start3A_964, %dma_start3A_965] : memref<5600000x32xbf16, #tpu.memory_space<hbm>> -> memref<5600000x32xbf16, #tpu.memory_space<hbm>>
      %dma_start3A_967 = tpu.memref_slice %arg11[%dma_start3A_956] : memref<4x!tpu.dma_semaphore, #tpu.memory_space<semaphore_mem>> -> memref<1x!tpu.dma_semaphore, #tpu.memory_space<semaphore_mem>>
      %dma_start3A_968 = tpu.memref_squeeze %dma_start3A_967 : memref<1x!tpu.dma_semaphore, #tpu.memory_space<semaphore_mem>> -> memref<!tpu.dma_semaphore, #tpu.memory_space<semaphore_mem>>
      tpu.enqueue_indirect_dma source(%dma_start3A_966 : memref<5600000x32xbf16, #tpu.memory_space<hbm>>) target(%dma_start3A_960 : memref<128x32xbf16, #tpu.memory_space<vmem>>) offsets(%dma_start3A_963 : memref<128xi32, #tpu.memory_space<vmem>>) semaphore(%dma_start3A_968 : memref<!tpu.dma_semaphore, #tpu.memory_space<semaphore_mem>>)
      %dma_wait3A_969 = arith.constant 15 : i32
      %dma_wait3A_970 = arith.constant 3 : i32
      %dma_wait3A_971 = arith.constant 3 : i32
      %dma_wait3A_972 = arith.constant 0 : i32
      %dma_wait3A_973 = arith.constant 0 : i32
      %dma_wait3A_974 = tpu.memref_slice %arg10[%dma_wait3A_970, %dma_wait3A_972, %dma_wait3A_973] : memref<4x128x32xbf16, #tpu.memory_space<vmem>> -> memref<1x128x32xbf16, #tpu.memory_space<vmem>>
      %dma_wait3A_975 = tpu.memref_squeeze %dma_wait3A_974 : memref<1x128x32xbf16, #tpu.memory_space<vmem>> -> memref<128x32xbf16, #tpu.memory_space<vmem>>
      %dma_wait3A_976 = arith.constant 0 : i32
      %dma_wait3A_977 = tpu.memref_slice %arg8[%dma_wait3A_969, %dma_wait3A_976] : memref<24x128xi32, #tpu.memory_space<vmem>> -> memref<1x128xi32, #tpu.memory_space<vmem>>
      %dma_wait3A_978 = tpu.memref_squeeze %dma_wait3A_977 : memref<1x128xi32, #tpu.memory_space<vmem>> -> memref<128xi32, #tpu.memory_space<vmem>>
      %dma_wait3A_979 = arith.constant 0 : i32
      %dma_wait3A_980 = arith.constant 0 : i32
      %dma_wait3A_981 = tpu.memref_slice %arg2[%dma_wait3A_979, %dma_wait3A_980] : memref<5600000x32xbf16, #tpu.memory_space<hbm>> -> memref<5600000x32xbf16, #tpu.memory_space<hbm>>
      %dma_wait3A_982 = tpu.memref_slice %arg11[%dma_wait3A_971] : memref<4x!tpu.dma_semaphore, #tpu.memory_space<semaphore_mem>> -> memref<1x!tpu.dma_semaphore, #tpu.memory_space<semaphore_mem>>
      %dma_wait3A_983 = tpu.memref_squeeze %dma_wait3A_982 : memref<1x!tpu.dma_semaphore, #tpu.memory_space<semaphore_mem>> -> memref<!tpu.dma_semaphore, #tpu.memory_space<semaphore_mem>>
      tpu.wait_indirect_dma semaphore(%dma_wait3A_983 : memref<!tpu.dma_semaphore, #tpu.memory_space<semaphore_mem>>) src(%dma_wait3A_981 : memref<5600000x32xbf16, #tpu.memory_space<hbm>>) dst(%dma_wait3A_975 : memref<128x32xbf16, #tpu.memory_space<vmem>>)
      %dma_start3A_984 = arith.constant 3 : i32
      %dma_start3A_985 = arith.constant 15 : i32
      %dma_start3A_986 = arith.constant 3 : i32
      %dma_start3A_987 = arith.constant 0 : i32
      %dma_start3A_988 = arith.constant 0 : i32
      %dma_start3A_989 = tpu.memref_slice %arg10[%dma_start3A_984, %dma_start3A_987, %dma_start3A_988] : memref<4x128x32xbf16, #tpu.memory_space<vmem>> -> memref<1x128x32xbf16, #tpu.memory_space<vmem>>
      %dma_start3A_990 = tpu.memref_squeeze %dma_start3A_989 : memref<1x128x32xbf16, #tpu.memory_space<vmem>> -> memref<128x32xbf16, #tpu.memory_space<vmem>>
      %dma_start3A_991 = arith.constant 0 : i32
      %dma_start3A_992 = tpu.memref_slice %arg9[%dma_start3A_985, %dma_start3A_991] : memref<24x128xi32, #tpu.memory_space<vmem>> -> memref<1x128xi32, #tpu.memory_space<vmem>>
      %dma_start3A_993 = tpu.memref_squeeze %dma_start3A_992 : memref<1x128xi32, #tpu.memory_space<vmem>> -> memref<128xi32, #tpu.memory_space<vmem>>
      %dma_start3A_994 = arith.constant 0 : i32
      %dma_start3A_995 = arith.constant 0 : i32
      %dma_start3A_996 = tpu.memref_slice %arg7[%dma_start3A_994, %dma_start3A_995] : memref<100096x32xbf16, #tpu.memory_space<vmem_shared>> -> memref<100096x32xbf16, #tpu.memory_space<vmem_shared>>
      %dma_start3A_997 = tpu.memref_slice %arg12[%dma_start3A_986] : memref<4x!tpu.dma_semaphore, #tpu.memory_space<semaphore_mem>> -> memref<1x!tpu.dma_semaphore, #tpu.memory_space<semaphore_mem>>
      %dma_start3A_998 = tpu.memref_squeeze %dma_start3A_997 : memref<1x!tpu.dma_semaphore, #tpu.memory_space<semaphore_mem>> -> memref<!tpu.dma_semaphore, #tpu.memory_space<semaphore_mem>>
      tpu.enqueue_indirect_dma source(%dma_start3A_990 : memref<128x32xbf16, #tpu.memory_space<vmem>>) target(%dma_start3A_996 : memref<100096x32xbf16, #tpu.memory_space<vmem_shared>>) offsets(%dma_start3A_993 : memref<128xi32, #tpu.memory_space<vmem>>) semaphore(%dma_start3A_998 : memref<!tpu.dma_semaphore, #tpu.memory_space<semaphore_mem>>) {add = true}
      %dma_wait3A_999 = arith.constant 2 : i32
      %dma_wait3A_1000 = arith.constant 14 : i32
      %dma_wait3A_1001 = arith.constant 2 : i32
      %dma_wait3A_1002 = arith.constant 0 : i32
      %dma_wait3A_1003 = arith.constant 0 : i32
      %dma_wait3A_1004 = tpu.memref_slice %arg10[%dma_wait3A_999, %dma_wait3A_1002, %dma_wait3A_1003] : memref<4x128x32xbf16, #tpu.memory_space<vmem>> -> memref<1x128x32xbf16, #tpu.memory_space<vmem>>
      %dma_wait3A_1005 = tpu.memref_squeeze %dma_wait3A_1004 : memref<1x128x32xbf16, #tpu.memory_space<vmem>> -> memref<128x32xbf16, #tpu.memory_space<vmem>>
      %dma_wait3A_1006 = arith.constant 0 : i32
      %dma_wait3A_1007 = tpu.memref_slice %arg9[%dma_wait3A_1000, %dma_wait3A_1006] : memref<24x128xi32, #tpu.memory_space<vmem>> -> memref<1x128xi32, #tpu.memory_space<vmem>>
      %dma_wait3A_1008 = tpu.memref_squeeze %dma_wait3A_1007 : memref<1x128xi32, #tpu.memory_space<vmem>> -> memref<128xi32, #tpu.memory_space<vmem>>
      %dma_wait3A_1009 = arith.constant 0 : i32
      %dma_wait3A_1010 = arith.constant 0 : i32
      %dma_wait3A_1011 = tpu.memref_slice %arg7[%dma_wait3A_1009, %dma_wait3A_1010] : memref<100096x32xbf16, #tpu.memory_space<vmem_shared>> -> memref<100096x32xbf16, #tpu.memory_space<vmem_shared>>
      %dma_wait3A_1012 = tpu.memref_slice %arg12[%dma_wait3A_1001] : memref<4x!tpu.dma_semaphore, #tpu.memory_space<semaphore_mem>> -> memref<1x!tpu.dma_semaphore, #tpu.memory_space<semaphore_mem>>
      %dma_wait3A_1013 = tpu.memref_squeeze %dma_wait3A_1012 : memref<1x!tpu.dma_semaphore, #tpu.memory_space<semaphore_mem>> -> memref<!tpu.dma_semaphore, #tpu.memory_space<semaphore_mem>>
      tpu.wait_indirect_dma semaphore(%dma_wait3A_1013 : memref<!tpu.dma_semaphore, #tpu.memory_space<semaphore_mem>>) src(%dma_wait3A_1005 : memref<128x32xbf16, #tpu.memory_space<vmem>>) dst(%dma_wait3A_1011 : memref<100096x32xbf16, #tpu.memory_space<vmem_shared>>)
      %dma_start3A_1014 = arith.constant 18 : i32
      %dma_start3A_1015 = arith.constant 2 : i32
      %dma_start3A_1016 = arith.constant 2 : i32
      %dma_start3A_1017 = arith.constant 0 : i32
      %dma_start3A_1018 = arith.constant 0 : i32
      %dma_start3A_1019 = tpu.memref_slice %arg10[%dma_start3A_1015, %dma_start3A_1017, %dma_start3A_1018] : memref<4x128x32xbf16, #tpu.memory_space<vmem>> -> memref<1x128x32xbf16, #tpu.memory_space<vmem>>
      %dma_start3A_1020 = tpu.memref_squeeze %dma_start3A_1019 : memref<1x128x32xbf16, #tpu.memory_space<vmem>> -> memref<128x32xbf16, #tpu.memory_space<vmem>>
      %dma_start3A_1021 = arith.constant 0 : i32
      %dma_start3A_1022 = tpu.memref_slice %arg8[%dma_start3A_1014, %dma_start3A_1021] : memref<24x128xi32, #tpu.memory_space<vmem>> -> memref<1x128xi32, #tpu.memory_space<vmem>>
      %dma_start3A_1023 = tpu.memref_squeeze %dma_start3A_1022 : memref<1x128xi32, #tpu.memory_space<vmem>> -> memref<128xi32, #tpu.memory_space<vmem>>
      %dma_start3A_1024 = arith.constant 0 : i32
      %dma_start3A_1025 = arith.constant 0 : i32
      %dma_start3A_1026 = tpu.memref_slice %arg2[%dma_start3A_1024, %dma_start3A_1025] : memref<5600000x32xbf16, #tpu.memory_space<hbm>> -> memref<5600000x32xbf16, #tpu.memory_space<hbm>>
      %dma_start3A_1027 = tpu.memref_slice %arg11[%dma_start3A_1016] : memref<4x!tpu.dma_semaphore, #tpu.memory_space<semaphore_mem>> -> memref<1x!tpu.dma_semaphore, #tpu.memory_space<semaphore_mem>>
      %dma_start3A_1028 = tpu.memref_squeeze %dma_start3A_1027 : memref<1x!tpu.dma_semaphore, #tpu.memory_space<semaphore_mem>> -> memref<!tpu.dma_semaphore, #tpu.memory_space<semaphore_mem>>
      tpu.enqueue_indirect_dma source(%dma_start3A_1026 : memref<5600000x32xbf16, #tpu.memory_space<hbm>>) target(%dma_start3A_1020 : memref<128x32xbf16, #tpu.memory_space<vmem>>) offsets(%dma_start3A_1023 : memref<128xi32, #tpu.memory_space<vmem>>) semaphore(%dma_start3A_1028 : memref<!tpu.dma_semaphore, #tpu.memory_space<semaphore_mem>>)
      %dma_wait3A_1029 = arith.constant 16 : i32
      %dma_wait3A_1030 = arith.constant 0 : i32
      %dma_wait3A_1031 = arith.constant 0 : i32
      %dma_wait3A_1032 = arith.constant 0 : i32
      %dma_wait3A_1033 = arith.constant 0 : i32
      %dma_wait3A_1034 = tpu.memref_slice %arg10[%dma_wait3A_1030, %dma_wait3A_1032, %dma_wait3A_1033] : memref<4x128x32xbf16, #tpu.memory_space<vmem>> -> memref<1x128x32xbf16, #tpu.memory_space<vmem>>
      %dma_wait3A_1035 = tpu.memref_squeeze %dma_wait3A_1034 : memref<1x128x32xbf16, #tpu.memory_space<vmem>> -> memref<128x32xbf16, #tpu.memory_space<vmem>>
      %dma_wait3A_1036 = arith.constant 0 : i32
      %dma_wait3A_1037 = tpu.memref_slice %arg8[%dma_wait3A_1029, %dma_wait3A_1036] : memref<24x128xi32, #tpu.memory_space<vmem>> -> memref<1x128xi32, #tpu.memory_space<vmem>>
      %dma_wait3A_1038 = tpu.memref_squeeze %dma_wait3A_1037 : memref<1x128xi32, #tpu.memory_space<vmem>> -> memref<128xi32, #tpu.memory_space<vmem>>
      %dma_wait3A_1039 = arith.constant 0 : i32
      %dma_wait3A_1040 = arith.constant 0 : i32
      %dma_wait3A_1041 = tpu.memref_slice %arg2[%dma_wait3A_1039, %dma_wait3A_1040] : memref<5600000x32xbf16, #tpu.memory_space<hbm>> -> memref<5600000x32xbf16, #tpu.memory_space<hbm>>
      %dma_wait3A_1042 = tpu.memref_slice %arg11[%dma_wait3A_1031] : memref<4x!tpu.dma_semaphore, #tpu.memory_space<semaphore_mem>> -> memref<1x!tpu.dma_semaphore, #tpu.memory_space<semaphore_mem>>
      %dma_wait3A_1043 = tpu.memref_squeeze %dma_wait3A_1042 : memref<1x!tpu.dma_semaphore, #tpu.memory_space<semaphore_mem>> -> memref<!tpu.dma_semaphore, #tpu.memory_space<semaphore_mem>>
      tpu.wait_indirect_dma semaphore(%dma_wait3A_1043 : memref<!tpu.dma_semaphore, #tpu.memory_space<semaphore_mem>>) src(%dma_wait3A_1041 : memref<5600000x32xbf16, #tpu.memory_space<hbm>>) dst(%dma_wait3A_1035 : memref<128x32xbf16, #tpu.memory_space<vmem>>)
      %dma_start3A_1044 = arith.constant 0 : i32
      %dma_start3A_1045 = arith.constant 16 : i32
      %dma_start3A_1046 = arith.constant 0 : i32
      %dma_start3A_1047 = arith.constant 0 : i32
      %dma_start3A_1048 = arith.constant 0 : i32
      %dma_start3A_1049 = tpu.memref_slice %arg10[%dma_start3A_1044, %dma_start3A_1047, %dma_start3A_1048] : memref<4x128x32xbf16, #tpu.memory_space<vmem>> -> memref<1x128x32xbf16, #tpu.memory_space<vmem>>
      %dma_start3A_1050 = tpu.memref_squeeze %dma_start3A_1049 : memref<1x128x32xbf16, #tpu.memory_space<vmem>> -> memref<128x32xbf16, #tpu.memory_space<vmem>>
      %dma_start3A_1051 = arith.constant 0 : i32
      %dma_start3A_1052 = tpu.memref_slice %arg9[%dma_start3A_1045, %dma_start3A_1051] : memref<24x128xi32, #tpu.memory_space<vmem>> -> memref<1x128xi32, #tpu.memory_space<vmem>>
      %dma_start3A_1053 = tpu.memref_squeeze %dma_start3A_1052 : memref<1x128xi32, #tpu.memory_space<vmem>> -> memref<128xi32, #tpu.memory_space<vmem>>
      %dma_start3A_1054 = arith.constant 0 : i32
      %dma_start3A_1055 = arith.constant 0 : i32
      %dma_start3A_1056 = tpu.memref_slice %arg7[%dma_start3A_1054, %dma_start3A_1055] : memref<100096x32xbf16, #tpu.memory_space<vmem_shared>> -> memref<100096x32xbf16, #tpu.memory_space<vmem_shared>>
      %dma_start3A_1057 = tpu.memref_slice %arg12[%dma_start3A_1046] : memref<4x!tpu.dma_semaphore, #tpu.memory_space<semaphore_mem>> -> memref<1x!tpu.dma_semaphore, #tpu.memory_space<semaphore_mem>>
      %dma_start3A_1058 = tpu.memref_squeeze %dma_start3A_1057 : memref<1x!tpu.dma_semaphore, #tpu.memory_space<semaphore_mem>> -> memref<!tpu.dma_semaphore, #tpu.memory_space<semaphore_mem>>
      tpu.enqueue_indirect_dma source(%dma_start3A_1050 : memref<128x32xbf16, #tpu.memory_space<vmem>>) target(%dma_start3A_1056 : memref<100096x32xbf16, #tpu.memory_space<vmem_shared>>) offsets(%dma_start3A_1053 : memref<128xi32, #tpu.memory_space<vmem>>) semaphore(%dma_start3A_1058 : memref<!tpu.dma_semaphore, #tpu.memory_space<semaphore_mem>>) {add = true}
      %dma_wait3A_1059 = arith.constant 3 : i32
      %dma_wait3A_1060 = arith.constant 15 : i32
      %dma_wait3A_1061 = arith.constant 3 : i32
      %dma_wait3A_1062 = arith.constant 0 : i32
      %dma_wait3A_1063 = arith.constant 0 : i32
      %dma_wait3A_1064 = tpu.memref_slice %arg10[%dma_wait3A_1059, %dma_wait3A_1062, %dma_wait3A_1063] : memref<4x128x32xbf16, #tpu.memory_space<vmem>> -> memref<1x128x32xbf16, #tpu.memory_space<vmem>>
      %dma_wait3A_1065 = tpu.memref_squeeze %dma_wait3A_1064 : memref<1x128x32xbf16, #tpu.memory_space<vmem>> -> memref<128x32xbf16, #tpu.memory_space<vmem>>
      %dma_wait3A_1066 = arith.constant 0 : i32
      %dma_wait3A_1067 = tpu.memref_slice %arg9[%dma_wait3A_1060, %dma_wait3A_1066] : memref<24x128xi32, #tpu.memory_space<vmem>> -> memref<1x128xi32, #tpu.memory_space<vmem>>
      %dma_wait3A_1068 = tpu.memref_squeeze %dma_wait3A_1067 : memref<1x128xi32, #tpu.memory_space<vmem>> -> memref<128xi32, #tpu.memory_space<vmem>>
      %dma_wait3A_1069 = arith.constant 0 : i32
      %dma_wait3A_1070 = arith.constant 0 : i32
      %dma_wait3A_1071 = tpu.memref_slice %arg7[%dma_wait3A_1069, %dma_wait3A_1070] : memref<100096x32xbf16, #tpu.memory_space<vmem_shared>> -> memref<100096x32xbf16, #tpu.memory_space<vmem_shared>>
      %dma_wait3A_1072 = tpu.memref_slice %arg12[%dma_wait3A_1061] : memref<4x!tpu.dma_semaphore, #tpu.memory_space<semaphore_mem>> -> memref<1x!tpu.dma_semaphore, #tpu.memory_space<semaphore_mem>>
      %dma_wait3A_1073 = tpu.memref_squeeze %dma_wait3A_1072 : memref<1x!tpu.dma_semaphore, #tpu.memory_space<semaphore_mem>> -> memref<!tpu.dma_semaphore, #tpu.memory_space<semaphore_mem>>
      tpu.wait_indirect_dma semaphore(%dma_wait3A_1073 : memref<!tpu.dma_semaphore, #tpu.memory_space<semaphore_mem>>) src(%dma_wait3A_1065 : memref<128x32xbf16, #tpu.memory_space<vmem>>) dst(%dma_wait3A_1071 : memref<100096x32xbf16, #tpu.memory_space<vmem_shared>>)
      %dma_start3A_1074 = arith.constant 19 : i32
      %dma_start3A_1075 = arith.constant 3 : i32
      %dma_start3A_1076 = arith.constant 3 : i32
      %dma_start3A_1077 = arith.constant 0 : i32
      %dma_start3A_1078 = arith.constant 0 : i32
      %dma_start3A_1079 = tpu.memref_slice %arg10[%dma_start3A_1075, %dma_start3A_1077, %dma_start3A_1078] : memref<4x128x32xbf16, #tpu.memory_space<vmem>> -> memref<1x128x32xbf16, #tpu.memory_space<vmem>>
      %dma_start3A_1080 = tpu.memref_squeeze %dma_start3A_1079 : memref<1x128x32xbf16, #tpu.memory_space<vmem>> -> memref<128x32xbf16, #tpu.memory_space<vmem>>
      %dma_start3A_1081 = arith.constant 0 : i32
      %dma_start3A_1082 = tpu.memref_slice %arg8[%dma_start3A_1074, %dma_start3A_1081] : memref<24x128xi32, #tpu.memory_space<vmem>> -> memref<1x128xi32, #tpu.memory_space<vmem>>
      %dma_start3A_1083 = tpu.memref_squeeze %dma_start3A_1082 : memref<1x128xi32, #tpu.memory_space<vmem>> -> memref<128xi32, #tpu.memory_space<vmem>>
      %dma_start3A_1084 = arith.constant 0 : i32
      %dma_start3A_1085 = arith.constant 0 : i32
      %dma_start3A_1086 = tpu.memref_slice %arg2[%dma_start3A_1084, %dma_start3A_1085] : memref<5600000x32xbf16, #tpu.memory_space<hbm>> -> memref<5600000x32xbf16, #tpu.memory_space<hbm>>
      %dma_start3A_1087 = tpu.memref_slice %arg11[%dma_start3A_1076] : memref<4x!tpu.dma_semaphore, #tpu.memory_space<semaphore_mem>> -> memref<1x!tpu.dma_semaphore, #tpu.memory_space<semaphore_mem>>
      %dma_start3A_1088 = tpu.memref_squeeze %dma_start3A_1087 : memref<1x!tpu.dma_semaphore, #tpu.memory_space<semaphore_mem>> -> memref<!tpu.dma_semaphore, #tpu.memory_space<semaphore_mem>>
      tpu.enqueue_indirect_dma source(%dma_start3A_1086 : memref<5600000x32xbf16, #tpu.memory_space<hbm>>) target(%dma_start3A_1080 : memref<128x32xbf16, #tpu.memory_space<vmem>>) offsets(%dma_start3A_1083 : memref<128xi32, #tpu.memory_space<vmem>>) semaphore(%dma_start3A_1088 : memref<!tpu.dma_semaphore, #tpu.memory_space<semaphore_mem>>)
      %dma_wait3A_1089 = arith.constant 17 : i32
      %dma_wait3A_1090 = arith.constant 1 : i32
      %dma_wait3A_1091 = arith.constant 1 : i32
      %dma_wait3A_1092 = arith.constant 0 : i32
      %dma_wait3A_1093 = arith.constant 0 : i32
      %dma_wait3A_1094 = tpu.memref_slice %arg10[%dma_wait3A_1090, %dma_wait3A_1092, %dma_wait3A_1093] : memref<4x128x32xbf16, #tpu.memory_space<vmem>> -> memref<1x128x32xbf16, #tpu.memory_space<vmem>>
      %dma_wait3A_1095 = tpu.memref_squeeze %dma_wait3A_1094 : memref<1x128x32xbf16, #tpu.memory_space<vmem>> -> memref<128x32xbf16, #tpu.memory_space<vmem>>
      %dma_wait3A_1096 = arith.constant 0 : i32
      %dma_wait3A_1097 = tpu.memref_slice %arg8[%dma_wait3A_1089, %dma_wait3A_1096] : memref<24x128xi32, #tpu.memory_space<vmem>> -> memref<1x128xi32, #tpu.memory_space<vmem>>
      %dma_wait3A_1098 = tpu.memref_squeeze %dma_wait3A_1097 : memref<1x128xi32, #tpu.memory_space<vmem>> -> memref<128xi32, #tpu.memory_space<vmem>>
      %dma_wait3A_1099 = arith.constant 0 : i32
      %dma_wait3A_1100 = arith.constant 0 : i32
      %dma_wait3A_1101 = tpu.memref_slice %arg2[%dma_wait3A_1099, %dma_wait3A_1100] : memref<5600000x32xbf16, #tpu.memory_space<hbm>> -> memref<5600000x32xbf16, #tpu.memory_space<hbm>>
      %dma_wait3A_1102 = tpu.memref_slice %arg11[%dma_wait3A_1091] : memref<4x!tpu.dma_semaphore, #tpu.memory_space<semaphore_mem>> -> memref<1x!tpu.dma_semaphore, #tpu.memory_space<semaphore_mem>>
      %dma_wait3A_1103 = tpu.memref_squeeze %dma_wait3A_1102 : memref<1x!tpu.dma_semaphore, #tpu.memory_space<semaphore_mem>> -> memref<!tpu.dma_semaphore, #tpu.memory_space<semaphore_mem>>
      tpu.wait_indirect_dma semaphore(%dma_wait3A_1103 : memref<!tpu.dma_semaphore, #tpu.memory_space<semaphore_mem>>) src(%dma_wait3A_1101 : memref<5600000x32xbf16, #tpu.memory_space<hbm>>) dst(%dma_wait3A_1095 : memref<128x32xbf16, #tpu.memory_space<vmem>>)
      %dma_start3A_1104 = arith.constant 1 : i32
      %dma_start3A_1105 = arith.constant 17 : i32
      %dma_start3A_1106 = arith.constant 1 : i32
      %dma_start3A_1107 = arith.constant 0 : i32
      %dma_start3A_1108 = arith.constant 0 : i32
      %dma_start3A_1109 = tpu.memref_slice %arg10[%dma_start3A_1104, %dma_start3A_1107, %dma_start3A_1108] : memref<4x128x32xbf16, #tpu.memory_space<vmem>> -> memref<1x128x32xbf16, #tpu.memory_space<vmem>>
      %dma_start3A_1110 = tpu.memref_squeeze %dma_start3A_1109 : memref<1x128x32xbf16, #tpu.memory_space<vmem>> -> memref<128x32xbf16, #tpu.memory_space<vmem>>
      %dma_start3A_1111 = arith.constant 0 : i32
      %dma_start3A_1112 = tpu.memref_slice %arg9[%dma_start3A_1105, %dma_start3A_1111] : memref<24x128xi32, #tpu.memory_space<vmem>> -> memref<1x128xi32, #tpu.memory_space<vmem>>
      %dma_start3A_1113 = tpu.memref_squeeze %dma_start3A_1112 : memref<1x128xi32, #tpu.memory_space<vmem>> -> memref<128xi32, #tpu.memory_space<vmem>>
      %dma_start3A_1114 = arith.constant 0 : i32
      %dma_start3A_1115 = arith.constant 0 : i32
      %dma_start3A_1116 = tpu.memref_slice %arg7[%dma_start3A_1114, %dma_start3A_1115] : memref<100096x32xbf16, #tpu.memory_space<vmem_shared>> -> memref<100096x32xbf16, #tpu.memory_space<vmem_shared>>
      %dma_start3A_1117 = tpu.memref_slice %arg12[%dma_start3A_1106] : memref<4x!tpu.dma_semaphore, #tpu.memory_space<semaphore_mem>> -> memref<1x!tpu.dma_semaphore, #tpu.memory_space<semaphore_mem>>
      %dma_start3A_1118 = tpu.memref_squeeze %dma_start3A_1117 : memref<1x!tpu.dma_semaphore, #tpu.memory_space<semaphore_mem>> -> memref<!tpu.dma_semaphore, #tpu.memory_space<semaphore_mem>>
      tpu.enqueue_indirect_dma source(%dma_start3A_1110 : memref<128x32xbf16, #tpu.memory_space<vmem>>) target(%dma_start3A_1116 : memref<100096x32xbf16, #tpu.memory_space<vmem_shared>>) offsets(%dma_start3A_1113 : memref<128xi32, #tpu.memory_space<vmem>>) semaphore(%dma_start3A_1118 : memref<!tpu.dma_semaphore, #tpu.memory_space<semaphore_mem>>) {add = true}
      %dma_wait3A_1119 = arith.constant 0 : i32
      %dma_wait3A_1120 = arith.constant 16 : i32
      %dma_wait3A_1121 = arith.constant 0 : i32
      %dma_wait3A_1122 = arith.constant 0 : i32
      %dma_wait3A_1123 = arith.constant 0 : i32
      %dma_wait3A_1124 = tpu.memref_slice %arg10[%dma_wait3A_1119, %dma_wait3A_1122, %dma_wait3A_1123] : memref<4x128x32xbf16, #tpu.memory_space<vmem>> -> memref<1x128x32xbf16, #tpu.memory_space<vmem>>
      %dma_wait3A_1125 = tpu.memref_squeeze %dma_wait3A_1124 : memref<1x128x32xbf16, #tpu.memory_space<vmem>> -> memref<128x32xbf16, #tpu.memory_space<vmem>>
      %dma_wait3A_1126 = arith.constant 0 : i32
      %dma_wait3A_1127 = tpu.memref_slice %arg9[%dma_wait3A_1120, %dma_wait3A_1126] : memref<24x128xi32, #tpu.memory_space<vmem>> -> memref<1x128xi32, #tpu.memory_space<vmem>>
      %dma_wait3A_1128 = tpu.memref_squeeze %dma_wait3A_1127 : memref<1x128xi32, #tpu.memory_space<vmem>> -> memref<128xi32, #tpu.memory_space<vmem>>
      %dma_wait3A_1129 = arith.constant 0 : i32
      %dma_wait3A_1130 = arith.constant 0 : i32
      %dma_wait3A_1131 = tpu.memref_slice %arg7[%dma_wait3A_1129, %dma_wait3A_1130] : memref<100096x32xbf16, #tpu.memory_space<vmem_shared>> -> memref<100096x32xbf16, #tpu.memory_space<vmem_shared>>
      %dma_wait3A_1132 = tpu.memref_slice %arg12[%dma_wait3A_1121] : memref<4x!tpu.dma_semaphore, #tpu.memory_space<semaphore_mem>> -> memref<1x!tpu.dma_semaphore, #tpu.memory_space<semaphore_mem>>
      %dma_wait3A_1133 = tpu.memref_squeeze %dma_wait3A_1132 : memref<1x!tpu.dma_semaphore, #tpu.memory_space<semaphore_mem>> -> memref<!tpu.dma_semaphore, #tpu.memory_space<semaphore_mem>>
      tpu.wait_indirect_dma semaphore(%dma_wait3A_1133 : memref<!tpu.dma_semaphore, #tpu.memory_space<semaphore_mem>>) src(%dma_wait3A_1125 : memref<128x32xbf16, #tpu.memory_space<vmem>>) dst(%dma_wait3A_1131 : memref<100096x32xbf16, #tpu.memory_space<vmem_shared>>)
      %dma_start3A_1134 = arith.constant 20 : i32
      %dma_start3A_1135 = arith.constant 0 : i32
      %dma_start3A_1136 = arith.constant 0 : i32
      %dma_start3A_1137 = arith.constant 0 : i32
      %dma_start3A_1138 = arith.constant 0 : i32
      %dma_start3A_1139 = tpu.memref_slice %arg10[%dma_start3A_1135, %dma_start3A_1137, %dma_start3A_1138] : memref<4x128x32xbf16, #tpu.memory_space<vmem>> -> memref<1x128x32xbf16, #tpu.memory_space<vmem>>
      %dma_start3A_1140 = tpu.memref_squeeze %dma_start3A_1139 : memref<1x128x32xbf16, #tpu.memory_space<vmem>> -> memref<128x32xbf16, #tpu.memory_space<vmem>>
      %dma_start3A_1141 = arith.constant 0 : i32
      %dma_start3A_1142 = tpu.memref_slice %arg8[%dma_start3A_1134, %dma_start3A_1141] : memref<24x128xi32, #tpu.memory_space<vmem>> -> memref<1x128xi32, #tpu.memory_space<vmem>>
      %dma_start3A_1143 = tpu.memref_squeeze %dma_start3A_1142 : memref<1x128xi32, #tpu.memory_space<vmem>> -> memref<128xi32, #tpu.memory_space<vmem>>
      %dma_start3A_1144 = arith.constant 0 : i32
      %dma_start3A_1145 = arith.constant 0 : i32
      %dma_start3A_1146 = tpu.memref_slice %arg2[%dma_start3A_1144, %dma_start3A_1145] : memref<5600000x32xbf16, #tpu.memory_space<hbm>> -> memref<5600000x32xbf16, #tpu.memory_space<hbm>>
      %dma_start3A_1147 = tpu.memref_slice %arg11[%dma_start3A_1136] : memref<4x!tpu.dma_semaphore, #tpu.memory_space<semaphore_mem>> -> memref<1x!tpu.dma_semaphore, #tpu.memory_space<semaphore_mem>>
      %dma_start3A_1148 = tpu.memref_squeeze %dma_start3A_1147 : memref<1x!tpu.dma_semaphore, #tpu.memory_space<semaphore_mem>> -> memref<!tpu.dma_semaphore, #tpu.memory_space<semaphore_mem>>
      tpu.enqueue_indirect_dma source(%dma_start3A_1146 : memref<5600000x32xbf16, #tpu.memory_space<hbm>>) target(%dma_start3A_1140 : memref<128x32xbf16, #tpu.memory_space<vmem>>) offsets(%dma_start3A_1143 : memref<128xi32, #tpu.memory_space<vmem>>) semaphore(%dma_start3A_1148 : memref<!tpu.dma_semaphore, #tpu.memory_space<semaphore_mem>>)
      %dma_wait3A_1149 = arith.constant 18 : i32
      %dma_wait3A_1150 = arith.constant 2 : i32
      %dma_wait3A_1151 = arith.constant 2 : i32
      %dma_wait3A_1152 = arith.constant 0 : i32
      %dma_wait3A_1153 = arith.constant 0 : i32
      %dma_wait3A_1154 = tpu.memref_slice %arg10[%dma_wait3A_1150, %dma_wait3A_1152, %dma_wait3A_1153] : memref<4x128x32xbf16, #tpu.memory_space<vmem>> -> memref<1x128x32xbf16, #tpu.memory_space<vmem>>
      %dma_wait3A_1155 = tpu.memref_squeeze %dma_wait3A_1154 : memref<1x128x32xbf16, #tpu.memory_space<vmem>> -> memref<128x32xbf16, #tpu.memory_space<vmem>>
      %dma_wait3A_1156 = arith.constant 0 : i32
      %dma_wait3A_1157 = tpu.memref_slice %arg8[%dma_wait3A_1149, %dma_wait3A_1156] : memref<24x128xi32, #tpu.memory_space<vmem>> -> memref<1x128xi32, #tpu.memory_space<vmem>>
      %dma_wait3A_1158 = tpu.memref_squeeze %dma_wait3A_1157 : memref<1x128xi32, #tpu.memory_space<vmem>> -> memref<128xi32, #tpu.memory_space<vmem>>
      %dma_wait3A_1159 = arith.constant 0 : i32
      %dma_wait3A_1160 = arith.constant 0 : i32
      %dma_wait3A_1161 = tpu.memref_slice %arg2[%dma_wait3A_1159, %dma_wait3A_1160] : memref<5600000x32xbf16, #tpu.memory_space<hbm>> -> memref<5600000x32xbf16, #tpu.memory_space<hbm>>
      %dma_wait3A_1162 = tpu.memref_slice %arg11[%dma_wait3A_1151] : memref<4x!tpu.dma_semaphore, #tpu.memory_space<semaphore_mem>> -> memref<1x!tpu.dma_semaphore, #tpu.memory_space<semaphore_mem>>
      %dma_wait3A_1163 = tpu.memref_squeeze %dma_wait3A_1162 : memref<1x!tpu.dma_semaphore, #tpu.memory_space<semaphore_mem>> -> memref<!tpu.dma_semaphore, #tpu.memory_space<semaphore_mem>>
      tpu.wait_indirect_dma semaphore(%dma_wait3A_1163 : memref<!tpu.dma_semaphore, #tpu.memory_space<semaphore_mem>>) src(%dma_wait3A_1161 : memref<5600000x32xbf16, #tpu.memory_space<hbm>>) dst(%dma_wait3A_1155 : memref<128x32xbf16, #tpu.memory_space<vmem>>)
      %dma_start3A_1164 = arith.constant 2 : i32
      %dma_start3A_1165 = arith.constant 18 : i32
      %dma_start3A_1166 = arith.constant 2 : i32
      %dma_start3A_1167 = arith.constant 0 : i32
      %dma_start3A_1168 = arith.constant 0 : i32
      %dma_start3A_1169 = tpu.memref_slice %arg10[%dma_start3A_1164, %dma_start3A_1167, %dma_start3A_1168] : memref<4x128x32xbf16, #tpu.memory_space<vmem>> -> memref<1x128x32xbf16, #tpu.memory_space<vmem>>
      %dma_start3A_1170 = tpu.memref_squeeze %dma_start3A_1169 : memref<1x128x32xbf16, #tpu.memory_space<vmem>> -> memref<128x32xbf16, #tpu.memory_space<vmem>>
      %dma_start3A_1171 = arith.constant 0 : i32
      %dma_start3A_1172 = tpu.memref_slice %arg9[%dma_start3A_1165, %dma_start3A_1171] : memref<24x128xi32, #tpu.memory_space<vmem>> -> memref<1x128xi32, #tpu.memory_space<vmem>>
      %dma_start3A_1173 = tpu.memref_squeeze %dma_start3A_1172 : memref<1x128xi32, #tpu.memory_space<vmem>> -> memref<128xi32, #tpu.memory_space<vmem>>
      %dma_start3A_1174 = arith.constant 0 : i32
      %dma_start3A_1175 = arith.constant 0 : i32
      %dma_start3A_1176 = tpu.memref_slice %arg7[%dma_start3A_1174, %dma_start3A_1175] : memref<100096x32xbf16, #tpu.memory_space<vmem_shared>> -> memref<100096x32xbf16, #tpu.memory_space<vmem_shared>>
      %dma_start3A_1177 = tpu.memref_slice %arg12[%dma_start3A_1166] : memref<4x!tpu.dma_semaphore, #tpu.memory_space<semaphore_mem>> -> memref<1x!tpu.dma_semaphore, #tpu.memory_space<semaphore_mem>>
      %dma_start3A_1178 = tpu.memref_squeeze %dma_start3A_1177 : memref<1x!tpu.dma_semaphore, #tpu.memory_space<semaphore_mem>> -> memref<!tpu.dma_semaphore, #tpu.memory_space<semaphore_mem>>
      tpu.enqueue_indirect_dma source(%dma_start3A_1170 : memref<128x32xbf16, #tpu.memory_space<vmem>>) target(%dma_start3A_1176 : memref<100096x32xbf16, #tpu.memory_space<vmem_shared>>) offsets(%dma_start3A_1173 : memref<128xi32, #tpu.memory_space<vmem>>) semaphore(%dma_start3A_1178 : memref<!tpu.dma_semaphore, #tpu.memory_space<semaphore_mem>>) {add = true}
      %dma_wait3A_1179 = arith.constant 1 : i32
      %dma_wait3A_1180 = arith.constant 17 : i32
      %dma_wait3A_1181 = arith.constant 1 : i32
      %dma_wait3A_1182 = arith.constant 0 : i32
      %dma_wait3A_1183 = arith.constant 0 : i32
      %dma_wait3A_1184 = tpu.memref_slice %arg10[%dma_wait3A_1179, %dma_wait3A_1182, %dma_wait3A_1183] : memref<4x128x32xbf16, #tpu.memory_space<vmem>> -> memref<1x128x32xbf16, #tpu.memory_space<vmem>>
      %dma_wait3A_1185 = tpu.memref_squeeze %dma_wait3A_1184 : memref<1x128x32xbf16, #tpu.memory_space<vmem>> -> memref<128x32xbf16, #tpu.memory_space<vmem>>
      %dma_wait3A_1186 = arith.constant 0 : i32
      %dma_wait3A_1187 = tpu.memref_slice %arg9[%dma_wait3A_1180, %dma_wait3A_1186] : memref<24x128xi32, #tpu.memory_space<vmem>> -> memref<1x128xi32, #tpu.memory_space<vmem>>
      %dma_wait3A_1188 = tpu.memref_squeeze %dma_wait3A_1187 : memref<1x128xi32, #tpu.memory_space<vmem>> -> memref<128xi32, #tpu.memory_space<vmem>>
      %dma_wait3A_1189 = arith.constant 0 : i32
      %dma_wait3A_1190 = arith.constant 0 : i32
      %dma_wait3A_1191 = tpu.memref_slice %arg7[%dma_wait3A_1189, %dma_wait3A_1190] : memref<100096x32xbf16, #tpu.memory_space<vmem_shared>> -> memref<100096x32xbf16, #tpu.memory_space<vmem_shared>>
      %dma_wait3A_1192 = tpu.memref_slice %arg12[%dma_wait3A_1181] : memref<4x!tpu.dma_semaphore, #tpu.memory_space<semaphore_mem>> -> memref<1x!tpu.dma_semaphore, #tpu.memory_space<semaphore_mem>>
      %dma_wait3A_1193 = tpu.memref_squeeze %dma_wait3A_1192 : memref<1x!tpu.dma_semaphore, #tpu.memory_space<semaphore_mem>> -> memref<!tpu.dma_semaphore, #tpu.memory_space<semaphore_mem>>
      tpu.wait_indirect_dma semaphore(%dma_wait3A_1193 : memref<!tpu.dma_semaphore, #tpu.memory_space<semaphore_mem>>) src(%dma_wait3A_1185 : memref<128x32xbf16, #tpu.memory_space<vmem>>) dst(%dma_wait3A_1191 : memref<100096x32xbf16, #tpu.memory_space<vmem_shared>>)
      %dma_start3A_1194 = arith.constant 21 : i32
      %dma_start3A_1195 = arith.constant 1 : i32
      %dma_start3A_1196 = arith.constant 1 : i32
      %dma_start3A_1197 = arith.constant 0 : i32
      %dma_start3A_1198 = arith.constant 0 : i32
      %dma_start3A_1199 = tpu.memref_slice %arg10[%dma_start3A_1195, %dma_start3A_1197, %dma_start3A_1198] : memref<4x128x32xbf16, #tpu.memory_space<vmem>> -> memref<1x128x32xbf16, #tpu.memory_space<vmem>>
      %dma_start3A_1200 = tpu.memref_squeeze %dma_start3A_1199 : memref<1x128x32xbf16, #tpu.memory_space<vmem>> -> memref<128x32xbf16, #tpu.memory_space<vmem>>
      %dma_start3A_1201 = arith.constant 0 : i32
      %dma_start3A_1202 = tpu.memref_slice %arg8[%dma_start3A_1194, %dma_start3A_1201] : memref<24x128xi32, #tpu.memory_space<vmem>> -> memref<1x128xi32, #tpu.memory_space<vmem>>
      %dma_start3A_1203 = tpu.memref_squeeze %dma_start3A_1202 : memref<1x128xi32, #tpu.memory_space<vmem>> -> memref<128xi32, #tpu.memory_space<vmem>>
      %dma_start3A_1204 = arith.constant 0 : i32
      %dma_start3A_1205 = arith.constant 0 : i32
      %dma_start3A_1206 = tpu.memref_slice %arg2[%dma_start3A_1204, %dma_start3A_1205] : memref<5600000x32xbf16, #tpu.memory_space<hbm>> -> memref<5600000x32xbf16, #tpu.memory_space<hbm>>
      %dma_start3A_1207 = tpu.memref_slice %arg11[%dma_start3A_1196] : memref<4x!tpu.dma_semaphore, #tpu.memory_space<semaphore_mem>> -> memref<1x!tpu.dma_semaphore, #tpu.memory_space<semaphore_mem>>
      %dma_start3A_1208 = tpu.memref_squeeze %dma_start3A_1207 : memref<1x!tpu.dma_semaphore, #tpu.memory_space<semaphore_mem>> -> memref<!tpu.dma_semaphore, #tpu.memory_space<semaphore_mem>>
      tpu.enqueue_indirect_dma source(%dma_start3A_1206 : memref<5600000x32xbf16, #tpu.memory_space<hbm>>) target(%dma_start3A_1200 : memref<128x32xbf16, #tpu.memory_space<vmem>>) offsets(%dma_start3A_1203 : memref<128xi32, #tpu.memory_space<vmem>>) semaphore(%dma_start3A_1208 : memref<!tpu.dma_semaphore, #tpu.memory_space<semaphore_mem>>)
      %dma_wait3A_1209 = arith.constant 19 : i32
      %dma_wait3A_1210 = arith.constant 3 : i32
      %dma_wait3A_1211 = arith.constant 3 : i32
      %dma_wait3A_1212 = arith.constant 0 : i32
      %dma_wait3A_1213 = arith.constant 0 : i32
      %dma_wait3A_1214 = tpu.memref_slice %arg10[%dma_wait3A_1210, %dma_wait3A_1212, %dma_wait3A_1213] : memref<4x128x32xbf16, #tpu.memory_space<vmem>> -> memref<1x128x32xbf16, #tpu.memory_space<vmem>>
      %dma_wait3A_1215 = tpu.memref_squeeze %dma_wait3A_1214 : memref<1x128x32xbf16, #tpu.memory_space<vmem>> -> memref<128x32xbf16, #tpu.memory_space<vmem>>
      %dma_wait3A_1216 = arith.constant 0 : i32
      %dma_wait3A_1217 = tpu.memref_slice %arg8[%dma_wait3A_1209, %dma_wait3A_1216] : memref<24x128xi32, #tpu.memory_space<vmem>> -> memref<1x128xi32, #tpu.memory_space<vmem>>
      %dma_wait3A_1218 = tpu.memref_squeeze %dma_wait3A_1217 : memref<1x128xi32, #tpu.memory_space<vmem>> -> memref<128xi32, #tpu.memory_space<vmem>>
      %dma_wait3A_1219 = arith.constant 0 : i32
      %dma_wait3A_1220 = arith.constant 0 : i32
      %dma_wait3A_1221 = tpu.memref_slice %arg2[%dma_wait3A_1219, %dma_wait3A_1220] : memref<5600000x32xbf16, #tpu.memory_space<hbm>> -> memref<5600000x32xbf16, #tpu.memory_space<hbm>>
      %dma_wait3A_1222 = tpu.memref_slice %arg11[%dma_wait3A_1211] : memref<4x!tpu.dma_semaphore, #tpu.memory_space<semaphore_mem>> -> memref<1x!tpu.dma_semaphore, #tpu.memory_space<semaphore_mem>>
      %dma_wait3A_1223 = tpu.memref_squeeze %dma_wait3A_1222 : memref<1x!tpu.dma_semaphore, #tpu.memory_space<semaphore_mem>> -> memref<!tpu.dma_semaphore, #tpu.memory_space<semaphore_mem>>
      tpu.wait_indirect_dma semaphore(%dma_wait3A_1223 : memref<!tpu.dma_semaphore, #tpu.memory_space<semaphore_mem>>) src(%dma_wait3A_1221 : memref<5600000x32xbf16, #tpu.memory_space<hbm>>) dst(%dma_wait3A_1215 : memref<128x32xbf16, #tpu.memory_space<vmem>>)
      %dma_start3A_1224 = arith.constant 3 : i32
      %dma_start3A_1225 = arith.constant 19 : i32
      %dma_start3A_1226 = arith.constant 3 : i32
      %dma_start3A_1227 = arith.constant 0 : i32
      %dma_start3A_1228 = arith.constant 0 : i32
      %dma_start3A_1229 = tpu.memref_slice %arg10[%dma_start3A_1224, %dma_start3A_1227, %dma_start3A_1228] : memref<4x128x32xbf16, #tpu.memory_space<vmem>> -> memref<1x128x32xbf16, #tpu.memory_space<vmem>>
      %dma_start3A_1230 = tpu.memref_squeeze %dma_start3A_1229 : memref<1x128x32xbf16, #tpu.memory_space<vmem>> -> memref<128x32xbf16, #tpu.memory_space<vmem>>
      %dma_start3A_1231 = arith.constant 0 : i32
      %dma_start3A_1232 = tpu.memref_slice %arg9[%dma_start3A_1225, %dma_start3A_1231] : memref<24x128xi32, #tpu.memory_space<vmem>> -> memref<1x128xi32, #tpu.memory_space<vmem>>
      %dma_start3A_1233 = tpu.memref_squeeze %dma_start3A_1232 : memref<1x128xi32, #tpu.memory_space<vmem>> -> memref<128xi32, #tpu.memory_space<vmem>>
      %dma_start3A_1234 = arith.constant 0 : i32
      %dma_start3A_1235 = arith.constant 0 : i32
      %dma_start3A_1236 = tpu.memref_slice %arg7[%dma_start3A_1234, %dma_start3A_1235] : memref<100096x32xbf16, #tpu.memory_space<vmem_shared>> -> memref<100096x32xbf16, #tpu.memory_space<vmem_shared>>
      %dma_start3A_1237 = tpu.memref_slice %arg12[%dma_start3A_1226] : memref<4x!tpu.dma_semaphore, #tpu.memory_space<semaphore_mem>> -> memref<1x!tpu.dma_semaphore, #tpu.memory_space<semaphore_mem>>
      %dma_start3A_1238 = tpu.memref_squeeze %dma_start3A_1237 : memref<1x!tpu.dma_semaphore, #tpu.memory_space<semaphore_mem>> -> memref<!tpu.dma_semaphore, #tpu.memory_space<semaphore_mem>>
      tpu.enqueue_indirect_dma source(%dma_start3A_1230 : memref<128x32xbf16, #tpu.memory_space<vmem>>) target(%dma_start3A_1236 : memref<100096x32xbf16, #tpu.memory_space<vmem_shared>>) offsets(%dma_start3A_1233 : memref<128xi32, #tpu.memory_space<vmem>>) semaphore(%dma_start3A_1238 : memref<!tpu.dma_semaphore, #tpu.memory_space<semaphore_mem>>) {add = true}
      %dma_wait3A_1239 = arith.constant 2 : i32
      %dma_wait3A_1240 = arith.constant 18 : i32
      %dma_wait3A_1241 = arith.constant 2 : i32
      %dma_wait3A_1242 = arith.constant 0 : i32
      %dma_wait3A_1243 = arith.constant 0 : i32
      %dma_wait3A_1244 = tpu.memref_slice %arg10[%dma_wait3A_1239, %dma_wait3A_1242, %dma_wait3A_1243] : memref<4x128x32xbf16, #tpu.memory_space<vmem>> -> memref<1x128x32xbf16, #tpu.memory_space<vmem>>
      %dma_wait3A_1245 = tpu.memref_squeeze %dma_wait3A_1244 : memref<1x128x32xbf16, #tpu.memory_space<vmem>> -> memref<128x32xbf16, #tpu.memory_space<vmem>>
      %dma_wait3A_1246 = arith.constant 0 : i32
      %dma_wait3A_1247 = tpu.memref_slice %arg9[%dma_wait3A_1240, %dma_wait3A_1246] : memref<24x128xi32, #tpu.memory_space<vmem>> -> memref<1x128xi32, #tpu.memory_space<vmem>>
      %dma_wait3A_1248 = tpu.memref_squeeze %dma_wait3A_1247 : memref<1x128xi32, #tpu.memory_space<vmem>> -> memref<128xi32, #tpu.memory_space<vmem>>
      %dma_wait3A_1249 = arith.constant 0 : i32
      %dma_wait3A_1250 = arith.constant 0 : i32
      %dma_wait3A_1251 = tpu.memref_slice %arg7[%dma_wait3A_1249, %dma_wait3A_1250] : memref<100096x32xbf16, #tpu.memory_space<vmem_shared>> -> memref<100096x32xbf16, #tpu.memory_space<vmem_shared>>
      %dma_wait3A_1252 = tpu.memref_slice %arg12[%dma_wait3A_1241] : memref<4x!tpu.dma_semaphore, #tpu.memory_space<semaphore_mem>> -> memref<1x!tpu.dma_semaphore, #tpu.memory_space<semaphore_mem>>
      %dma_wait3A_1253 = tpu.memref_squeeze %dma_wait3A_1252 : memref<1x!tpu.dma_semaphore, #tpu.memory_space<semaphore_mem>> -> memref<!tpu.dma_semaphore, #tpu.memory_space<semaphore_mem>>
      tpu.wait_indirect_dma semaphore(%dma_wait3A_1253 : memref<!tpu.dma_semaphore, #tpu.memory_space<semaphore_mem>>) src(%dma_wait3A_1245 : memref<128x32xbf16, #tpu.memory_space<vmem>>) dst(%dma_wait3A_1251 : memref<100096x32xbf16, #tpu.memory_space<vmem_shared>>)
      %dma_start3A_1254 = arith.constant 22 : i32
      %dma_start3A_1255 = arith.constant 2 : i32
      %dma_start3A_1256 = arith.constant 2 : i32
      %dma_start3A_1257 = arith.constant 0 : i32
      %dma_start3A_1258 = arith.constant 0 : i32
      %dma_start3A_1259 = tpu.memref_slice %arg10[%dma_start3A_1255, %dma_start3A_1257, %dma_start3A_1258] : memref<4x128x32xbf16, #tpu.memory_space<vmem>> -> memref<1x128x32xbf16, #tpu.memory_space<vmem>>
      %dma_start3A_1260 = tpu.memref_squeeze %dma_start3A_1259 : memref<1x128x32xbf16, #tpu.memory_space<vmem>> -> memref<128x32xbf16, #tpu.memory_space<vmem>>
      %dma_start3A_1261 = arith.constant 0 : i32
      %dma_start3A_1262 = tpu.memref_slice %arg8[%dma_start3A_1254, %dma_start3A_1261] : memref<24x128xi32, #tpu.memory_space<vmem>> -> memref<1x128xi32, #tpu.memory_space<vmem>>
      %dma_start3A_1263 = tpu.memref_squeeze %dma_start3A_1262 : memref<1x128xi32, #tpu.memory_space<vmem>> -> memref<128xi32, #tpu.memory_space<vmem>>
      %dma_start3A_1264 = arith.constant 0 : i32
      %dma_start3A_1265 = arith.constant 0 : i32
      %dma_start3A_1266 = tpu.memref_slice %arg2[%dma_start3A_1264, %dma_start3A_1265] : memref<5600000x32xbf16, #tpu.memory_space<hbm>> -> memref<5600000x32xbf16, #tpu.memory_space<hbm>>
      %dma_start3A_1267 = tpu.memref_slice %arg11[%dma_start3A_1256] : memref<4x!tpu.dma_semaphore, #tpu.memory_space<semaphore_mem>> -> memref<1x!tpu.dma_semaphore, #tpu.memory_space<semaphore_mem>>
      %dma_start3A_1268 = tpu.memref_squeeze %dma_start3A_1267 : memref<1x!tpu.dma_semaphore, #tpu.memory_space<semaphore_mem>> -> memref<!tpu.dma_semaphore, #tpu.memory_space<semaphore_mem>>
      tpu.enqueue_indirect_dma source(%dma_start3A_1266 : memref<5600000x32xbf16, #tpu.memory_space<hbm>>) target(%dma_start3A_1260 : memref<128x32xbf16, #tpu.memory_space<vmem>>) offsets(%dma_start3A_1263 : memref<128xi32, #tpu.memory_space<vmem>>) semaphore(%dma_start3A_1268 : memref<!tpu.dma_semaphore, #tpu.memory_space<semaphore_mem>>)
      %dma_wait3A_1269 = arith.constant 20 : i32
      %dma_wait3A_1270 = arith.constant 0 : i32
      %dma_wait3A_1271 = arith.constant 0 : i32
      %dma_wait3A_1272 = arith.constant 0 : i32
      %dma_wait3A_1273 = arith.constant 0 : i32
      %dma_wait3A_1274 = tpu.memref_slice %arg10[%dma_wait3A_1270, %dma_wait3A_1272, %dma_wait3A_1273] : memref<4x128x32xbf16, #tpu.memory_space<vmem>> -> memref<1x128x32xbf16, #tpu.memory_space<vmem>>
      %dma_wait3A_1275 = tpu.memref_squeeze %dma_wait3A_1274 : memref<1x128x32xbf16, #tpu.memory_space<vmem>> -> memref<128x32xbf16, #tpu.memory_space<vmem>>
      %dma_wait3A_1276 = arith.constant 0 : i32
      %dma_wait3A_1277 = tpu.memref_slice %arg8[%dma_wait3A_1269, %dma_wait3A_1276] : memref<24x128xi32, #tpu.memory_space<vmem>> -> memref<1x128xi32, #tpu.memory_space<vmem>>
      %dma_wait3A_1278 = tpu.memref_squeeze %dma_wait3A_1277 : memref<1x128xi32, #tpu.memory_space<vmem>> -> memref<128xi32, #tpu.memory_space<vmem>>
      %dma_wait3A_1279 = arith.constant 0 : i32
      %dma_wait3A_1280 = arith.constant 0 : i32
      %dma_wait3A_1281 = tpu.memref_slice %arg2[%dma_wait3A_1279, %dma_wait3A_1280] : memref<5600000x32xbf16, #tpu.memory_space<hbm>> -> memref<5600000x32xbf16, #tpu.memory_space<hbm>>
      %dma_wait3A_1282 = tpu.memref_slice %arg11[%dma_wait3A_1271] : memref<4x!tpu.dma_semaphore, #tpu.memory_space<semaphore_mem>> -> memref<1x!tpu.dma_semaphore, #tpu.memory_space<semaphore_mem>>
      %dma_wait3A_1283 = tpu.memref_squeeze %dma_wait3A_1282 : memref<1x!tpu.dma_semaphore, #tpu.memory_space<semaphore_mem>> -> memref<!tpu.dma_semaphore, #tpu.memory_space<semaphore_mem>>
      tpu.wait_indirect_dma semaphore(%dma_wait3A_1283 : memref<!tpu.dma_semaphore, #tpu.memory_space<semaphore_mem>>) src(%dma_wait3A_1281 : memref<5600000x32xbf16, #tpu.memory_space<hbm>>) dst(%dma_wait3A_1275 : memref<128x32xbf16, #tpu.memory_space<vmem>>)
      %dma_start3A_1284 = arith.constant 0 : i32
      %dma_start3A_1285 = arith.constant 20 : i32
      %dma_start3A_1286 = arith.constant 0 : i32
      %dma_start3A_1287 = arith.constant 0 : i32
      %dma_start3A_1288 = arith.constant 0 : i32
      %dma_start3A_1289 = tpu.memref_slice %arg10[%dma_start3A_1284, %dma_start3A_1287, %dma_start3A_1288] : memref<4x128x32xbf16, #tpu.memory_space<vmem>> -> memref<1x128x32xbf16, #tpu.memory_space<vmem>>
      %dma_start3A_1290 = tpu.memref_squeeze %dma_start3A_1289 : memref<1x128x32xbf16, #tpu.memory_space<vmem>> -> memref<128x32xbf16, #tpu.memory_space<vmem>>
      %dma_start3A_1291 = arith.constant 0 : i32
      %dma_start3A_1292 = tpu.memref_slice %arg9[%dma_start3A_1285, %dma_start3A_1291] : memref<24x128xi32, #tpu.memory_space<vmem>> -> memref<1x128xi32, #tpu.memory_space<vmem>>
      %dma_start3A_1293 = tpu.memref_squeeze %dma_start3A_1292 : memref<1x128xi32, #tpu.memory_space<vmem>> -> memref<128xi32, #tpu.memory_space<vmem>>
      %dma_start3A_1294 = arith.constant 0 : i32
      %dma_start3A_1295 = arith.constant 0 : i32
      %dma_start3A_1296 = tpu.memref_slice %arg7[%dma_start3A_1294, %dma_start3A_1295] : memref<100096x32xbf16, #tpu.memory_space<vmem_shared>> -> memref<100096x32xbf16, #tpu.memory_space<vmem_shared>>
      %dma_start3A_1297 = tpu.memref_slice %arg12[%dma_start3A_1286] : memref<4x!tpu.dma_semaphore, #tpu.memory_space<semaphore_mem>> -> memref<1x!tpu.dma_semaphore, #tpu.memory_space<semaphore_mem>>
      %dma_start3A_1298 = tpu.memref_squeeze %dma_start3A_1297 : memref<1x!tpu.dma_semaphore, #tpu.memory_space<semaphore_mem>> -> memref<!tpu.dma_semaphore, #tpu.memory_space<semaphore_mem>>
      tpu.enqueue_indirect_dma source(%dma_start3A_1290 : memref<128x32xbf16, #tpu.memory_space<vmem>>) target(%dma_start3A_1296 : memref<100096x32xbf16, #tpu.memory_space<vmem_shared>>) offsets(%dma_start3A_1293 : memref<128xi32, #tpu.memory_space<vmem>>) semaphore(%dma_start3A_1298 : memref<!tpu.dma_semaphore, #tpu.memory_space<semaphore_mem>>) {add = true}
      %dma_wait3A_1299 = arith.constant 3 : i32
      %dma_wait3A_1300 = arith.constant 19 : i32
      %dma_wait3A_1301 = arith.constant 3 : i32
      %dma_wait3A_1302 = arith.constant 0 : i32
      %dma_wait3A_1303 = arith.constant 0 : i32
      %dma_wait3A_1304 = tpu.memref_slice %arg10[%dma_wait3A_1299, %dma_wait3A_1302, %dma_wait3A_1303] : memref<4x128x32xbf16, #tpu.memory_space<vmem>> -> memref<1x128x32xbf16, #tpu.memory_space<vmem>>
      %dma_wait3A_1305 = tpu.memref_squeeze %dma_wait3A_1304 : memref<1x128x32xbf16, #tpu.memory_space<vmem>> -> memref<128x32xbf16, #tpu.memory_space<vmem>>
      %dma_wait3A_1306 = arith.constant 0 : i32
      %dma_wait3A_1307 = tpu.memref_slice %arg9[%dma_wait3A_1300, %dma_wait3A_1306] : memref<24x128xi32, #tpu.memory_space<vmem>> -> memref<1x128xi32, #tpu.memory_space<vmem>>
      %dma_wait3A_1308 = tpu.memref_squeeze %dma_wait3A_1307 : memref<1x128xi32, #tpu.memory_space<vmem>> -> memref<128xi32, #tpu.memory_space<vmem>>
      %dma_wait3A_1309 = arith.constant 0 : i32
      %dma_wait3A_1310 = arith.constant 0 : i32
      %dma_wait3A_1311 = tpu.memref_slice %arg7[%dma_wait3A_1309, %dma_wait3A_1310] : memref<100096x32xbf16, #tpu.memory_space<vmem_shared>> -> memref<100096x32xbf16, #tpu.memory_space<vmem_shared>>
      %dma_wait3A_1312 = tpu.memref_slice %arg12[%dma_wait3A_1301] : memref<4x!tpu.dma_semaphore, #tpu.memory_space<semaphore_mem>> -> memref<1x!tpu.dma_semaphore, #tpu.memory_space<semaphore_mem>>
      %dma_wait3A_1313 = tpu.memref_squeeze %dma_wait3A_1312 : memref<1x!tpu.dma_semaphore, #tpu.memory_space<semaphore_mem>> -> memref<!tpu.dma_semaphore, #tpu.memory_space<semaphore_mem>>
      tpu.wait_indirect_dma semaphore(%dma_wait3A_1313 : memref<!tpu.dma_semaphore, #tpu.memory_space<semaphore_mem>>) src(%dma_wait3A_1305 : memref<128x32xbf16, #tpu.memory_space<vmem>>) dst(%dma_wait3A_1311 : memref<100096x32xbf16, #tpu.memory_space<vmem_shared>>)
      %dma_start3A_1314 = arith.constant 23 : i32
      %dma_start3A_1315 = arith.constant 3 : i32
      %dma_start3A_1316 = arith.constant 3 : i32
      %dma_start3A_1317 = arith.constant 0 : i32
      %dma_start3A_1318 = arith.constant 0 : i32
      %dma_start3A_1319 = tpu.memref_slice %arg10[%dma_start3A_1315, %dma_start3A_1317, %dma_start3A_1318] : memref<4x128x32xbf16, #tpu.memory_space<vmem>> -> memref<1x128x32xbf16, #tpu.memory_space<vmem>>
      %dma_start3A_1320 = tpu.memref_squeeze %dma_start3A_1319 : memref<1x128x32xbf16, #tpu.memory_space<vmem>> -> memref<128x32xbf16, #tpu.memory_space<vmem>>
      %dma_start3A_1321 = arith.constant 0 : i32
      %dma_start3A_1322 = tpu.memref_slice %arg8[%dma_start3A_1314, %dma_start3A_1321] : memref<24x128xi32, #tpu.memory_space<vmem>> -> memref<1x128xi32, #tpu.memory_space<vmem>>
      %dma_start3A_1323 = tpu.memref_squeeze %dma_start3A_1322 : memref<1x128xi32, #tpu.memory_space<vmem>> -> memref<128xi32, #tpu.memory_space<vmem>>
      %dma_start3A_1324 = arith.constant 0 : i32
      %dma_start3A_1325 = arith.constant 0 : i32
      %dma_start3A_1326 = tpu.memref_slice %arg2[%dma_start3A_1324, %dma_start3A_1325] : memref<5600000x32xbf16, #tpu.memory_space<hbm>> -> memref<5600000x32xbf16, #tpu.memory_space<hbm>>
      %dma_start3A_1327 = tpu.memref_slice %arg11[%dma_start3A_1316] : memref<4x!tpu.dma_semaphore, #tpu.memory_space<semaphore_mem>> -> memref<1x!tpu.dma_semaphore, #tpu.memory_space<semaphore_mem>>
      %dma_start3A_1328 = tpu.memref_squeeze %dma_start3A_1327 : memref<1x!tpu.dma_semaphore, #tpu.memory_space<semaphore_mem>> -> memref<!tpu.dma_semaphore, #tpu.memory_space<semaphore_mem>>
      tpu.enqueue_indirect_dma source(%dma_start3A_1326 : memref<5600000x32xbf16, #tpu.memory_space<hbm>>) target(%dma_start3A_1320 : memref<128x32xbf16, #tpu.memory_space<vmem>>) offsets(%dma_start3A_1323 : memref<128xi32, #tpu.memory_space<vmem>>) semaphore(%dma_start3A_1328 : memref<!tpu.dma_semaphore, #tpu.memory_space<semaphore_mem>>)
      %dma_wait3A_1329 = arith.constant 21 : i32
      %dma_wait3A_1330 = arith.constant 1 : i32
      %dma_wait3A_1331 = arith.constant 1 : i32
      %dma_wait3A_1332 = arith.constant 0 : i32
      %dma_wait3A_1333 = arith.constant 0 : i32
      %dma_wait3A_1334 = tpu.memref_slice %arg10[%dma_wait3A_1330, %dma_wait3A_1332, %dma_wait3A_1333] : memref<4x128x32xbf16, #tpu.memory_space<vmem>> -> memref<1x128x32xbf16, #tpu.memory_space<vmem>>
      %dma_wait3A_1335 = tpu.memref_squeeze %dma_wait3A_1334 : memref<1x128x32xbf16, #tpu.memory_space<vmem>> -> memref<128x32xbf16, #tpu.memory_space<vmem>>
      %dma_wait3A_1336 = arith.constant 0 : i32
      %dma_wait3A_1337 = tpu.memref_slice %arg8[%dma_wait3A_1329, %dma_wait3A_1336] : memref<24x128xi32, #tpu.memory_space<vmem>> -> memref<1x128xi32, #tpu.memory_space<vmem>>
      %dma_wait3A_1338 = tpu.memref_squeeze %dma_wait3A_1337 : memref<1x128xi32, #tpu.memory_space<vmem>> -> memref<128xi32, #tpu.memory_space<vmem>>
      %dma_wait3A_1339 = arith.constant 0 : i32
      %dma_wait3A_1340 = arith.constant 0 : i32
      %dma_wait3A_1341 = tpu.memref_slice %arg2[%dma_wait3A_1339, %dma_wait3A_1340] : memref<5600000x32xbf16, #tpu.memory_space<hbm>> -> memref<5600000x32xbf16, #tpu.memory_space<hbm>>
      %dma_wait3A_1342 = tpu.memref_slice %arg11[%dma_wait3A_1331] : memref<4x!tpu.dma_semaphore, #tpu.memory_space<semaphore_mem>> -> memref<1x!tpu.dma_semaphore, #tpu.memory_space<semaphore_mem>>
      %dma_wait3A_1343 = tpu.memref_squeeze %dma_wait3A_1342 : memref<1x!tpu.dma_semaphore, #tpu.memory_space<semaphore_mem>> -> memref<!tpu.dma_semaphore, #tpu.memory_space<semaphore_mem>>
      tpu.wait_indirect_dma semaphore(%dma_wait3A_1343 : memref<!tpu.dma_semaphore, #tpu.memory_space<semaphore_mem>>) src(%dma_wait3A_1341 : memref<5600000x32xbf16, #tpu.memory_space<hbm>>) dst(%dma_wait3A_1335 : memref<128x32xbf16, #tpu.memory_space<vmem>>)
      %dma_start3A_1344 = arith.constant 1 : i32
      %dma_start3A_1345 = arith.constant 21 : i32
      %dma_start3A_1346 = arith.constant 1 : i32
      %dma_start3A_1347 = arith.constant 0 : i32
      %dma_start3A_1348 = arith.constant 0 : i32
      %dma_start3A_1349 = tpu.memref_slice %arg10[%dma_start3A_1344, %dma_start3A_1347, %dma_start3A_1348] : memref<4x128x32xbf16, #tpu.memory_space<vmem>> -> memref<1x128x32xbf16, #tpu.memory_space<vmem>>
      %dma_start3A_1350 = tpu.memref_squeeze %dma_start3A_1349 : memref<1x128x32xbf16, #tpu.memory_space<vmem>> -> memref<128x32xbf16, #tpu.memory_space<vmem>>
      %dma_start3A_1351 = arith.constant 0 : i32
      %dma_start3A_1352 = tpu.memref_slice %arg9[%dma_start3A_1345, %dma_start3A_1351] : memref<24x128xi32, #tpu.memory_space<vmem>> -> memref<1x128xi32, #tpu.memory_space<vmem>>
      %dma_start3A_1353 = tpu.memref_squeeze %dma_start3A_1352 : memref<1x128xi32, #tpu.memory_space<vmem>> -> memref<128xi32, #tpu.memory_space<vmem>>
      %dma_start3A_1354 = arith.constant 0 : i32
      %dma_start3A_1355 = arith.constant 0 : i32
      %dma_start3A_1356 = tpu.memref_slice %arg7[%dma_start3A_1354, %dma_start3A_1355] : memref<100096x32xbf16, #tpu.memory_space<vmem_shared>> -> memref<100096x32xbf16, #tpu.memory_space<vmem_shared>>
      %dma_start3A_1357 = tpu.memref_slice %arg12[%dma_start3A_1346] : memref<4x!tpu.dma_semaphore, #tpu.memory_space<semaphore_mem>> -> memref<1x!tpu.dma_semaphore, #tpu.memory_space<semaphore_mem>>
      %dma_start3A_1358 = tpu.memref_squeeze %dma_start3A_1357 : memref<1x!tpu.dma_semaphore, #tpu.memory_space<semaphore_mem>> -> memref<!tpu.dma_semaphore, #tpu.memory_space<semaphore_mem>>
      tpu.enqueue_indirect_dma source(%dma_start3A_1350 : memref<128x32xbf16, #tpu.memory_space<vmem>>) target(%dma_start3A_1356 : memref<100096x32xbf16, #tpu.memory_space<vmem_shared>>) offsets(%dma_start3A_1353 : memref<128xi32, #tpu.memory_space<vmem>>) semaphore(%dma_start3A_1358 : memref<!tpu.dma_semaphore, #tpu.memory_space<semaphore_mem>>) {add = true}
      %dma_wait3A_1359 = arith.constant 22 : i32
      %dma_wait3A_1360 = arith.constant 2 : i32
      %dma_wait3A_1361 = arith.constant 2 : i32
      %dma_wait3A_1362 = arith.constant 0 : i32
      %dma_wait3A_1363 = arith.constant 0 : i32
      %dma_wait3A_1364 = tpu.memref_slice %arg10[%dma_wait3A_1360, %dma_wait3A_1362, %dma_wait3A_1363] : memref<4x128x32xbf16, #tpu.memory_space<vmem>> -> memref<1x128x32xbf16, #tpu.memory_space<vmem>>
      %dma_wait3A_1365 = tpu.memref_squeeze %dma_wait3A_1364 : memref<1x128x32xbf16, #tpu.memory_space<vmem>> -> memref<128x32xbf16, #tpu.memory_space<vmem>>
      %dma_wait3A_1366 = arith.constant 0 : i32
      %dma_wait3A_1367 = tpu.memref_slice %arg8[%dma_wait3A_1359, %dma_wait3A_1366] : memref<24x128xi32, #tpu.memory_space<vmem>> -> memref<1x128xi32, #tpu.memory_space<vmem>>
      %dma_wait3A_1368 = tpu.memref_squeeze %dma_wait3A_1367 : memref<1x128xi32, #tpu.memory_space<vmem>> -> memref<128xi32, #tpu.memory_space<vmem>>
      %dma_wait3A_1369 = arith.constant 0 : i32
      %dma_wait3A_1370 = arith.constant 0 : i32
      %dma_wait3A_1371 = tpu.memref_slice %arg2[%dma_wait3A_1369, %dma_wait3A_1370] : memref<5600000x32xbf16, #tpu.memory_space<hbm>> -> memref<5600000x32xbf16, #tpu.memory_space<hbm>>
      %dma_wait3A_1372 = tpu.memref_slice %arg11[%dma_wait3A_1361] : memref<4x!tpu.dma_semaphore, #tpu.memory_space<semaphore_mem>> -> memref<1x!tpu.dma_semaphore, #tpu.memory_space<semaphore_mem>>
      %dma_wait3A_1373 = tpu.memref_squeeze %dma_wait3A_1372 : memref<1x!tpu.dma_semaphore, #tpu.memory_space<semaphore_mem>> -> memref<!tpu.dma_semaphore, #tpu.memory_space<semaphore_mem>>
      tpu.wait_indirect_dma semaphore(%dma_wait3A_1373 : memref<!tpu.dma_semaphore, #tpu.memory_space<semaphore_mem>>) src(%dma_wait3A_1371 : memref<5600000x32xbf16, #tpu.memory_space<hbm>>) dst(%dma_wait3A_1365 : memref<128x32xbf16, #tpu.memory_space<vmem>>)
      %dma_start3A_1374 = arith.constant 2 : i32
      %dma_start3A_1375 = arith.constant 22 : i32
      %dma_start3A_1376 = arith.constant 2 : i32
      %dma_start3A_1377 = arith.constant 0 : i32
      %dma_start3A_1378 = arith.constant 0 : i32
      %dma_start3A_1379 = tpu.memref_slice %arg10[%dma_start3A_1374, %dma_start3A_1377, %dma_start3A_1378] : memref<4x128x32xbf16, #tpu.memory_space<vmem>> -> memref<1x128x32xbf16, #tpu.memory_space<vmem>>
      %dma_start3A_1380 = tpu.memref_squeeze %dma_start3A_1379 : memref<1x128x32xbf16, #tpu.memory_space<vmem>> -> memref<128x32xbf16, #tpu.memory_space<vmem>>
      %dma_start3A_1381 = arith.constant 0 : i32
      %dma_start3A_1382 = tpu.memref_slice %arg9[%dma_start3A_1375, %dma_start3A_1381] : memref<24x128xi32, #tpu.memory_space<vmem>> -> memref<1x128xi32, #tpu.memory_space<vmem>>
      %dma_start3A_1383 = tpu.memref_squeeze %dma_start3A_1382 : memref<1x128xi32, #tpu.memory_space<vmem>> -> memref<128xi32, #tpu.memory_space<vmem>>
      %dma_start3A_1384 = arith.constant 0 : i32
      %dma_start3A_1385 = arith.constant 0 : i32
      %dma_start3A_1386 = tpu.memref_slice %arg7[%dma_start3A_1384, %dma_start3A_1385] : memref<100096x32xbf16, #tpu.memory_space<vmem_shared>> -> memref<100096x32xbf16, #tpu.memory_space<vmem_shared>>
      %dma_start3A_1387 = tpu.memref_slice %arg12[%dma_start3A_1376] : memref<4x!tpu.dma_semaphore, #tpu.memory_space<semaphore_mem>> -> memref<1x!tpu.dma_semaphore, #tpu.memory_space<semaphore_mem>>
      %dma_start3A_1388 = tpu.memref_squeeze %dma_start3A_1387 : memref<1x!tpu.dma_semaphore, #tpu.memory_space<semaphore_mem>> -> memref<!tpu.dma_semaphore, #tpu.memory_space<semaphore_mem>>
      tpu.enqueue_indirect_dma source(%dma_start3A_1380 : memref<128x32xbf16, #tpu.memory_space<vmem>>) target(%dma_start3A_1386 : memref<100096x32xbf16, #tpu.memory_space<vmem_shared>>) offsets(%dma_start3A_1383 : memref<128xi32, #tpu.memory_space<vmem>>) semaphore(%dma_start3A_1388 : memref<!tpu.dma_semaphore, #tpu.memory_space<semaphore_mem>>) {add = true}
      %dma_wait3A_1389 = arith.constant 23 : i32
      %dma_wait3A_1390 = arith.constant 3 : i32
      %dma_wait3A_1391 = arith.constant 3 : i32
      %dma_wait3A_1392 = arith.constant 0 : i32
      %dma_wait3A_1393 = arith.constant 0 : i32
      %dma_wait3A_1394 = tpu.memref_slice %arg10[%dma_wait3A_1390, %dma_wait3A_1392, %dma_wait3A_1393] : memref<4x128x32xbf16, #tpu.memory_space<vmem>> -> memref<1x128x32xbf16, #tpu.memory_space<vmem>>
      %dma_wait3A_1395 = tpu.memref_squeeze %dma_wait3A_1394 : memref<1x128x32xbf16, #tpu.memory_space<vmem>> -> memref<128x32xbf16, #tpu.memory_space<vmem>>
      %dma_wait3A_1396 = arith.constant 0 : i32
      %dma_wait3A_1397 = tpu.memref_slice %arg8[%dma_wait3A_1389, %dma_wait3A_1396] : memref<24x128xi32, #tpu.memory_space<vmem>> -> memref<1x128xi32, #tpu.memory_space<vmem>>
      %dma_wait3A_1398 = tpu.memref_squeeze %dma_wait3A_1397 : memref<1x128xi32, #tpu.memory_space<vmem>> -> memref<128xi32, #tpu.memory_space<vmem>>
      %dma_wait3A_1399 = arith.constant 0 : i32
      %dma_wait3A_1400 = arith.constant 0 : i32
      %dma_wait3A_1401 = tpu.memref_slice %arg2[%dma_wait3A_1399, %dma_wait3A_1400] : memref<5600000x32xbf16, #tpu.memory_space<hbm>> -> memref<5600000x32xbf16, #tpu.memory_space<hbm>>
      %dma_wait3A_1402 = tpu.memref_slice %arg11[%dma_wait3A_1391] : memref<4x!tpu.dma_semaphore, #tpu.memory_space<semaphore_mem>> -> memref<1x!tpu.dma_semaphore, #tpu.memory_space<semaphore_mem>>
      %dma_wait3A_1403 = tpu.memref_squeeze %dma_wait3A_1402 : memref<1x!tpu.dma_semaphore, #tpu.memory_space<semaphore_mem>> -> memref<!tpu.dma_semaphore, #tpu.memory_space<semaphore_mem>>
      tpu.wait_indirect_dma semaphore(%dma_wait3A_1403 : memref<!tpu.dma_semaphore, #tpu.memory_space<semaphore_mem>>) src(%dma_wait3A_1401 : memref<5600000x32xbf16, #tpu.memory_space<hbm>>) dst(%dma_wait3A_1395 : memref<128x32xbf16, #tpu.memory_space<vmem>>)
      %dma_start3A_1404 = arith.constant 3 : i32
      %dma_start3A_1405 = arith.constant 23 : i32
      %dma_start3A_1406 = arith.constant 3 : i32
      %dma_start3A_1407 = arith.constant 0 : i32
      %dma_start3A_1408 = arith.constant 0 : i32
      %dma_start3A_1409 = tpu.memref_slice %arg10[%dma_start3A_1404, %dma_start3A_1407, %dma_start3A_1408] : memref<4x128x32xbf16, #tpu.memory_space<vmem>> -> memref<1x128x32xbf16, #tpu.memory_space<vmem>>
      %dma_start3A_1410 = tpu.memref_squeeze %dma_start3A_1409 : memref<1x128x32xbf16, #tpu.memory_space<vmem>> -> memref<128x32xbf16, #tpu.memory_space<vmem>>
      %dma_start3A_1411 = arith.constant 0 : i32
      %dma_start3A_1412 = tpu.memref_slice %arg9[%dma_start3A_1405, %dma_start3A_1411] : memref<24x128xi32, #tpu.memory_space<vmem>> -> memref<1x128xi32, #tpu.memory_space<vmem>>
      %dma_start3A_1413 = tpu.memref_squeeze %dma_start3A_1412 : memref<1x128xi32, #tpu.memory_space<vmem>> -> memref<128xi32, #tpu.memory_space<vmem>>
      %dma_start3A_1414 = arith.constant 0 : i32
      %dma_start3A_1415 = arith.constant 0 : i32
      %dma_start3A_1416 = tpu.memref_slice %arg7[%dma_start3A_1414, %dma_start3A_1415] : memref<100096x32xbf16, #tpu.memory_space<vmem_shared>> -> memref<100096x32xbf16, #tpu.memory_space<vmem_shared>>
      %dma_start3A_1417 = tpu.memref_slice %arg12[%dma_start3A_1406] : memref<4x!tpu.dma_semaphore, #tpu.memory_space<semaphore_mem>> -> memref<1x!tpu.dma_semaphore, #tpu.memory_space<semaphore_mem>>
      %dma_start3A_1418 = tpu.memref_squeeze %dma_start3A_1417 : memref<1x!tpu.dma_semaphore, #tpu.memory_space<semaphore_mem>> -> memref<!tpu.dma_semaphore, #tpu.memory_space<semaphore_mem>>
      tpu.enqueue_indirect_dma source(%dma_start3A_1410 : memref<128x32xbf16, #tpu.memory_space<vmem>>) target(%dma_start3A_1416 : memref<100096x32xbf16, #tpu.memory_space<vmem_shared>>) offsets(%dma_start3A_1413 : memref<128xi32, #tpu.memory_space<vmem>>) semaphore(%dma_start3A_1418 : memref<!tpu.dma_semaphore, #tpu.memory_space<semaphore_mem>>) {add = true}
      %dma_wait3A_1419 = arith.constant 0 : i32
      %dma_wait3A_1420 = arith.constant 20 : i32
      %dma_wait3A_1421 = arith.constant 0 : i32
      %dma_wait3A_1422 = arith.constant 0 : i32
      %dma_wait3A_1423 = arith.constant 0 : i32
      %dma_wait3A_1424 = tpu.memref_slice %arg10[%dma_wait3A_1419, %dma_wait3A_1422, %dma_wait3A_1423] : memref<4x128x32xbf16, #tpu.memory_space<vmem>> -> memref<1x128x32xbf16, #tpu.memory_space<vmem>>
      %dma_wait3A_1425 = tpu.memref_squeeze %dma_wait3A_1424 : memref<1x128x32xbf16, #tpu.memory_space<vmem>> -> memref<128x32xbf16, #tpu.memory_space<vmem>>
      %dma_wait3A_1426 = arith.constant 0 : i32
      %dma_wait3A_1427 = tpu.memref_slice %arg9[%dma_wait3A_1420, %dma_wait3A_1426] : memref<24x128xi32, #tpu.memory_space<vmem>> -> memref<1x128xi32, #tpu.memory_space<vmem>>
      %dma_wait3A_1428 = tpu.memref_squeeze %dma_wait3A_1427 : memref<1x128xi32, #tpu.memory_space<vmem>> -> memref<128xi32, #tpu.memory_space<vmem>>
      %dma_wait3A_1429 = arith.constant 0 : i32
      %dma_wait3A_1430 = arith.constant 0 : i32
      %dma_wait3A_1431 = tpu.memref_slice %arg7[%dma_wait3A_1429, %dma_wait3A_1430] : memref<100096x32xbf16, #tpu.memory_space<vmem_shared>> -> memref<100096x32xbf16, #tpu.memory_space<vmem_shared>>
      %dma_wait3A_1432 = tpu.memref_slice %arg12[%dma_wait3A_1421] : memref<4x!tpu.dma_semaphore, #tpu.memory_space<semaphore_mem>> -> memref<1x!tpu.dma_semaphore, #tpu.memory_space<semaphore_mem>>
      %dma_wait3A_1433 = tpu.memref_squeeze %dma_wait3A_1432 : memref<1x!tpu.dma_semaphore, #tpu.memory_space<semaphore_mem>> -> memref<!tpu.dma_semaphore, #tpu.memory_space<semaphore_mem>>
      tpu.wait_indirect_dma semaphore(%dma_wait3A_1433 : memref<!tpu.dma_semaphore, #tpu.memory_space<semaphore_mem>>) src(%dma_wait3A_1425 : memref<128x32xbf16, #tpu.memory_space<vmem>>) dst(%dma_wait3A_1431 : memref<100096x32xbf16, #tpu.memory_space<vmem_shared>>)
      %dma_wait3A_1434 = arith.constant 1 : i32
      %dma_wait3A_1435 = arith.constant 21 : i32
      %dma_wait3A_1436 = arith.constant 1 : i32
      %dma_wait3A_1437 = arith.constant 0 : i32
      %dma_wait3A_1438 = arith.constant 0 : i32
      %dma_wait3A_1439 = tpu.memref_slice %arg10[%dma_wait3A_1434, %dma_wait3A_1437, %dma_wait3A_1438] : memref<4x128x32xbf16, #tpu.memory_space<vmem>> -> memref<1x128x32xbf16, #tpu.memory_space<vmem>>
      %dma_wait3A_1440 = tpu.memref_squeeze %dma_wait3A_1439 : memref<1x128x32xbf16, #tpu.memory_space<vmem>> -> memref<128x32xbf16, #tpu.memory_space<vmem>>
      %dma_wait3A_1441 = arith.constant 0 : i32
      %dma_wait3A_1442 = tpu.memref_slice %arg9[%dma_wait3A_1435, %dma_wait3A_1441] : memref<24x128xi32, #tpu.memory_space<vmem>> -> memref<1x128xi32, #tpu.memory_space<vmem>>
      %dma_wait3A_1443 = tpu.memref_squeeze %dma_wait3A_1442 : memref<1x128xi32, #tpu.memory_space<vmem>> -> memref<128xi32, #tpu.memory_space<vmem>>
      %dma_wait3A_1444 = arith.constant 0 : i32
      %dma_wait3A_1445 = arith.constant 0 : i32
      %dma_wait3A_1446 = tpu.memref_slice %arg7[%dma_wait3A_1444, %dma_wait3A_1445] : memref<100096x32xbf16, #tpu.memory_space<vmem_shared>> -> memref<100096x32xbf16, #tpu.memory_space<vmem_shared>>
      %dma_wait3A_1447 = tpu.memref_slice %arg12[%dma_wait3A_1436] : memref<4x!tpu.dma_semaphore, #tpu.memory_space<semaphore_mem>> -> memref<1x!tpu.dma_semaphore, #tpu.memory_space<semaphore_mem>>
      %dma_wait3A_1448 = tpu.memref_squeeze %dma_wait3A_1447 : memref<1x!tpu.dma_semaphore, #tpu.memory_space<semaphore_mem>> -> memref<!tpu.dma_semaphore, #tpu.memory_space<semaphore_mem>>
      tpu.wait_indirect_dma semaphore(%dma_wait3A_1448 : memref<!tpu.dma_semaphore, #tpu.memory_space<semaphore_mem>>) src(%dma_wait3A_1440 : memref<128x32xbf16, #tpu.memory_space<vmem>>) dst(%dma_wait3A_1446 : memref<100096x32xbf16, #tpu.memory_space<vmem_shared>>)
      %dma_wait3A_1449 = arith.constant 2 : i32
      %dma_wait3A_1450 = arith.constant 22 : i32
      %dma_wait3A_1451 = arith.constant 2 : i32
      %dma_wait3A_1452 = arith.constant 0 : i32
      %dma_wait3A_1453 = arith.constant 0 : i32
      %dma_wait3A_1454 = tpu.memref_slice %arg10[%dma_wait3A_1449, %dma_wait3A_1452, %dma_wait3A_1453] : memref<4x128x32xbf16, #tpu.memory_space<vmem>> -> memref<1x128x32xbf16, #tpu.memory_space<vmem>>
      %dma_wait3A_1455 = tpu.memref_squeeze %dma_wait3A_1454 : memref<1x128x32xbf16, #tpu.memory_space<vmem>> -> memref<128x32xbf16, #tpu.memory_space<vmem>>
      %dma_wait3A_1456 = arith.constant 0 : i32
      %dma_wait3A_1457 = tpu.memref_slice %arg9[%dma_wait3A_1450, %dma_wait3A_1456] : memref<24x128xi32, #tpu.memory_space<vmem>> -> memref<1x128xi32, #tpu.memory_space<vmem>>
      %dma_wait3A_1458 = tpu.memref_squeeze %dma_wait3A_1457 : memref<1x128xi32, #tpu.memory_space<vmem>> -> memref<128xi32, #tpu.memory_space<vmem>>
      %dma_wait3A_1459 = arith.constant 0 : i32
      %dma_wait3A_1460 = arith.constant 0 : i32
      %dma_wait3A_1461 = tpu.memref_slice %arg7[%dma_wait3A_1459, %dma_wait3A_1460] : memref<100096x32xbf16, #tpu.memory_space<vmem_shared>> -> memref<100096x32xbf16, #tpu.memory_space<vmem_shared>>
      %dma_wait3A_1462 = tpu.memref_slice %arg12[%dma_wait3A_1451] : memref<4x!tpu.dma_semaphore, #tpu.memory_space<semaphore_mem>> -> memref<1x!tpu.dma_semaphore, #tpu.memory_space<semaphore_mem>>
      %dma_wait3A_1463 = tpu.memref_squeeze %dma_wait3A_1462 : memref<1x!tpu.dma_semaphore, #tpu.memory_space<semaphore_mem>> -> memref<!tpu.dma_semaphore, #tpu.memory_space<semaphore_mem>>
      tpu.wait_indirect_dma semaphore(%dma_wait3A_1463 : memref<!tpu.dma_semaphore, #tpu.memory_space<semaphore_mem>>) src(%dma_wait3A_1455 : memref<128x32xbf16, #tpu.memory_space<vmem>>) dst(%dma_wait3A_1461 : memref<100096x32xbf16, #tpu.memory_space<vmem_shared>>)
      %dma_wait3A_1464 = arith.constant 3 : i32
      %dma_wait3A_1465 = arith.constant 23 : i32
      %dma_wait3A_1466 = arith.constant 3 : i32
      %dma_wait3A_1467 = arith.constant 0 : i32
      %dma_wait3A_1468 = arith.constant 0 : i32
      %dma_wait3A_1469 = tpu.memref_slice %arg10[%dma_wait3A_1464, %dma_wait3A_1467, %dma_wait3A_1468] : memref<4x128x32xbf16, #tpu.memory_space<vmem>> -> memref<1x128x32xbf16, #tpu.memory_space<vmem>>
      %dma_wait3A_1470 = tpu.memref_squeeze %dma_wait3A_1469 : memref<1x128x32xbf16, #tpu.memory_space<vmem>> -> memref<128x32xbf16, #tpu.memory_space<vmem>>
      %dma_wait3A_1471 = arith.constant 0 : i32
      %dma_wait3A_1472 = tpu.memref_slice %arg9[%dma_wait3A_1465, %dma_wait3A_1471] : memref<24x128xi32, #tpu.memory_space<vmem>> -> memref<1x128xi32, #tpu.memory_space<vmem>>
      %dma_wait3A_1473 = tpu.memref_squeeze %dma_wait3A_1472 : memref<1x128xi32, #tpu.memory_space<vmem>> -> memref<128xi32, #tpu.memory_space<vmem>>
      %dma_wait3A_1474 = arith.constant 0 : i32
      %dma_wait3A_1475 = arith.constant 0 : i32
      %dma_wait3A_1476 = tpu.memref_slice %arg7[%dma_wait3A_1474, %dma_wait3A_1475] : memref<100096x32xbf16, #tpu.memory_space<vmem_shared>> -> memref<100096x32xbf16, #tpu.memory_space<vmem_shared>>
      %dma_wait3A_1477 = tpu.memref_slice %arg12[%dma_wait3A_1466] : memref<4x!tpu.dma_semaphore, #tpu.memory_space<semaphore_mem>> -> memref<1x!tpu.dma_semaphore, #tpu.memory_space<semaphore_mem>>
      %dma_wait3A_1478 = tpu.memref_squeeze %dma_wait3A_1477 : memref<1x!tpu.dma_semaphore, #tpu.memory_space<semaphore_mem>> -> memref<!tpu.dma_semaphore, #tpu.memory_space<semaphore_mem>>
      tpu.wait_indirect_dma semaphore(%dma_wait3A_1478 : memref<!tpu.dma_semaphore, #tpu.memory_space<semaphore_mem>>) src(%dma_wait3A_1470 : memref<128x32xbf16, #tpu.memory_space<vmem>>) dst(%dma_wait3A_1476 : memref<100096x32xbf16, #tpu.memory_space<vmem_shared>>)
    }
    %scan3A_25 = arith.constant 22 : i32
    %barrier3A_26 = arith.constant 0 : index
    tpu.barrier barrier_id(%barrier3A_26)
    %mul3A_27 = arith.constant 6256 : i32
    %mul3A_28 = arith.muli %arg1, %mul3A_27 : i32
    %mul3A_29 = arith.constant 6256 : i32
    %mul3A_30 = arith.muli %arg1, %mul3A_29 : i32
    %mul3A_31 = arith.constant 32 : i32
    %mul3A_32 = arith.muli %arg0, %mul3A_31 : i32
    "tpu.region"() ({
      %run_scoped3A = tpu.sem_alloc : memref<!tpu.dma_semaphore, #tpu.memory_space<semaphore_mem>>
      %dma_start3A = tpu.memref_slice %arg6[%mul3A_30, %mul3A_32] : memref<100096x64xbf16, #tpu.memory_space<hbm>> -> memref<6256x32xbf16, #tpu.memory_space<hbm>>
      %dma_start3A_33 = arith.constant 0 : i32
      %dma_start3A_34 = tpu.memref_slice %arg7[%mul3A_28, %dma_start3A_33] : memref<100096x32xbf16, #tpu.memory_space<vmem_shared>> -> memref<6256x32xbf16, #tpu.memory_space<vmem_shared>>
      tpu.enqueue_dma source(%dma_start3A_34 : memref<6256x32xbf16, #tpu.memory_space<vmem_shared>>) target(%dma_start3A : memref<6256x32xbf16, #tpu.memory_space<hbm>>) target_semaphore(%run_scoped3A : memref<!tpu.dma_semaphore, #tpu.memory_space<semaphore_mem>>)
      %dma_wait3A = tpu.memref_slice %arg6[%mul3A_30, %mul3A_32] : memref<100096x64xbf16, #tpu.memory_space<hbm>> -> memref<6256x32xbf16, #tpu.memory_space<hbm>>
      %dma_wait3A_35 = arith.constant 0 : i32
      %dma_wait3A_36 = tpu.memref_slice %arg7[%mul3A_28, %dma_wait3A_35] : memref<100096x32xbf16, #tpu.memory_space<vmem_shared>> -> memref<6256x32xbf16, #tpu.memory_space<vmem_shared>>
      tpu.wait_dma2 semaphore(%run_scoped3A : memref<!tpu.dma_semaphore, #tpu.memory_space<semaphore_mem>>) src(%dma_wait3A_36 : memref<6256x32xbf16, #tpu.memory_space<vmem_shared>>) dst(%dma_wait3A : memref<6256x32xbf16, #tpu.memory_space<hbm>>)
      tpu.yield
    }) : () -> ()
    return
  }
}

module attributes {stable_mosaic.version = 14 : i64} {
  func.func @_mm_body(%arg0: i32, %arg1: i32, %arg2: memref<2000x64xf32, #tpu.memory_space<vmem>>, %arg3: memref<1x64x32xbf16, #tpu.memory_space<vmem>>, %arg4: memref<1x2000x32xbf16, #tpu.memory_space<vmem>>) attributes {dimension_semantics = [#tpu.dimension_semantics<arbitrary>, #tpu.dimension_semantics<arbitrary>], iteration_bounds = array<i64: 50, 56>, scalar_prefetch = 0 : i64, scratch_operands = 0 : i64, tpu.core_type = #tpu.core_type<tc>, window_params = [{transform_indices = @transform_0, window_bounds = array<i64: 2000, 64>}, {transform_indices = @transform_1, window_bounds = array<i64: 1, 64, 32>}, {transform_indices = @transform_2, window_bounds = array<i64: 1, 2000, 32>}]} {
    %get3A = arith.constant 0 : index
    %get3A_0 = arith.constant 0 : index
    %get3A_1 = vector.load %arg2[%get3A, %get3A_0] : memref<2000x64xf32, #tpu.memory_space<vmem>>, vector<2000x64xf32>
    %convert_element_type3A = arith.truncf %get3A_1 : vector<2000x64xf32> to vector<2000x64xbf16>
    %get3A_2 = arith.constant 0 : index
    %get3A_3 = arith.constant 0 : index
    %get3A_4 = arith.constant 0 : index
    %get3A_5 = vector.load %arg3[%get3A_2, %get3A_3, %get3A_4] : memref<1x64x32xbf16, #tpu.memory_space<vmem>>, vector<1x64x32xbf16>
    %get3A_6 = vector.shape_cast %get3A_5 : vector<1x64x32xbf16> to vector<64x32xbf16>
    %dot_general3A = arith.constant dense<0.000000e+00> : vector<2000x32xf32>
    %dot_general3A_7 = tpu.matmul %convert_element_type3A, %get3A_6, %dot_general3A {dimension_numbers = #tpu.dot_dimension_numbers<[1], [0], [0], [1], [0, 0, 1, 1], [], []>, transpose_lhs_hint = false} : vector<2000x64xbf16>, vector<64x32xbf16>, vector<2000x32xf32> -> vector<2000x32xf32>
    %convert_element_type3A_8 = arith.truncf %dot_general3A_7 : vector<2000x32xf32> to vector<2000x32xbf16>
    %swap3A = arith.constant 0 : index
    %swap3A_9 = arith.constant 0 : index
    %swap3A_10 = arith.constant 0 : index
    %swap3A_11 = vector.load %arg4[%swap3A, %swap3A_9, %swap3A_10] : memref<1x2000x32xbf16, #tpu.memory_space<vmem>>, vector<1x2000x32xbf16>
    %swap3A_12 = vector.shape_cast %swap3A_11 : vector<1x2000x32xbf16> to vector<2000x32xbf16>
    %swap3A_13 = vector.shape_cast %convert_element_type3A_8 : vector<2000x32xbf16> to vector<1x2000x32xbf16>
    tpu.vector_store %arg4[%swap3A, %swap3A_9, %swap3A_10], %swap3A_13 {strides = array<i32>} : memref<1x2000x32xbf16, #tpu.memory_space<vmem>>, vector<1x2000x32xbf16>,
    return
  }
  func.func @transform_0(%arg0: i32, %arg1: i32) -> (i32, i32) {
    %c0_i32 = arith.constant 0 : i32
    %c0_i32_0 = arith.constant 0 : i32
    return %arg0, %c0_i32 : i32, i32
  }
  func.func @transform_1(%arg0: i32, %arg1: i32) -> (i32, i32, i32) {
    %c0_i32 = arith.constant 0 : i32
    %c0_i32_0 = arith.constant 0 : i32
    %c0_i32_1 = arith.constant 0 : i32
    return %arg1, %c0_i32, %c0_i32_0 : i32, i32, i32
  }
  func.func @transform_2(%arg0: i32, %arg1: i32) -> (i32, i32, i32) {
    %c0_i32 = arith.constant 0 : i32
    %c0_i32_0 = arith.constant 0 : i32
    return %arg1, %arg0, %c0_i32 : i32, i32, i32
  }
}

</mosaic_0001>

<sc_bundles>
// kernel: kernel.4.cloned.1.call-start
scs
__scs_entry_jumppad:
0x0: {  	(pc) =	sbr.rel $0x88, $3  }
0x1: {  	(tag) =	ssettag $0x0;
	lr =	simm.s32 $0x1  }
0x2: {  	[smem:$0x3F9C] =	sst lr;
	_ =	strace $0xD0000000  }
0x3: {  	_ = 	snop  }
0x4: {  	_ = 	snop  }
0x5: {  	_ = 	snop  }
0x6: {  	_ = 	snop  }
0x7: {  	_ = 	snop  }
__scs_overlays_trampoline_lowered:
0x8: {  	[smem:$0x3FAB] =	sst s0  }
0x9: {  	[smem:$0x3FAC] =	sst s1  }
0xa: {  	[smem:$0x3FAD] =	sst s2  }
0xb: {  	[smem:$0x3FAE] =	sst s3  }
0xc: {  	[smem:$0x3FAF] =	sst s4  }
0xd: {  	[smem:$0x3FB0] =	sst s5  }
0xe: {  	[smem:$0x3FB1] =	sst s6  }
0xf: {  	[smem:$0x3FB2] =	sst s7  }
0x10: {  	[smem:$0x3FB3] =	sst s8  }
0x11: {  	[smem:$0x3FB4] =	sst s9;
	s0 =	simm.s32 @!p0 $0x0  }
0x12: {  	s1 =	sld [smem:$0x3F9A];
	s0 =	simm.s32 @p0 $0x1  }
0x13: {  	[smem:$0x3FB5] =	sst s0;
	s0 =	simm.s32 @!p1 $0x0  }
0x14: {  	s2 =	sld [smem:$0x3F99];
	s0 =	simm.s32 @p1 $0x1  }
0x15: {  	[smem:$0x3FB6] =	sst s0;
	s0 =	simm.s32 @!p2 $0x0  }
0x16: {  	s3 =	sld [smem:$0x3FDB];
	s0 =	simm.s32 @p2 $0x1  }
0x17: {  	s4 =	simm.s32 $0x1BF5;
	[smem:$0x3FB8] =	sst s0  }
0x18: {  	s0 =	sld [smem:$0x3F9B];
	_ =	swait.ge [sflag:s4], $0x0  }
0x19: {  	s7 =	sld [smem:$0x3F9C]  }
0x1a: {  	s8 =	sadd.s32 $0xFFFFE003, lr  }
0x1b: {  	s9 =	sadd.s32 $0xFFFFFEF7, lr;
	s5 =	simm.s32 $0xFFFFFFFF;
	p2 =	slt.u32 s8, $0xFFFFF086  }
0x1c: {  	p1 =	slt.u32 s9, $0xF7A;
	s5 =	simm.s32 @!p2 $0x0  }
0x1d: {  	s5 =	simm.s32 @p1 $0x1;
	p0 =	seq.s32 s7, s2  }
0x1e: {  	s7 =	smul.u32 @!p0 $0xF7A, s2;
	p2 =	seq.s32 @!p0 s5, $0x0  }
0x1f: {  	s9 =	smul.u32 $0xF7A, s1;
	s8 =	simm.s32 @!p0 $0x1BF5;
	p2 =	por !p2, p0  }
0x20: {  	[sflag:s8] =	ssyncset.s32 @!p0 $0xFFFFF086;
	s6 =	sadd.s32 @!p0 s3, s7;
	s7 =	simm.s32 @!p0 $0x108  }
0x21: {  	s3 =	sadd.s32 s3, s9;
	s6 =	sadd.s32 @!p0 $0x88, s6;
	s7 =	simm.s32 @p2 $0x1082  }
0x22: {  	[simem:s7], [sflag:s8] =	dma.local @!p0 [hbm:s6], $0xF7A  }
0x23: {  	s9 =	sor.u32 $0xD0000000, s2;
	s6 =	simm.s32 $0x108;
	_ =	swait.ge @!p0 [sflag:s8], $0x0  }
0x24: {  	s3 =	sadd.s32 $0x88, s3;
	s6 =	simm.s32 @!p1 $0x1082;
	[sflag:s4] =	ssyncset.s32 $0xFFFFF086  }
0x25: {  	[simem:s6], [sflag:s4] =	dma.local [hbm:s3], $0xF7A  }
0x26: {  	[smem:$0x3F9C] =	sst s1;
	(tag) =	ssettag s2;
	_ =	strace s9  }
0x27: {  	s1 =	sld [smem:$0x3FAC]  }
0x28: {  	s2 =	sld [smem:$0x3FAD]  }
0x29: {  	s4 =	sld [smem:$0x3FAF]  }
0x2a: {  	p0 =	seq.s32 s5, $0x0;
	s5 =	sld [smem:$0x3FB0]  }
0x2b: {  	s6 =	sld [smem:$0x3FB1]  }
0x2c: {  	s7 =	sld [smem:$0x3FB2]  }
0x2d: {  	s3 =	simm.s32 $0x108;
	s8 =	sld [smem:$0x3FB3]  }
0x2e: {  	s3 =	simm.s32 @!p0 $0x1082;
	s9 =	sld [smem:$0x3FB4]  }
0x2f: {  	lr =	sadd.s32 s0, s3;
	s0 =	sld [smem:$0x3FAB]  }
0x30: {  	s3 =	sld [smem:$0x3FAE]  }
0x31: {  	[smem:$0x3FB7] =	sst s10  }
0x32: {  	s10 =	sld [smem:$0x3FB5];
	_ =	sdelay $0x3  }
0x33: {  	p0 =	seq.s32 s10, $0x1;
	s10 =	sld [smem:$0x3FB7];
	_ =	sdelay $0x3  }
0x34: {  	[smem:$0x3FB7] =	sst s10  }
0x35: {  	s10 =	sld [smem:$0x3FB6];
	_ =	sdelay $0x3  }
0x36: {  	p1 =	seq.s32 s10, $0x1;
	s10 =	sld [smem:$0x3FB7];
	_ =	sdelay $0x3  }
0x37: {  	[smem:$0x3FB7] =	sst s10  }
0x38: {  	s10 =	sld [smem:$0x3FB8]  }
0x39: {  	_ = 	snop;
	(pc) =	sbr.ind lr, $3  }
0x3a: {  	_ = 	snop  }
0x3b: {  	_ = 	snop  }
0x3c: {  	p2 =	seq.s32 s10, $0x1;
	s10 =	sld [smem:$0x3FB7]  }
0x3d: {  	_ =	shalt  }
0x3e: {  	_ =	shalt  }
0x3f: {  	_ =	shalt  }
0x40: {  	_ =	shalt  }
0x41: {  	_ =	shalt  }
0x42: {  	_ =	shalt  }
0x43: {  	_ =	shalt  }
0x44: {  	_ =	shalt  }
0x45: {  	_ =	shalt  }
0x46: {  	_ =	shalt  }
0x47: {  	_ =	shalt  }
0x48: {  	_ =	shalt  }
0x49: {  	_ =	shalt  }
0x4a: {  	_ =	shalt  }
0x4b: {  	_ =	shalt  }
0x4c: {  	_ =	shalt  }
0x4d: {  	_ =	shalt  }
0x4e: {  	_ =	shalt  }
0x4f: {  	_ =	shalt  }
0x50: {  	_ =	shalt  }
0x51: {  	_ =	shalt  }
0x52: {  	_ =	shalt  }
0x53: {  	_ =	shalt  }
0x54: {  	_ =	shalt  }
0x55: {  	_ =	shalt  }
0x56: {  	_ =	shalt  }
0x57: {  	_ =	shalt  }
0x58: {  	_ =	shalt  }
0x59: {  	_ =	shalt  }
0x5a: {  	_ =	shalt  }
0x5b: {  	_ =	shalt  }
0x5c: {  	_ =	shalt  }
0x5d: {  	_ =	shalt  }
0x5e: {  	_ =	shalt  }
0x5f: {  	_ =	shalt  }
0x60: {  	_ =	shalt  }
0x61: {  	_ =	shalt  }
0x62: {  	_ =	shalt  }
0x63: {  	_ =	shalt  }
0x64: {  	_ =	shalt  }
0x65: {  	_ =	shalt  }
0x66: {  	_ =	shalt  }
0x67: {  	_ =	shalt  }
0x68: {  	_ =	shalt  }
0x69: {  	_ =	shalt  }
0x6a: {  	_ =	shalt  }
0x6b: {  	_ =	shalt  }
0x6c: {  	_ =	shalt  }
0x6d: {  	_ =	shalt  }
0x6e: {  	_ =	shalt  }
0x6f: {  	_ =	shalt  }
0x70: {  	_ =	shalt  }
0x71: {  	_ =	shalt  }
0x72: {  	_ =	shalt  }
0x73: {  	_ =	shalt  }
0x74: {  	_ =	shalt  }
0x75: {  	_ =	shalt  }
0x76: {  	_ =	shalt  }
0x77: {  	_ =	shalt  }
0x78: {  	_ =	shalt  }
0x79: {  	_ =	shalt  }
0x7a: {  	_ =	shalt  }
0x7b: {  	_ =	shalt  }
0x7c: {  	_ =	shalt  }
0x7d: {  	_ =	shalt  }
0x7e: {  	_ =	shalt  }
0x7f: {  	_ =	shalt  }
0x80: {  	_ =	shalt  }
0x81: {  	_ =	shalt  }
0x82: {  	_ =	shalt  }
0x83: {  	_ =	shalt  }
0x84: {  	_ =	shalt  }
0x85: {  	_ =	shalt  }
0x86: {  	_ =	shalt  }
0x87: {  	_ =	shalt  }
.Lfunc_end0:
.L_simem_size_0:
called_computation.1_lowered:
.L_overlay_start_0:
0x88: {  	s2 =	sld [smem:$0x3FD9]  }
0x89: {  	s3 =	sld [smem:$0x3FFE];
	_ =	sdelay $0x1  }
0x8a: {  	s1 =	srdreg.scid  }
0x8b: {  	s0 =	sand.u32 $0x1, s1  }
0x8c: {  	s17 =	sshll.u32 s0, $0xA;
	s2 =	sadd.s32 s3, s2  }
0x8d: {  	s2 =	sadd.s32 s2, s17  }
0x8e: {  	[smem:$0x3FC3] =	sst s2  }
0x8f: {  	_ = 	snop  }
0x90: {  	s2 =	sld [smem:$0x3FD0];
	(tm) =	ssettm $0x1  }
0x91: {  	s18 =	sld [smem:$0x3FFB];
	_ =	sdelay $0x3  }
0x92: {  	_ =	strace s18  }
0x93: {  	s3 =	sld [smem:$0x3FFC];
	_ =	sdelay $0x3  }
0x94: {  	_ =	strace s3  }
0x95: {  	s3 =	sld [smem:$0x3FFD];
	_ =	sdelay $0x3  }
0x96: {  	_ =	strace s3  }
0x97: {  	_ =	strace $0x8FFFFFFF  }
0x98: {  	s19 =	sld [smem:$0x3FDB];
	_ =	sdelay $0x1  }
0x99: {  	s4 =	simm.s32 $_scs_section_size  }
0x9a: {  	s5 =	simm.s32 $_size__tile_overlayer_lowered;
	s6 =	simm.s32 $_tile_overlayer_lowered  }
0x9b: {  	s22 =	simm.s32 $0x1BFF;
	s21 =	sshll.u32 s6, $0x1;
	s3 =	sadd.s32 s4, s19  }
0x9c: {  	s7 =	simm.s32 $0x0;
	s20 =	sshll.u32 s5, $0x1;
	s5 =	sadd.s32 s21, s3  }
0x9d: {  	[timem:s7], [sflag:s22] =	dma.local [hbm:s5], s20  }
0x9e: {  	_ =	swait.ge [sflag:s22], s20  }
0x9f: {  	s4 =	ssub.s32 $0x0, s20;
	[sflag:s22] =	ssyncset.done $0x0  }
0xa0: {  	[sflag:s22] =	ssyncadd.s32 s4;
	_ =	sdelay $0x1  }
0xa1: {  	s23 =	simm.s32 $0x1B8B  }
0xa2: {  	_ =	swait.ge [sflag:s23], $0x1  }
0xa3: {  	[sflag:s23] =	ssyncset.done $0x0  }
0xa4: {  	s25 =	simm.s32 $0x1B8E;
	s24 =	sld [smem:$0x3FFE];
	[sflag:s23] =	ssyncadd.s32 $0xFFFFFFFF  }
0xa5: {  	s26 =	simm.s32 $execute0_lowered;
	[smem:$0x3FD2] =	sst s25  }
0xa6: {  	s5 =	sshll.u32 s26, $0x1;
	_ =	strace $0x80000049;
	[dreg:$0x1] =	wrdreg $0xFFFFFFFF  }
0xa7: {  	s28 =	simm.s32 $_size_execute0_lowered;
	s3 =	sadd.s32 s3, s5;
	[dreg:$0x0] =	wrdreg $0x0  }
0xa8: {  	s5 =	sshll.u32 s28, $0x1;
	[dreg:$0x2] =	wrdreg s3  }
0xa9: {  	[dreg:$0x3] =	wrdreg s5  }
0xaa: {  	[dreg:$0x4] =	wrdreg $0xC0  }
0xab: {  	_ =	task [dreg:s7], $0x5FFFF  }
0xac: {  	[dreg:$0x1] =	wrdreg $0xFFFFFFFF  }
0xad: {  	[dreg:$0x0] =	wrdreg $0x60  }
0xae: {  	[dreg:$0x2] =	wrdreg s24  }
0xaf: {  	[dreg:$0x3] =	wrdreg s2  }
0xb0: {  	[dreg:$0x4] =	wrdreg $0x0  }
0xb1: {  	[dreg:$0x5] =	wrdreg $0x9  }
0xb2: {  	_ =	task.clear_ibuf [dreg:s7], $0x6FFFF;
	_ =	strace $0x90000049  }
0xb3: {  	s29 =	simm.s32 $0x9;
	_ =	strace $0x8000004B  }
0xb4: {  	_ =	swait.ge [sflag:s29], $0x1  }
0xb5: {  	[sflag:s29] =	ssyncadd.s32 $0xFFFFFFFF  }
0xb6: {  	_ =	strace $0x9000004B  }
0xb7: {  	_ =	sfence  }
0xb8: {  	s30 =	sld [smem:$0x0];
	_ =	sdelay $0x2  }
0xb9: {  	s31 =	sshll.u32 s1, $0xD;
	s1 =	sshrl.u32 s1, $0x2  }
0xba: {  	s3 =	sand.u32 $0x4000, s31;
	s1 =	sadd.s32 s1, s30  }
0xbb: {  	s0 =	sor.u32 s3, s0;
	s1 =	sshll.u32 s1, $0x11  }
0xbc: {  	s0 =	sor.u32 s1, s0  }
0xbd: {  	s0 =	sadd.s32 $0x8F2B, s0  }
0xbe: {  	[sflag:s0] =	ssyncadd.remote.s32 $0x1  }
0xbf: {  	_ =	sfence.sel $0xFFFF  }
0xc0: {  	[dreg:$0x0] =	wrdreg $0xFFFFFFFF;
	(pc) =	sbr.abs _section_cstart, $3  }
0xc1: {  	[dreg:$0x1] =	wrdreg $0xFFFFFFFF  }
0xc2: {  	_ =	task.clear_ibuf [dreg:s7], $0x2FFFF;
	_ =	strace $0x9FFFFFFF  }
0xc3: {  	(tm) =	ssettm $0x7FFFFFFF  }
tec
execute0_lowered:
.L_overlay_start_1:
0x0: {  	(tag) =	ssettag $0x1  }
0x1: {  	s5 =	rddreg [dreg:$0x0]  }
0x2: {  	s0 =	rddreg [dreg:$0x1]  }
0x3: {  	s2 =	rddreg [dreg:$0x2];
	s3 =	simm.s32 $0x0  }
0x4: {  	s22 =	simm.s32 $0x18780;
	[smem:$0x7FF] =	sst s3  }
0x5: {  	s23 =	simm.s32 $0x18800;
	_ =	strace $0x8000004A;
	[dreg:$0x6] =	wrdreg s22  }
0x6: {  	s24 =	simm.s32 $0x18880;
	[dreg:$0x7] =	wrdreg s23  }
0x7: {  	s1 =	srdreg.scid;
	s26 =	simm.s32 $0x19380;
	[dreg:$0x8] =	wrdreg s24  }
0x8: {  	s9 =	stileid.u32;
	s10 =	simm.s32 $0x18900;
	[dreg:$0x9] =	wrdreg s26  }
0x9: {  	s11 =	simm.s32 $0x19400;
	s12 =	simm.s32 $0x18980;
	[dreg:$0xa] =	wrdreg s10  }
0xa: {  	s13 =	simm.s32 $0x19480;
	s14 =	simm.s32 $0x18A00;
	[dreg:$0xb] =	wrdreg s11  }
0xb: {  	s15 =	simm.s32 $0x19500;
	s16 =	simm.s32 $0x18A80;
	[dreg:$0xc] =	wrdreg s12  }
0xc: {  	s17 =	simm.s32 $0x19580;
	s28 =	simm.s32 $0x1;
	[dreg:$0xd] =	wrdreg s13  }
0xd: {  	s29 =	simm.s32 $0x1B700;
	s6 =	smul.u32 $0x10800, s9;
	[dreg:$0xe] =	wrdreg s14  }
0xe: {  	s30 =	simm.s32 $0x2;
	s7 =	smul.u32 $0x2100, s9;
	[dreg:$0xf] =	wrdreg s15  }
0xf: {  	s1 =	sand.u32 $0x1, s1;
	s8 =	smul.u32 $0x61C00, s9;
	[dreg:$0x10] =	wrdreg s16  }
0x10: {  	s9 =	sshll.u32 s9, $0x6;
	[dreg:$0x11] =	wrdreg s17;
	s22 =	simm.s32 $0x18C00  }
0x11: {  	s4 =	smul.u32 $0x108000, s1;
	s23 =	simm.s32 $0x19700;
	[dreg:$0x16] =	wrdreg s22  }
0x12: {  	s19 =	ssub.s32 $0x2, s1;
	s24 =	simm.s32 $0x18C80;
	[dreg:$0x17] =	wrdreg s23  }
0x13: {  	s9 =	sor.u32 $0x1C09, s9;
	s26 =	simm.s32 $0x18D00;
	[dreg:$0x18] =	wrdreg s24  }
0x14: {  	s1 =	sshll.u32 s1, $0x5;
	s25 =	sshrl.u32 s8, $0x2;
	[dreg:$0x1a] =	wrdreg s26  }
0x15: {  	s1 =	sor.u32 s1, s8;
	s8 =	simm.s32 $0x19880;
	[smem:$0x7FC] =	sst s9  }
0x16: {  	s7 =	sadd.s32 s7, s5;
	s23 =	simm.s32 $0x19900;
	[dreg:$0x1d] =	wrdreg s8  }
0x17: {  	s31 =	simm.s32 $0x5;
	s18 =	sadd.s32 $0x15A0200, s7;
	[dreg:$0x1f] =	wrdreg s23  }
0x18: {  	s7 =	sadd.s32 s25, s2;
	s25 =	simm.s32 $0x19780;
	[dreg:$0x4] =	wrdreg s18  }
0x19: {  	s6 =	sadd.s32 s6, s4;
	s8 =	simm.s32 $0x18F00;
	[dreg:$0x19] =	wrdreg s25  }
0x1a: {  	s4 =	sadd.s32 $0xAAFA00, s5;
	s23 =	simm.s32 $0x19080;
	[smem:$0x7EE] =	sst s8  }
0x1b: {  	s1 =	sshrl.u32 s1, $0x4;
	s18 =	simm.s32 $0x18B00;
	[smem:$0x7F8] =	sst s23  }
0x1c: {  	s6 =	sshrl.u32 s6, $0x3;
	s0 =	sadd.s32 s0, s1;
	[dreg:$0x12] =	wrdreg s18  }
0x1d: {  	s11 =	sadd.s32 $0x80, s7;
	s25 =	simm.s32 $0x18E80;
	[smem:$0x7E4] =	sst s0  }
0x1e: {  	s6 =	sadd.s32 s6, s5;
	s5 =	sadd.s32 $0x155E000, s5;
	[smem:$0x7EA] =	sst s25  }
0x1f: {  	s12 =	sadd.s32 $0x100, s7;
	s11 =	sshrl.u32 s11, $0x3;
	[smem:$0x7E3] =	sst s5  }
0x20: {  	s13 =	sadd.s32 $0x200, s7;
	s22 =	sshrl.u32 s12, $0x3;
	[smem:$0x7E6] =	sst s11  }
0x21: {  	s14 =	sadd.s32 $0x400, s7;
	s24 =	sshrl.u32 s13, $0x3;
	[smem:$0x7E7] =	sst s22  }
0x22: {  	s17 =	sadd.s32 $0x2000, s7;
	s26 =	sshrl.u32 s14, $0x3;
	[smem:$0x7E8] =	sst s24  }
0x23: {  	s10 =	simm.s32 $0x9;
	s13 =	sshrl.u32 s17, $0x3;
	[smem:$0x7E9] =	sst s26  }
0x24: {  	s21 =	sshrl.u32 s19, $0x1;
	s12 =	simm.s32 $0x19A00;
	[smem:$0x7EF] =	sst s13  }
0x25: {  	s15 =	sadd.s32 $0x800, s7;
	s14 =	simm.s32 $0x18F80;
	[smem:$0x7F0] =	sst s12  }
0x26: {  	s16 =	sadd.s32 $0x1000, s7;
	s25 =	simm.s32 $0x19100;
	[smem:$0x7F2] =	sst s14  }
0x27: {  	s1 =	sshrl.u32 s7, $0x3;
	s20 =	sadd.s32 $0x155E200, s6;
	[smem:$0x7FA] =	sst s25  }
0x28: {  	s6 =	ssub.s32 s19, s21;
	s19 =	simm.s32 $0x19600;
	[dreg:$0x5] =	wrdreg s20  }
0x29: {  	s23 =	simm.s32 $0x80;
	s21 =	simm.s32 $0x19680;
	[dreg:$0x13] =	wrdreg s19  }
0x2a: {  	s8 =	simm.s32 $0x8;
	s11 =	sshrl.u32 s16, $0x3;
	[dreg:$0x15] =	wrdreg s21  }
0x2b: {  	s18 =	sadd.s32 $0x4000, s7;
	s16 =	simm.s32 $0x19A80;
	[smem:$0x7ED] =	sst s11  }
0x2c: {  	s0 =	simm.s32 $0x3;
	s22 =	simm.s32 $0x19B00;
	[smem:$0x7F4] =	sst s16  }
0x2d: {  	s24 =	simm.s32 $0x19B80;
	s26 =	simm.s32 $0x19C00;
	[smem:$0x7F7] =	sst s22  }
0x2e: {  	s25 =	simm.s32 $0x1A700;
	s12 =	simm.s32 $0x19C80;
	[smem:$0x7F9] =	sst s24  }
0x2f: {  	s13 =	simm.s32 $0x19200;
	s20 =	simm.s32 $0x18B80;
	[smem:$0x7FB] =	sst s26  }
0x30: {  	s14 =	simm.s32 $0x19D00;
	s5 =	smax.u32 s6, $0x1;
	[dreg:$0x14] =	wrdreg s20  }
0x31: {  	s19 =	sadd.s32 $0x8000, s7;
	s6 =	simm.s32 $0x19800;
	[smem:$0x7E5] =	sst s5  }
0x32: {  	s21 =	simm.s32 $0x18E00;
	s22 =	simm.s32 $0x19300;
	[dreg:$0x1b] =	wrdreg s6  }
0x33: {  	s20 =	sadd.s32 $0x10000, s7;
	s7 =	simm.s32 $0x18D80;
	[dreg:$0x1e] =	wrdreg s21  }
0x34: {  	s24 =	simm.s32 $0x19F00;
	s6 =	simm.s32 $0x19980;
	[dreg:$0x1c] =	wrdreg s7  }
0x35: {  	s26 =	simm.s32 $0x1AF00;
	s17 =	sshrl.u32 s19, $0x3;
	[smem:$0x7EC] =	sst s6  }
0x36: {  	s11 =	simm.s32 $0x19180;
	s19 =	smov.u32 s1;
	[smem:$0x7F3] =	sst s17  }
0x37: {  	s16 =	simm.s32 $0x19D80;
	s7 =	sshrl.u32 s15, $0x3;
	[smem:$0x7FD] =	sst s19  }
0x38: {  	s1 =	simm.s32 $0x6;
	s15 =	sshrl.u32 s18, $0x3;
	[smem:$0x7EB] =	sst s7  }
0x39: {  	s5 =	simm.s32 $0x4;
	s21 =	sshrl.u32 s20, $0x3;
	[smem:$0x7F1] =	sst s15  }
0x3a: {  	s18 =	simm.s32 $0x19000;
	s17 =	simm.s32 $0x19E00;
	[smem:$0x7F5] =	sst s21  }
0x3b: {  	s20 =	simm.s32 $0x0;
	[smem:$0x7F6] =	sst s18;
	s21 =	simm.s32 $0x18700  }
0x3c: {  	s7 =	simm.s32 $0x7;
	s15 =	simm.s32 $0x19280;
	s18 =	simm.s32 $0x19E80  }
.LBB2_1:
0x3d: {  	s6 =	sld [smem:$0x7E3];
	_ =	sdelay $0x1  }
0x3e: {  	[smem:$0x7E2] =	sst s20  }
0x3f: {  	[spmem:s19], [sflag:s9] =	dma.local [hbm:s6], $0x10  }
0x40: {  	_ =	swait.ge [sflag:s10], $0x10  }
0x41: {  	s20 =	sld [smem:$0x7E6]  }
0x42: {  	[sflag:s10] =	ssyncset.done $0x0  }
0x43: {  	[sflag:s10] =	ssyncadd.s32 $0xFFFFFFF0  }
0x44: {  	[spmem:s20], [sflag:s9] =	dma.local [spmem:s19], $0x10  }
0x45: {  	_ =	swait.ge [sflag:s10], $0x10  }
0x46: {  	s20 =	sld [smem:$0x7E7]  }
0x47: {  	[sflag:s10] =	ssyncset.done $0x0  }
0x48: {  	[sflag:s10] =	ssyncadd.s32 $0xFFFFFFF0  }
0x49: {  	[spmem:s20], [sflag:s9] =	dma.local [spmem:s19], $0x20  }
0x4a: {  	_ =	swait.ge [sflag:s10], $0x20  }
0x4b: {  	s20 =	sld [smem:$0x7E8]  }
0x4c: {  	[sflag:s10] =	ssyncset.done $0x0  }
0x4d: {  	[sflag:s10] =	ssyncadd.s32 $0xFFFFFFE0  }
0x4e: {  	[spmem:s20], [sflag:s9] =	dma.local [spmem:s19], $0x40  }
0x4f: {  	_ =	swait.ge [sflag:s10], $0x40  }
0x50: {  	s20 =	sld [smem:$0x7E9]  }
0x51: {  	[sflag:s10] =	ssyncset.done $0x0  }
0x52: {  	[sflag:s10] =	ssyncadd.s32 $0xFFFFFFC0  }
0x53: {  	[spmem:s20], [sflag:s9] =	dma.local [spmem:s19], $0x80  }
0x54: {  	_ =	swait.ge [sflag:s10], $0x80  }
0x55: {  	s20 =	sld [smem:$0x7EB]  }
0x56: {  	[sflag:s10] =	ssyncset.done $0x0  }
0x57: {  	[sflag:s10] =	ssyncadd.s32 $0xFFFFFF80  }
0x58: {  	[spmem:s20], [sflag:s9] =	dma.local [spmem:s19], $0x100  }
0x59: {  	_ =	swait.ge [sflag:s10], $0x100  }
0x5a: {  	s20 =	sld [smem:$0x7ED]  }
0x5b: {  	[sflag:s10] =	ssyncset.done $0x0  }
0x5c: {  	[sflag:s10] =	ssyncadd.s32 $0xFFFFFF00  }
0x5d: {  	[spmem:s20], [sflag:s9] =	dma.local [spmem:s19], $0x200  }
0x5e: {  	_ =	swait.ge [sflag:s10], $0x200  }
0x5f: {  	s20 =	sld [smem:$0x7EF]  }
0x60: {  	[sflag:s10] =	ssyncset.done $0x0  }
0x61: {  	[sflag:s10] =	ssyncadd.s32 $0xFFFFFE00  }
0x62: {  	[spmem:s20], [sflag:s9] =	dma.local [spmem:s19], $0x400  }
0x63: {  	_ =	swait.ge [sflag:s10], $0x400  }
0x64: {  	s20 =	sld [smem:$0x7F1]  }
0x65: {  	[sflag:s10] =	ssyncset.done $0x0  }
0x66: {  	[sflag:s10] =	ssyncadd.s32 $0xFFFFFC00  }
0x67: {  	[spmem:s20], [sflag:s9] =	dma.local [spmem:s19], $0x800  }
0x68: {  	_ =	swait.ge [sflag:s10], $0x800  }
0x69: {  	s20 =	sld [smem:$0x7F3]  }
0x6a: {  	[sflag:s10] =	ssyncset.done $0x0  }
0x6b: {  	[sflag:s10] =	ssyncadd.s32 $0xFFFFF800  }
0x6c: {  	[spmem:s20], [sflag:s9] =	dma.local [spmem:s19], $0x1000  }
0x6d: {  	_ =	swait.ge [sflag:s10], $0x1000  }
0x6e: {  	s20 =	sld [smem:$0x7F5]  }
0x6f: {  	[sflag:s10] =	ssyncset.done $0x0  }
0x70: {  	[sflag:s10] =	ssyncadd.s32 $0xFFFFF000  }
0x71: {  	[spmem:s20], [sflag:s9] =	dma.local [spmem:s19], $0x10E0  }
0x72: {  	_ =	swait.ge [sflag:s10], $0x10E0  }
0x73: {  	[sflag:s10] =	ssyncset.done $0x0  }
0x74: {  	[sflag:s10] =	ssyncadd.s32 $0xFFFFEF20  }
0x75: {  	[bflag:$0x0] =	sbarrier.arrive $0xFFFF  }
0x76: {  	s20 =	rddreg [dreg:$0x5]  }
0x77: {  	s6 =	sadd.s32 $0x0, s20  }
0x78: {  	[tilespmem:s21], [sflag:$0x9] =	stream.linear.gather [hbm4b:s6+s3], $0xC00, $0x38;
	[tilespmem:$0x1BF00] =	vst v63  }
0x79: {  	_ =	swait.ge [sflag:s10], $0xC00  }
0x7a: {  	s9 =	rddreg [dreg:$0x4];
	[sflag:s10] =	ssyncset.done $0x0  }
0x7b: {  	[sflag:s10] =	ssyncadd.s32 $0xFFFFF400;
	s6 =	sadd.s32 $0x0, s9  }
0x7c: {  	[tilespmem:s22], [sflag:$0x9] =	stream.linear.gather [hbm4b:s6+s3], $0xC00, $0x38;
	[tilespmem:$0x1BF00] =	vst v63  }
0x7d: {  	_ =	swait.ge [sflag:s10], $0xC00  }
0x7e: {  	[sflag:s10] =	ssyncset.done $0x0  }
0x7f: {  	[sflag:s10] =	ssyncadd.s32 $0xFFFFF400  }
0x80: {  	[tilespmem:s24], [sflag:$0x1] =	stream.indirect.gather [hbm4b:s4+s23], $0x10, s21, s23, $0xb8;
	[tilespmem:$0x1BF00] =	vst v63  }
0x81: {  	s19 =	rddreg [dreg:$0x6]  }
0x82: {  	[tilespmem:s25], [sflag:$0x2] =	stream.indirect.gather [hbm4b:s4+s23], $0x10, s19, s23, $0xb8;
	[tilespmem:$0x1BF00] =	vst v63  }
0x83: {  	s20 =	rddreg [dreg:$0x7]  }
0x84: {  	[tilespmem:s26], [sflag:$0x3] =	stream.indirect.gather [hbm4b:s4+s23], $0x10, s20, s23, $0xb8;
	[tilespmem:$0x1BF00] =	vst v63  }
0x85: {  	_ =	swait.ge [sflag:s28], $0x800  }
0x86: {  	[sflag:s28] =	ssyncset.done $0x0  }
0x87: {  	[sflag:s28] =	ssyncadd.s32 $0xFFFFF800  }
0x88: {  	[spmem:s2] =	stream.indirect.scatter.add.bf16 [tilespmem:s24], [sflag:$0x5], $0x10, s22, s23, $0xb8;
	[tilespmem:$0x1BF00] =	vst v63  }
0x89: {  	s9 =	rddreg [dreg:$0x8]  }
0x8a: {  	[tilespmem:s29], [sflag:$0x4] =	stream.indirect.gather [hbm4b:s4+s23], $0x10, s9, s23, $0xb8;
	[tilespmem:$0x1BF00] =	vst v63  }
0x8b: {  	_ =	swait.ge [sflag:s30], $0x800  }
0x8c: {  	[sflag:s30] =	ssyncset.done $0x0  }
0x8d: {  	s19 =	rddreg [dreg:$0x9];
	[sflag:s30] =	ssyncadd.s32 $0xFFFFF800  }
0x8e: {  	[spmem:s2] =	stream.indirect.scatter.add.bf16 [tilespmem:s25], [sflag:$0x6], $0x10, s19, s23, $0xb8;
	[tilespmem:$0x1BF00] =	vst v63  }
0x8f: {  	_ =	swait.ge [sflag:s31], $0x800  }
0x90: {  	[sflag:s31] =	ssyncset.done $0x0  }
0x91: {  	s20 =	rddreg [dreg:$0xa];
	[sflag:s31] =	ssyncadd.s32 $0xFFFFF800  }
0x92: {  	[tilespmem:s24], [sflag:$0x1] =	stream.indirect.gather [hbm4b:s4+s23], $0x10, s20, s23, $0xb8;
	[tilespmem:$0x1BF00] =	vst v63  }
0x93: {  	_ =	swait.ge [sflag:s0], $0x800  }
0x94: {  	[sflag:s0] =	ssyncset.done $0x0  }
0x95: {  	s9 =	rddreg [dreg:$0xb];
	[sflag:s0] =	ssyncadd.s32 $0xFFFFF800  }
0x96: {  	[spmem:s2] =	stream.indirect.scatter.add.bf16 [tilespmem:s26], [sflag:$0x7], $0x10, s9, s23, $0xb8;
	[tilespmem:$0x1BF00] =	vst v63  }
0x97: {  	_ =	swait.ge [sflag:s1], $0x800  }
0x98: {  	[sflag:s1] =	ssyncset.done $0x0  }
0x99: {  	s19 =	rddreg [dreg:$0xc];
	[sflag:s1] =	ssyncadd.s32 $0xFFFFF800  }
0x9a: {  	[tilespmem:s25], [sflag:$0x2] =	stream.indirect.gather [hbm4b:s4+s23], $0x10, s19, s23, $0xb8;
	[tilespmem:$0x1BF00] =	vst v63  }
0x9b: {  	_ =	swait.ge [sflag:s5], $0x800  }
0x9c: {  	[sflag:s5] =	ssyncset.done $0x0  }
0x9d: {  	s20 =	rddreg [dreg:$0xd];
	[sflag:s5] =	ssyncadd.s32 $0xFFFFF800  }
0x9e: {  	[spmem:s2] =	stream.indirect.scatter.add.bf16 [tilespmem:s29], [sflag:$0x8], $0x10, s20, s23, $0xb8;
	[tilespmem:$0x1BF00] =	vst v63  }
0x9f: {  	_ =	swait.ge [sflag:s7], $0x800  }
0xa0: {  	[sflag:s7] =	ssyncset.done $0x0  }
0xa1: {  	s9 =	rddreg [dreg:$0xe];
	[sflag:s7] =	ssyncadd.s32 $0xFFFFF800  }
0xa2: {  	[tilespmem:s26], [sflag:$0x3] =	stream.indirect.gather [hbm4b:s4+s23], $0x10, s9, s23, $0xb8;
	[tilespmem:$0x1BF00] =	vst v63  }
0xa3: {  	_ =	swait.ge [sflag:s28], $0x800  }
0xa4: {  	[sflag:s28] =	ssyncset.done $0x0  }
0xa5: {  	s19 =	rddreg [dreg:$0xf];
	[sflag:s28] =	ssyncadd.s32 $0xFFFFF800  }
0xa6: {  	[spmem:s2] =	stream.indirect.scatter.add.bf16 [tilespmem:s24], [sflag:$0x5], $0x10, s19, s23, $0xb8;
	[tilespmem:$0x1BF00] =	vst v63  }
0xa7: {  	_ =	swait.ge [sflag:s8], $0x800  }
0xa8: {  	[sflag:s8] =	ssyncset.done $0x0  }
0xa9: {  	s20 =	rddreg [dreg:$0x10];
	[sflag:s8] =	ssyncadd.s32 $0xFFFFF800  }
0xaa: {  	[tilespmem:s29], [sflag:$0x4] =	stream.indirect.gather [hbm4b:s4+s23], $0x10, s20, s23, $0xb8;
	[tilespmem:$0x1BF00] =	vst v63  }
0xab: {  	_ =	swait.ge [sflag:s30], $0x800  }
0xac: {  	[sflag:s30] =	ssyncset.done $0x0  }
0xad: {  	s9 =	rddreg [dreg:$0x11];
	[sflag:s30] =	ssyncadd.s32 $0xFFFFF800  }
0xae: {  	[spmem:s2] =	stream.indirect.scatter.add.bf16 [tilespmem:s25], [sflag:$0x6], $0x10, s9, s23, $0xb8;
	[tilespmem:$0x1BF00] =	vst v63  }
0xaf: {  	_ =	swait.ge [sflag:s31], $0x800  }
0xb0: {  	[sflag:s31] =	ssyncset.done $0x0  }
0xb1: {  	s19 =	rddreg [dreg:$0x12];
	[sflag:s31] =	ssyncadd.s32 $0xFFFFF800  }
0xb2: {  	[tilespmem:s24], [sflag:$0x1] =	stream.indirect.gather [hbm4b:s4+s23], $0x10, s19, s23, $0xb8;
	[tilespmem:$0x1BF00] =	vst v63  }
0xb3: {  	_ =	swait.ge [sflag:s0], $0x800  }
0xb4: {  	[sflag:s0] =	ssyncset.done $0x0  }
0xb5: {  	s20 =	rddreg [dreg:$0x13];
	[sflag:s0] =	ssyncadd.s32 $0xFFFFF800  }
0xb6: {  	[spmem:s2] =	stream.indirect.scatter.add.bf16 [tilespmem:s26], [sflag:$0x7], $0x10, s20, s23, $0xb8;
	[tilespmem:$0x1BF00] =	vst v63  }
0xb7: {  	_ =	swait.ge [sflag:s1], $0x800  }
0xb8: {  	[sflag:s1] =	ssyncset.done $0x0  }
0xb9: {  	s9 =	rddreg [dreg:$0x14];
	[sflag:s1] =	ssyncadd.s32 $0xFFFFF800  }
0xba: {  	[tilespmem:s25], [sflag:$0x2] =	stream.indirect.gather [hbm4b:s4+s23], $0x10, s9, s23, $0xb8;
	[tilespmem:$0x1BF00] =	vst v63  }
0xbb: {  	_ =	swait.ge [sflag:s5], $0x800  }
0xbc: {  	[sflag:s5] =	ssyncset.done $0x0  }
0xbd: {  	s19 =	rddreg [dreg:$0x15];
	[sflag:s5] =	ssyncadd.s32 $0xFFFFF800  }
0xbe: {  	[spmem:s2] =	stream.indirect.scatter.add.bf16 [tilespmem:s29], [sflag:$0x8], $0x10, s19, s23, $0xb8;
	[tilespmem:$0x1BF00] =	vst v63  }
0xbf: {  	_ =	swait.ge [sflag:s7], $0x800  }
0xc0: {  	[sflag:s7] =	ssyncset.done $0x0  }
0xc1: {  	s20 =	rddreg [dreg:$0x16];
	[sflag:s7] =	ssyncadd.s32 $0xFFFFF800  }
0xc2: {  	[tilespmem:s26], [sflag:$0x3] =	stream.indirect.gather [hbm4b:s4+s23], $0x10, s20, s23, $0xb8;
	[tilespmem:$0x1BF00] =	vst v63  }
0xc3: {  	_ =	swait.ge [sflag:s28], $0x800  }
0xc4: {  	[sflag:s28] =	ssyncset.done $0x0  }
0xc5: {  	s9 =	rddreg [dreg:$0x17];
	[sflag:s28] =	ssyncadd.s32 $0xFFFFF800  }
0xc6: {  	[spmem:s2] =	stream.indirect.scatter.add.bf16 [tilespmem:s24], [sflag:$0x5], $0x10, s9, s23, $0xb8;
	[tilespmem:$0x1BF00] =	vst v63  }
0xc7: {  	_ =	swait.ge [sflag:s8], $0x800  }
0xc8: {  	[sflag:s8] =	ssyncset.done $0x0  }
0xc9: {  	s19 =	rddreg [dreg:$0x18];
	[sflag:s8] =	ssyncadd.s32 $0xFFFFF800  }
0xca: {  	[tilespmem:s29], [sflag:$0x4] =	stream.indirect.gather [hbm4b:s4+s23], $0x10, s19, s23, $0xb8;
	[tilespmem:$0x1BF00] =	vst v63  }
0xcb: {  	_ =	swait.ge [sflag:s30], $0x800  }
0xcc: {  	[sflag:s30] =	ssyncset.done $0x0  }
0xcd: {  	s20 =	rddreg [dreg:$0x19];
	[sflag:s30] =	ssyncadd.s32 $0xFFFFF800  }
0xce: {  	[spmem:s2] =	stream.indirect.scatter.add.bf16 [tilespmem:s25], [sflag:$0x6], $0x10, s20, s23, $0xb8;
	[tilespmem:$0x1BF00] =	vst v63  }
0xcf: {  	_ =	swait.ge [sflag:s31], $0x800  }
0xd0: {  	[sflag:s31] =	ssyncset.done $0x0  }
0xd1: {  	s9 =	rddreg [dreg:$0x1a];
	[sflag:s31] =	ssyncadd.s32 $0xFFFFF800  }
0xd2: {  	[tilespmem:s24], [sflag:$0x1] =	stream.indirect.gather [hbm4b:s4+s23], $0x10, s9, s23, $0xb8;
	[tilespmem:$0x1BF00] =	vst v63  }
0xd3: {  	_ =	swait.ge [sflag:s0], $0x800  }
0xd4: {  	[sflag:s0] =	ssyncset.done $0x0  }
0xd5: {  	s19 =	rddreg [dreg:$0x1b];
	[sflag:s0] =	ssyncadd.s32 $0xFFFFF800  }
0xd6: {  	[spmem:s2] =	stream.indirect.scatter.add.bf16 [tilespmem:s26], [sflag:$0x7], $0x10, s19, s23, $0xb8;
	[tilespmem:$0x1BF00] =	vst v63  }
0xd7: {  	_ =	swait.ge [sflag:s1], $0x800  }
0xd8: {  	[sflag:s1] =	ssyncset.done $0x0  }
0xd9: {  	s20 =	rddreg [dreg:$0x1c];
	[sflag:s1] =	ssyncadd.s32 $0xFFFFF800  }
0xda: {  	[tilespmem:s25], [sflag:$0x2] =	stream.indirect.gather [hbm4b:s4+s23], $0x10, s20, s23, $0xb8;
	[tilespmem:$0x1BF00] =	vst v63  }
0xdb: {  	_ =	swait.ge [sflag:s5], $0x800  }
0xdc: {  	[sflag:s5] =	ssyncset.done $0x0  }
0xdd: {  	s9 =	rddreg [dreg:$0x1d];
	[sflag:s5] =	ssyncadd.s32 $0xFFFFF800  }
0xde: {  	[spmem:s2] =	stream.indirect.scatter.add.bf16 [tilespmem:s29], [sflag:$0x8], $0x10, s9, s23, $0xb8;
	[tilespmem:$0x1BF00] =	vst v63  }
0xdf: {  	_ =	swait.ge [sflag:s7], $0x800  }
0xe0: {  	[sflag:s7] =	ssyncset.done $0x0  }
0xe1: {  	s19 =	rddreg [dreg:$0x1e];
	[sflag:s7] =	ssyncadd.s32 $0xFFFFF800  }
0xe2: {  	[tilespmem:s26], [sflag:$0x3] =	stream.indirect.gather [hbm4b:s4+s23], $0x10, s19, s23, $0xb8;
	[tilespmem:$0x1BF00] =	vst v63  }
0xe3: {  	_ =	swait.ge [sflag:s28], $0x800  }
0xe4: {  	[sflag:s28] =	ssyncset.done $0x0  }
0xe5: {  	s20 =	rddreg [dreg:$0x1f];
	[sflag:s28] =	ssyncadd.s32 $0xFFFFF800  }
0xe6: {  	[spmem:s2] =	stream.indirect.scatter.add.bf16 [tilespmem:s24], [sflag:$0x5], $0x10, s20, s23, $0xb8;
	[tilespmem:$0x1BF00] =	vst v63  }
0xe7: {  	_ =	swait.ge [sflag:s8], $0x800  }
0xe8: {  	s9 =	sld [smem:$0x7EA]  }
0xe9: {  	[sflag:s8] =	ssyncset.done $0x0  }
0xea: {  	[sflag:s8] =	ssyncadd.s32 $0xFFFFF800  }
0xeb: {  	[tilespmem:s29], [sflag:$0x4] =	stream.indirect.gather [hbm4b:s4+s23], $0x10, s9, s23, $0xb8;
	[tilespmem:$0x1BF00] =	vst v63  }
0xec: {  	_ =	swait.ge [sflag:s30], $0x800  }
0xed: {  	s19 =	sld [smem:$0x7EC]  }
0xee: {  	[sflag:s30] =	ssyncset.done $0x0  }
0xef: {  	[sflag:s30] =	ssyncadd.s32 $0xFFFFF800  }
0xf0: {  	[spmem:s2] =	stream.indirect.scatter.add.bf16 [tilespmem:s25], [sflag:$0x6], $0x10, s19, s23, $0xb8;
	[tilespmem:$0x1BF00] =	vst v63  }
0xf1: {  	_ =	swait.ge [sflag:s31], $0x800  }
0xf2: {  	s20 =	sld [smem:$0x7EE]  }
0xf3: {  	[sflag:s31] =	ssyncset.done $0x0  }
0xf4: {  	[sflag:s31] =	ssyncadd.s32 $0xFFFFF800  }
0xf5: {  	[tilespmem:s24], [sflag:$0x1] =	stream.indirect.gather [hbm4b:s4+s23], $0x10, s20, s23, $0xb8;
	[tilespmem:$0x1BF00] =	vst v63  }
0xf6: {  	_ =	swait.ge [sflag:s0], $0x800  }
0xf7: {  	s9 =	sld [smem:$0x7F0]  }
0xf8: {  	[sflag:s0] =	ssyncset.done $0x0  }
0xf9: {  	[sflag:s0] =	ssyncadd.s32 $0xFFFFF800  }
0xfa: {  	[spmem:s2] =	stream.indirect.scatter.add.bf16 [tilespmem:s26], [sflag:$0x7], $0x10, s9, s23, $0xb8;
	[tilespmem:$0x1BF00] =	vst v63  }
0xfb: {  	_ =	swait.ge [sflag:s1], $0x800  }
0xfc: {  	s19 =	sld [smem:$0x7F2]  }
0xfd: {  	[sflag:s1] =	ssyncset.done $0x0  }
0xfe: {  	[sflag:s1] =	ssyncadd.s32 $0xFFFFF800  }
0xff: {  	[tilespmem:s25], [sflag:$0x2] =	stream.indirect.gather [hbm4b:s4+s23], $0x10, s19, s23, $0xb8;
	[tilespmem:$0x1BF00] =	vst v63  }
0x100: {  	_ =	swait.ge [sflag:s5], $0x800  }
0x101: {  	s20 =	sld [smem:$0x7F4]  }
0x102: {  	[sflag:s5] =	ssyncset.done $0x0  }
0x103: {  	[sflag:s5] =	ssyncadd.s32 $0xFFFFF800  }
0x104: {  	[spmem:s2] =	stream.indirect.scatter.add.bf16 [tilespmem:s29], [sflag:$0x8], $0x10, s20, s23, $0xb8;
	[tilespmem:$0x1BF00] =	vst v63  }
0x105: {  	_ =	swait.ge [sflag:s7], $0x800  }
0x106: {  	s9 =	sld [smem:$0x7F6]  }
0x107: {  	[sflag:s7] =	ssyncset.done $0x0  }
0x108: {  	[sflag:s7] =	ssyncadd.s32 $0xFFFFF800  }
0x109: {  	[tilespmem:s26], [sflag:$0x3] =	stream.indirect.gather [hbm4b:s4+s23], $0x10, s9, s23, $0xb8;
	[tilespmem:$0x1BF00] =	vst v63  }
0x10a: {  	_ =	swait.ge [sflag:s28], $0x800  }
0x10b: {  	s19 =	sld [smem:$0x7F7]  }
0x10c: {  	[sflag:s28] =	ssyncset.done $0x0  }
0x10d: {  	[sflag:s28] =	ssyncadd.s32 $0xFFFFF800  }
0x10e: {  	[spmem:s2] =	stream.indirect.scatter.add.bf16 [tilespmem:s24], [sflag:$0x5], $0x10, s19, s23, $0xb8;
	[tilespmem:$0x1BF00] =	vst v63  }
0x10f: {  	_ =	swait.ge [sflag:s8], $0x800  }
0x110: {  	s20 =	sld [smem:$0x7F8]  }
0x111: {  	[sflag:s8] =	ssyncset.done $0x0  }
0x112: {  	[sflag:s8] =	ssyncadd.s32 $0xFFFFF800  }
0x113: {  	[tilespmem:s29], [sflag:$0x4] =	stream.indirect.gather [hbm4b:s4+s23], $0x10, s20, s23, $0xb8;
	[tilespmem:$0x1BF00] =	vst v63  }
0x114: {  	_ =	swait.ge [sflag:s30], $0x800  }
0x115: {  	s9 =	sld [smem:$0x7F9]  }
0x116: {  	[sflag:s30] =	ssyncset.done $0x0  }
0x117: {  	[sflag:s30] =	ssyncadd.s32 $0xFFFFF800  }
0x118: {  	[spmem:s2] =	stream.indirect.scatter.add.bf16 [tilespmem:s25], [sflag:$0x6], $0x10, s9, s23, $0xb8;
	[tilespmem:$0x1BF00] =	vst v63  }
0x119: {  	_ =	swait.ge [sflag:s31], $0x800  }
0x11a: {  	s19 =	sld [smem:$0x7FA]  }
0x11b: {  	[sflag:s31] =	ssyncset.done $0x0  }
0x11c: {  	[sflag:s31] =	ssyncadd.s32 $0xFFFFF800  }
0x11d: {  	[tilespmem:s24], [sflag:$0x1] =	stream.indirect.gather [hbm4b:s4+s23], $0x10, s19, s23, $0xb8;
	[tilespmem:$0x1BF00] =	vst v63  }
0x11e: {  	_ =	swait.ge [sflag:s0], $0x800  }
0x11f: {  	s20 =	sld [smem:$0x7FB]  }
0x120: {  	[sflag:s0] =	ssyncset.done $0x0  }
0x121: {  	[sflag:s0] =	ssyncadd.s32 $0xFFFFF800  }
0x122: {  	[spmem:s2] =	stream.indirect.scatter.add.bf16 [tilespmem:s26], [sflag:$0x7], $0x10, s20, s23, $0xb8;
	[tilespmem:$0x1BF00] =	vst v63  }
0x123: {  	_ =	swait.ge [sflag:s1], $0x800  }
0x124: {  	[sflag:s1] =	ssyncset.done $0x0  }
0x125: {  	[sflag:s1] =	ssyncadd.s32 $0xFFFFF800  }
0x126: {  	[tilespmem:s25], [sflag:$0x2] =	stream.indirect.gather [hbm4b:s4+s23], $0x10, s11, s23, $0xb8;
	[tilespmem:$0x1BF00] =	vst v63  }
0x127: {  	_ =	swait.ge [sflag:s5], $0x800  }
0x128: {  	[sflag:s5] =	ssyncset.done $0x0  }
0x129: {  	[sflag:s5] =	ssyncadd.s32 $0xFFFFF800  }
0x12a: {  	[spmem:s2] =	stream.indirect.scatter.add.bf16 [tilespmem:s29], [sflag:$0x8], $0x10, s12, s23, $0xb8;
	[tilespmem:$0x1BF00] =	vst v63  }
0x12b: {  	_ =	swait.ge [sflag:s7], $0x800  }
0x12c: {  	[sflag:s7] =	ssyncset.done $0x0  }
0x12d: {  	[sflag:s7] =	ssyncadd.s32 $0xFFFFF800  }
0x12e: {  	[tilespmem:s26], [sflag:$0x3] =	stream.indirect.gather [hbm4b:s4+s23], $0x10, s13, s23, $0xb8;
	[tilespmem:$0x1BF00] =	vst v63  }
0x12f: {  	_ =	swait.ge [sflag:s28], $0x800  }
0x130: {  	[sflag:s28] =	ssyncset.done $0x0  }
0x131: {  	[sflag:s28] =	ssyncadd.s32 $0xFFFFF800  }
0x132: {  	[spmem:s2] =	stream.indirect.scatter.add.bf16 [tilespmem:s24], [sflag:$0x5], $0x10, s14, s23, $0xb8;
	[tilespmem:$0x1BF00] =	vst v63  }
0x133: {  	_ =	swait.ge [sflag:s8], $0x800  }
0x134: {  	[sflag:s8] =	ssyncset.done $0x0  }
0x135: {  	[sflag:s8] =	ssyncadd.s32 $0xFFFFF800  }
0x136: {  	[tilespmem:s29], [sflag:$0x4] =	stream.indirect.gather [hbm4b:s4+s23], $0x10, s15, s23, $0xb8;
	[tilespmem:$0x1BF00] =	vst v63  }
0x137: {  	_ =	swait.ge [sflag:s30], $0x800  }
0x138: {  	[sflag:s30] =	ssyncset.done $0x0  }
0x139: {  	[sflag:s30] =	ssyncadd.s32 $0xFFFFF800  }
0x13a: {  	[spmem:s2] =	stream.indirect.scatter.add.bf16 [tilespmem:s25], [sflag:$0x6], $0x10, s16, s23, $0xb8;
	[tilespmem:$0x1BF00] =	vst v63  }
0x13b: {  	_ =	swait.ge [sflag:s0], $0x800  }
0x13c: {  	[sflag:s0] =	ssyncset.done $0x0  }
0x13d: {  	[sflag:s0] =	ssyncadd.s32 $0xFFFFF800  }
0x13e: {  	[spmem:s2] =	stream.indirect.scatter.add.bf16 [tilespmem:s26], [sflag:$0x7], $0x10, s17, s23, $0xb8;
	[tilespmem:$0x1BF00] =	vst v63  }
0x13f: {  	_ =	swait.ge [sflag:s5], $0x800  }
0x140: {  	[sflag:s5] =	ssyncset.done $0x0  }
0x141: {  	[sflag:s5] =	ssyncadd.s32 $0xFFFFF800  }
0x142: {  	[spmem:s2] =	stream.indirect.scatter.add.bf16 [tilespmem:s29], [sflag:$0x8], $0x10, s18, s23, $0xb8;
	[tilespmem:$0x1BF00] =	vst v63  }
0x143: {  	_ =	swait.ge [sflag:s31], $0x800  }
0x144: {  	[sflag:s31] =	ssyncset.done $0x0  }
0x145: {  	[sflag:s31] =	ssyncadd.s32 $0xFFFFF800  }
0x146: {  	_ =	swait.ge [sflag:s1], $0x800  }
0x147: {  	[sflag:s1] =	ssyncset.done $0x0  }
0x148: {  	[sflag:s1] =	ssyncadd.s32 $0xFFFFF800  }
0x149: {  	_ =	swait.ge [sflag:s7], $0x800  }
0x14a: {  	[sflag:s7] =	ssyncset.done $0x0  }
0x14b: {  	[sflag:s7] =	ssyncadd.s32 $0xFFFFF800  }
0x14c: {  	s19 =	simm.s32 $0x300;
	_ =	swait.ge [sflag:s8], $0x800  }
0x14d: {  	s20 =	simm.s32 $0x180;
	s6 =	rddreg [dreg:$0x5];
	[sflag:s8] =	ssyncset.done $0x0  }
.LBB2_2:
0x14e: {  	[sflag:s8] =	ssyncadd.s32 $0xFFFFF800;
	s6 =	sadd.s32 s20, s6  }
0x14f: {  	[tilespmem:s21], [sflag:$0x9] =	stream.linear.gather [hbm4b:s6+s3], $0xC00, $0x38;
	[tilespmem:$0x1BF00] =	vst v63  }
0x150: {  	_ =	swait.ge [sflag:s10], $0xC00  }
0x151: {  	s6 =	rddreg [dreg:$0x4];
	[sflag:s10] =	ssyncset.done $0x0  }
0x152: {  	[sflag:s10] =	ssyncadd.s32 $0xFFFFF400;
	s6 =	sadd.s32 s20, s6  }
0x153: {  	[tilespmem:s22], [sflag:$0x9] =	stream.linear.gather [hbm4b:s6+s3], $0xC00, $0x38;
	[tilespmem:$0x1BF00] =	vst v63  }
0x154: {  	_ =	swait.ge [sflag:s10], $0xC00  }
0x155: {  	[sflag:s10] =	ssyncset.done $0x0  }
0x156: {  	[sflag:s10] =	ssyncadd.s32 $0xFFFFF400  }
0x157: {  	[tilespmem:s24], [sflag:$0x1] =	stream.indirect.gather [hbm4b:s4+s23], $0x10, s21, s23, $0xb8;
	[tilespmem:$0x1BF00] =	vst v63  }
0x158: {  	s9 =	smov.u32 s19;
	s6 =	rddreg [dreg:$0x6]  }
0x159: {  	[tilespmem:s25], [sflag:$0x2] =	stream.indirect.gather [hbm4b:s4+s23], $0x10, s6, s23, $0xb8;
	[tilespmem:$0x1BF00] =	vst v63  }
0x15a: {  	s20 =	smov.u32 s9;
	s9 =	rddreg [dreg:$0x7]  }
0x15b: {  	[tilespmem:s26], [sflag:$0x3] =	stream.indirect.gather [hbm4b:s4+s23], $0x10, s9, s23, $0xb8;
	[tilespmem:$0x1BF00] =	vst v63  }
0x15c: {  	_ =	swait.ge [sflag:s28], $0x800  }
0x15d: {  	[sflag:s28] =	ssyncset.done $0x0  }
0x15e: {  	[sflag:s28] =	ssyncadd.s32 $0xFFFFF800  }
0x15f: {  	[spmem:s2] =	stream.indirect.scatter.add.bf16 [tilespmem:s24], [sflag:$0x5], $0x10, s22, s23, $0xb8;
	[tilespmem:$0x1BF00] =	vst v63  }
0x160: {  	s9 =	rddreg [dreg:$0x8]  }
0x161: {  	[tilespmem:s29], [sflag:$0x4] =	stream.indirect.gather [hbm4b:s4+s23], $0x10, s9, s23, $0xb8;
	[tilespmem:$0x1BF00] =	vst v63  }
0x162: {  	_ =	swait.ge [sflag:s30], $0x800  }
0x163: {  	[sflag:s30] =	ssyncset.done $0x0  }
0x164: {  	s9 =	rddreg [dreg:$0x9];
	[sflag:s30] =	ssyncadd.s32 $0xFFFFF800  }
0x165: {  	[spmem:s2] =	stream.indirect.scatter.add.bf16 [tilespmem:s25], [sflag:$0x6], $0x10, s9, s23, $0xb8;
	[tilespmem:$0x1BF00] =	vst v63  }
0x166: {  	_ =	swait.ge [sflag:s31], $0x800  }
0x167: {  	[sflag:s31] =	ssyncset.done $0x0  }
0x168: {  	s9 =	rddreg [dreg:$0xa];
	[sflag:s31] =	ssyncadd.s32 $0xFFFFF800  }
0x169: {  	[tilespmem:s24], [sflag:$0x1] =	stream.indirect.gather [hbm4b:s4+s23], $0x10, s9, s23, $0xb8;
	[tilespmem:$0x1BF00] =	vst v63  }
0x16a: {  	_ =	swait.ge [sflag:s0], $0x800  }
0x16b: {  	[sflag:s0] =	ssyncset.done $0x0  }
0x16c: {  	s9 =	rddreg [dreg:$0xb];
	[sflag:s0] =	ssyncadd.s32 $0xFFFFF800  }
0x16d: {  	[spmem:s2] =	stream.indirect.scatter.add.bf16 [tilespmem:s26], [sflag:$0x7], $0x10, s9, s23, $0xb8;
	[tilespmem:$0x1BF00] =	vst v63  }
0x16e: {  	_ =	swait.ge [sflag:s1], $0x800  }
0x16f: {  	[sflag:s1] =	ssyncset.done $0x0  }
0x170: {  	s9 =	rddreg [dreg:$0xc];
	[sflag:s1] =	ssyncadd.s32 $0xFFFFF800  }
0x171: {  	[tilespmem:s25], [sflag:$0x2] =	stream.indirect.gather [hbm4b:s4+s23], $0x10, s9, s23, $0xb8;
	[tilespmem:$0x1BF00] =	vst v63  }
0x172: {  	_ =	swait.ge [sflag:s5], $0x800  }
0x173: {  	[sflag:s5] =	ssyncset.done $0x0  }
0x174: {  	s9 =	rddreg [dreg:$0xd];
	[sflag:s5] =	ssyncadd.s32 $0xFFFFF800  }
0x175: {  	[spmem:s2] =	stream.indirect.scatter.add.bf16 [tilespmem:s29], [sflag:$0x8], $0x10, s9, s23, $0xb8;
	[tilespmem:$0x1BF00] =	vst v63  }
0x176: {  	_ =	swait.ge [sflag:s7], $0x800  }
0x177: {  	[sflag:s7] =	ssyncset.done $0x0  }
0x178: {  	s9 =	rddreg [dreg:$0xe];
	[sflag:s7] =	ssyncadd.s32 $0xFFFFF800  }
0x179: {  	[tilespmem:s26], [sflag:$0x3] =	stream.indirect.gather [hbm4b:s4+s23], $0x10, s9, s23, $0xb8;
	[tilespmem:$0x1BF00] =	vst v63  }
0x17a: {  	_ =	swait.ge [sflag:s28], $0x800  }
0x17b: {  	[sflag:s28] =	ssyncset.done $0x0  }
0x17c: {  	s9 =	rddreg [dreg:$0xf];
	[sflag:s28] =	ssyncadd.s32 $0xFFFFF800  }
0x17d: {  	[spmem:s2] =	stream.indirect.scatter.add.bf16 [tilespmem:s24], [sflag:$0x5], $0x10, s9, s23, $0xb8;
	[tilespmem:$0x1BF00] =	vst v63  }
0x17e: {  	_ =	swait.ge [sflag:s8], $0x800  }
0x17f: {  	[sflag:s8] =	ssyncset.done $0x0  }
0x180: {  	s9 =	rddreg [dreg:$0x10];
	[sflag:s8] =	ssyncadd.s32 $0xFFFFF800  }
0x181: {  	[tilespmem:s29], [sflag:$0x4] =	stream.indirect.gather [hbm4b:s4+s23], $0x10, s9, s23, $0xb8;
	[tilespmem:$0x1BF00] =	vst v63  }
0x182: {  	_ =	swait.ge [sflag:s30], $0x800  }
0x183: {  	[sflag:s30] =	ssyncset.done $0x0  }
0x184: {  	s9 =	rddreg [dreg:$0x11];
	[sflag:s30] =	ssyncadd.s32 $0xFFFFF800  }
0x185: {  	[spmem:s2] =	stream.indirect.scatter.add.bf16 [tilespmem:s25], [sflag:$0x6], $0x10, s9, s23, $0xb8;
	[tilespmem:$0x1BF00] =	vst v63  }
0x186: {  	_ =	swait.ge [sflag:s31], $0x800  }
0x187: {  	[sflag:s31] =	ssyncset.done $0x0  }
0x188: {  	s9 =	rddreg [dreg:$0x12];
	[sflag:s31] =	ssyncadd.s32 $0xFFFFF800  }
0x189: {  	[tilespmem:s24], [sflag:$0x1] =	stream.indirect.gather [hbm4b:s4+s23], $0x10, s9, s23, $0xb8;
	[tilespmem:$0x1BF00] =	vst v63  }
0x18a: {  	_ =	swait.ge [sflag:s0], $0x800  }
0x18b: {  	[sflag:s0] =	ssyncset.done $0x0  }
0x18c: {  	s9 =	rddreg [dreg:$0x13];
	[sflag:s0] =	ssyncadd.s32 $0xFFFFF800  }
0x18d: {  	[spmem:s2] =	stream.indirect.scatter.add.bf16 [tilespmem:s26], [sflag:$0x7], $0x10, s9, s23, $0xb8;
	[tilespmem:$0x1BF00] =	vst v63  }
0x18e: {  	_ =	swait.ge [sflag:s1], $0x800  }
0x18f: {  	[sflag:s1] =	ssyncset.done $0x0  }
0x190: {  	s9 =	rddreg [dreg:$0x14];
	[sflag:s1] =	ssyncadd.s32 $0xFFFFF800  }
0x191: {  	[tilespmem:s25], [sflag:$0x2] =	stream.indirect.gather [hbm4b:s4+s23], $0x10, s9, s23, $0xb8;
	[tilespmem:$0x1BF00] =	vst v63  }
0x192: {  	_ =	swait.ge [sflag:s5], $0x800  }
0x193: {  	[sflag:s5] =	ssyncset.done $0x0  }
0x194: {  	s9 =	rddreg [dreg:$0x15];
	[sflag:s5] =	ssyncadd.s32 $0xFFFFF800  }
0x195: {  	[spmem:s2] =	stream.indirect.scatter.add.bf16 [tilespmem:s29], [sflag:$0x8], $0x10, s9, s23, $0xb8;
	[tilespmem:$0x1BF00] =	vst v63  }
0x196: {  	_ =	swait.ge [sflag:s7], $0x800  }
0x197: {  	[sflag:s7] =	ssyncset.done $0x0  }
0x198: {  	s9 =	rddreg [dreg:$0x16];
	[sflag:s7] =	ssyncadd.s32 $0xFFFFF800  }
0x199: {  	[tilespmem:s26], [sflag:$0x3] =	stream.indirect.gather [hbm4b:s4+s23], $0x10, s9, s23, $0xb8;
	[tilespmem:$0x1BF00] =	vst v63  }
0x19a: {  	_ =	swait.ge [sflag:s28], $0x800  }
0x19b: {  	[sflag:s28] =	ssyncset.done $0x0  }
0x19c: {  	s9 =	rddreg [dreg:$0x17];
	[sflag:s28] =	ssyncadd.s32 $0xFFFFF800  }
0x19d: {  	[spmem:s2] =	stream.indirect.scatter.add.bf16 [tilespmem:s24], [sflag:$0x5], $0x10, s9, s23, $0xb8;
	[tilespmem:$0x1BF00] =	vst v63  }
0x19e: {  	_ =	swait.ge [sflag:s8], $0x800  }
0x19f: {  	[sflag:s8] =	ssyncset.done $0x0  }
0x1a0: {  	s9 =	rddreg [dreg:$0x18];
	[sflag:s8] =	ssyncadd.s32 $0xFFFFF800  }
0x1a1: {  	[tilespmem:s29], [sflag:$0x4] =	stream.indirect.gather [hbm4b:s4+s23], $0x10, s9, s23, $0xb8;
	[tilespmem:$0x1BF00] =	vst v63  }
0x1a2: {  	_ =	swait.ge [sflag:s30], $0x800  }
0x1a3: {  	[sflag:s30] =	ssyncset.done $0x0  }
0x1a4: {  	s9 =	rddreg [dreg:$0x19];
	[sflag:s30] =	ssyncadd.s32 $0xFFFFF800  }
0x1a5: {  	[spmem:s2] =	stream.indirect.scatter.add.bf16 [tilespmem:s25], [sflag:$0x6], $0x10, s9, s23, $0xb8;
	[tilespmem:$0x1BF00] =	vst v63  }
0x1a6: {  	_ =	swait.ge [sflag:s31], $0x800  }
0x1a7: {  	[sflag:s31] =	ssyncset.done $0x0  }
0x1a8: {  	s9 =	rddreg [dreg:$0x1a];
	[sflag:s31] =	ssyncadd.s32 $0xFFFFF800  }
0x1a9: {  	[tilespmem:s24], [sflag:$0x1] =	stream.indirect.gather [hbm4b:s4+s23], $0x10, s9, s23, $0xb8;
	[tilespmem:$0x1BF00] =	vst v63  }
0x1aa: {  	_ =	swait.ge [sflag:s0], $0x800  }
0x1ab: {  	[sflag:s0] =	ssyncset.done $0x0  }
0x1ac: {  	s9 =	rddreg [dreg:$0x1b];
	[sflag:s0] =	ssyncadd.s32 $0xFFFFF800  }
0x1ad: {  	[spmem:s2] =	stream.indirect.scatter.add.bf16 [tilespmem:s26], [sflag:$0x7], $0x10, s9, s23, $0xb8;
	[tilespmem:$0x1BF00] =	vst v63  }
0x1ae: {  	_ =	swait.ge [sflag:s1], $0x800  }
0x1af: {  	[sflag:s1] =	ssyncset.done $0x0  }
0x1b0: {  	s9 =	rddreg [dreg:$0x1c];
	[sflag:s1] =	ssyncadd.s32 $0xFFFFF800  }
0x1b1: {  	[tilespmem:s25], [sflag:$0x2] =	stream.indirect.gather [hbm4b:s4+s23], $0x10, s9, s23, $0xb8;
	[tilespmem:$0x1BF00] =	vst v63  }
0x1b2: {  	_ =	swait.ge [sflag:s5], $0x800  }
0x1b3: {  	[sflag:s5] =	ssyncset.done $0x0  }
0x1b4: {  	s9 =	rddreg [dreg:$0x1d];
	[sflag:s5] =	ssyncadd.s32 $0xFFFFF800  }
0x1b5: {  	[spmem:s2] =	stream.indirect.scatter.add.bf16 [tilespmem:s29], [sflag:$0x8], $0x10, s9, s23, $0xb8;
	[tilespmem:$0x1BF00] =	vst v63  }
0x1b6: {  	_ =	swait.ge [sflag:s7], $0x800  }
0x1b7: {  	[sflag:s7] =	ssyncset.done $0x0  }
0x1b8: {  	s9 =	rddreg [dreg:$0x1e];
	[sflag:s7] =	ssyncadd.s32 $0xFFFFF800  }
0x1b9: {  	[tilespmem:s26], [sflag:$0x3] =	stream.indirect.gather [hbm4b:s4+s23], $0x10, s9, s23, $0xb8;
	[tilespmem:$0x1BF00] =	vst v63  }
0x1ba: {  	_ =	swait.ge [sflag:s28], $0x800  }
0x1bb: {  	[sflag:s28] =	ssyncset.done $0x0  }
0x1bc: {  	s9 =	rddreg [dreg:$0x1f];
	[sflag:s28] =	ssyncadd.s32 $0xFFFFF800  }
0x1bd: {  	[spmem:s2] =	stream.indirect.scatter.add.bf16 [tilespmem:s24], [sflag:$0x5], $0x10, s9, s23, $0xb8;
	[tilespmem:$0x1BF00] =	vst v63  }
0x1be: {  	_ =	swait.ge [sflag:s8], $0x800  }
0x1bf: {  	s9 =	sld [smem:$0x7EA]  }
0x1c0: {  	[sflag:s8] =	ssyncset.done $0x0  }
0x1c1: {  	[sflag:s8] =	ssyncadd.s32 $0xFFFFF800  }
0x1c2: {  	[tilespmem:s29], [sflag:$0x4] =	stream.indirect.gather [hbm4b:s4+s23], $0x10, s9, s23, $0xb8;
	[tilespmem:$0x1BF00] =	vst v63  }
0x1c3: {  	_ =	swait.ge [sflag:s30], $0x800  }
0x1c4: {  	s9 =	sld [smem:$0x7EC]  }
0x1c5: {  	[sflag:s30] =	ssyncset.done $0x0  }
0x1c6: {  	[sflag:s30] =	ssyncadd.s32 $0xFFFFF800  }
0x1c7: {  	[spmem:s2] =	stream.indirect.scatter.add.bf16 [tilespmem:s25], [sflag:$0x6], $0x10, s9, s23, $0xb8;
	[tilespmem:$0x1BF00] =	vst v63  }
0x1c8: {  	_ =	swait.ge [sflag:s31], $0x800  }
0x1c9: {  	s9 =	sld [smem:$0x7EE]  }
0x1ca: {  	[sflag:s31] =	ssyncset.done $0x0  }
0x1cb: {  	[sflag:s31] =	ssyncadd.s32 $0xFFFFF800  }
0x1cc: {  	[tilespmem:s24], [sflag:$0x1] =	stream.indirect.gather [hbm4b:s4+s23], $0x10, s9, s23, $0xb8;
	[tilespmem:$0x1BF00] =	vst v63  }
0x1cd: {  	_ =	swait.ge [sflag:s0], $0x800  }
0x1ce: {  	s9 =	sld [smem:$0x7F0]  }
0x1cf: {  	[sflag:s0] =	ssyncset.done $0x0  }
0x1d0: {  	[sflag:s0] =	ssyncadd.s32 $0xFFFFF800  }
0x1d1: {  	[spmem:s2] =	stream.indirect.scatter.add.bf16 [tilespmem:s26], [sflag:$0x7], $0x10, s9, s23, $0xb8;
	[tilespmem:$0x1BF00] =	vst v63  }
0x1d2: {  	_ =	swait.ge [sflag:s1], $0x800  }
0x1d3: {  	s9 =	sld [smem:$0x7F2]  }
0x1d4: {  	[sflag:s1] =	ssyncset.done $0x0  }
0x1d5: {  	[sflag:s1] =	ssyncadd.s32 $0xFFFFF800  }
0x1d6: {  	[tilespmem:s25], [sflag:$0x2] =	stream.indirect.gather [hbm4b:s4+s23], $0x10, s9, s23, $0xb8;
	[tilespmem:$0x1BF00] =	vst v63  }
0x1d7: {  	_ =	swait.ge [sflag:s5], $0x800  }
0x1d8: {  	s9 =	sld [smem:$0x7F4]  }
0x1d9: {  	[sflag:s5] =	ssyncset.done $0x0  }
0x1da: {  	[sflag:s5] =	ssyncadd.s32 $0xFFFFF800  }
0x1db: {  	[spmem:s2] =	stream.indirect.scatter.add.bf16 [tilespmem:s29], [sflag:$0x8], $0x10, s9, s23, $0xb8;
	[tilespmem:$0x1BF00] =	vst v63  }
0x1dc: {  	_ =	swait.ge [sflag:s7], $0x800  }
0x1dd: {  	s9 =	sld [smem:$0x7F6]  }
0x1de: {  	[sflag:s7] =	ssyncset.done $0x0  }
0x1df: {  	[sflag:s7] =	ssyncadd.s32 $0xFFFFF800  }
0x1e0: {  	[tilespmem:s26], [sflag:$0x3] =	stream.indirect.gather [hbm4b:s4+s23], $0x10, s9, s23, $0xb8;
	[tilespmem:$0x1BF00] =	vst v63  }
0x1e1: {  	_ =	swait.ge [sflag:s28], $0x800  }
0x1e2: {  	s9 =	sld [smem:$0x7F7]  }
0x1e3: {  	[sflag:s28] =	ssyncset.done $0x0  }
0x1e4: {  	[sflag:s28] =	ssyncadd.s32 $0xFFFFF800  }
0x1e5: {  	[spmem:s2] =	stream.indirect.scatter.add.bf16 [tilespmem:s24], [sflag:$0x5], $0x10, s9, s23, $0xb8;
	[tilespmem:$0x1BF00] =	vst v63  }
0x1e6: {  	_ =	swait.ge [sflag:s8], $0x800  }
0x1e7: {  	s9 =	sld [smem:$0x7F8]  }
0x1e8: {  	[sflag:s8] =	ssyncset.done $0x0  }
0x1e9: {  	[sflag:s8] =	ssyncadd.s32 $0xFFFFF800  }
0x1ea: {  	[tilespmem:s29], [sflag:$0x4] =	stream.indirect.gather [hbm4b:s4+s23], $0x10, s9, s23, $0xb8;
	[tilespmem:$0x1BF00] =	vst v63  }
0x1eb: {  	_ =	swait.ge [sflag:s30], $0x800  }
0x1ec: {  	s9 =	sld [smem:$0x7F9]  }
0x1ed: {  	[sflag:s30] =	ssyncset.done $0x0  }
0x1ee: {  	[sflag:s30] =	ssyncadd.s32 $0xFFFFF800  }
0x1ef: {  	[spmem:s2] =	stream.indirect.scatter.add.bf16 [tilespmem:s25], [sflag:$0x6], $0x10, s9, s23, $0xb8;
	[tilespmem:$0x1BF00] =	vst v63  }
0x1f0: {  	_ =	swait.ge [sflag:s31], $0x800  }
0x1f1: {  	s9 =	sld [smem:$0x7FA]  }
0x1f2: {  	[sflag:s31] =	ssyncset.done $0x0  }
0x1f3: {  	[sflag:s31] =	ssyncadd.s32 $0xFFFFF800  }
0x1f4: {  	[tilespmem:s24], [sflag:$0x1] =	stream.indirect.gather [hbm4b:s4+s23], $0x10, s9, s23, $0xb8;
	[tilespmem:$0x1BF00] =	vst v63  }
0x1f5: {  	_ =	swait.ge [sflag:s0], $0x800  }
0x1f6: {  	s9 =	sld [smem:$0x7FB]  }
0x1f7: {  	[sflag:s0] =	ssyncset.done $0x0  }
0x1f8: {  	[sflag:s0] =	ssyncadd.s32 $0xFFFFF800  }
0x1f9: {  	[spmem:s2] =	stream.indirect.scatter.add.bf16 [tilespmem:s26], [sflag:$0x7], $0x10, s9, s23, $0xb8;
	[tilespmem:$0x1BF00] =	vst v63  }
0x1fa: {  	_ =	swait.ge [sflag:s1], $0x800  }
0x1fb: {  	[sflag:s1] =	ssyncset.done $0x0  }
0x1fc: {  	[sflag:s1] =	ssyncadd.s32 $0xFFFFF800  }
0x1fd: {  	[tilespmem:s25], [sflag:$0x2] =	stream.indirect.gather [hbm4b:s4+s23], $0x10, s11, s23, $0xb8;
	[tilespmem:$0x1BF00] =	vst v63  }
0x1fe: {  	_ =	swait.ge [sflag:s5], $0x800  }
0x1ff: {  	[sflag:s5] =	ssyncset.done $0x0  }
0x200: {  	[sflag:s5] =	ssyncadd.s32 $0xFFFFF800  }
0x201: {  	[spmem:s2] =	stream.indirect.scatter.add.bf16 [tilespmem:s29], [sflag:$0x8], $0x10, s12, s23, $0xb8;
	[tilespmem:$0x1BF00] =	vst v63  }
0x202: {  	_ =	swait.ge [sflag:s7], $0x800  }
0x203: {  	[sflag:s7] =	ssyncset.done $0x0  }
0x204: {  	[sflag:s7] =	ssyncadd.s32 $0xFFFFF800  }
0x205: {  	[tilespmem:s26], [sflag:$0x3] =	stream.indirect.gather [hbm4b:s4+s23], $0x10, s13, s23, $0xb8;
	[tilespmem:$0x1BF00] =	vst v63  }
0x206: {  	_ =	swait.ge [sflag:s28], $0x800  }
0x207: {  	[sflag:s28] =	ssyncset.done $0x0  }
0x208: {  	[sflag:s28] =	ssyncadd.s32 $0xFFFFF800  }
0x209: {  	[spmem:s2] =	stream.indirect.scatter.add.bf16 [tilespmem:s24], [sflag:$0x5], $0x10, s14, s23, $0xb8;
	[tilespmem:$0x1BF00] =	vst v63  }
0x20a: {  	_ =	swait.ge [sflag:s8], $0x800  }
0x20b: {  	[sflag:s8] =	ssyncset.done $0x0  }
0x20c: {  	[sflag:s8] =	ssyncadd.s32 $0xFFFFF800  }
0x20d: {  	[tilespmem:s29], [sflag:$0x4] =	stream.indirect.gather [hbm4b:s4+s23], $0x10, s15, s23, $0xb8;
	[tilespmem:$0x1BF00] =	vst v63  }
0x20e: {  	_ =	swait.ge [sflag:s30], $0x800  }
0x20f: {  	[sflag:s30] =	ssyncset.done $0x0  }
0x210: {  	[sflag:s30] =	ssyncadd.s32 $0xFFFFF800  }
0x211: {  	[spmem:s2] =	stream.indirect.scatter.add.bf16 [tilespmem:s25], [sflag:$0x6], $0x10, s16, s23, $0xb8;
	[tilespmem:$0x1BF00] =	vst v63  }
0x212: {  	_ =	swait.ge [sflag:s0], $0x800  }
0x213: {  	[sflag:s0] =	ssyncset.done $0x0  }
0x214: {  	[sflag:s0] =	ssyncadd.s32 $0xFFFFF800  }
0x215: {  	[spmem:s2] =	stream.indirect.scatter.add.bf16 [tilespmem:s26], [sflag:$0x7], $0x10, s17, s23, $0xb8;
	[tilespmem:$0x1BF00] =	vst v63  }
0x216: {  	_ =	swait.ge [sflag:s5], $0x800  }
0x217: {  	[sflag:s5] =	ssyncset.done $0x0  }
0x218: {  	[sflag:s5] =	ssyncadd.s32 $0xFFFFF800  }
0x219: {  	[spmem:s2] =	stream.indirect.scatter.add.bf16 [tilespmem:s29], [sflag:$0x8], $0x10, s18, s23, $0xb8;
	[tilespmem:$0x1BF00] =	vst v63  }
0x21a: {  	_ =	swait.ge [sflag:s31], $0x800  }
0x21b: {  	[sflag:s31] =	ssyncset.done $0x0  }
0x21c: {  	[sflag:s31] =	ssyncadd.s32 $0xFFFFF800  }
0x21d: {  	_ =	swait.ge [sflag:s1], $0x800  }
0x21e: {  	[sflag:s1] =	ssyncset.done $0x0  }
0x21f: {  	p0 =	sne.s32 s19, $0x1F80;
	[sflag:s1] =	ssyncadd.s32 $0xFFFFF800  }
.Ltmp0:
0x220: {  	_ =	swait.ge [sflag:s7], $0x800;
	(pc) =	sbr.rel @p0 .LBB2_2-.Ltmp0, $4  }
0x221: {  	[sflag:s7] =	ssyncset.done $0x0  }
0x222: {  	[sflag:s7] =	ssyncadd.s32 $0xFFFFF800  }
0x223: {  	_ =	swait.ge [sflag:s8], $0x800  }
0x224: {  	s19 =	sadd.s32 $0x180, s19;
	s6 =	rddreg [dreg:$0x5];
	[sflag:s8] =	ssyncset.done $0x0  }
0x225: {  	[sflag:s8] =	ssyncadd.s32 $0xFFFFF800;
	s6 =	sadd.s32 s20, s6  }
0x226: {  	[tilespmem:s21], [sflag:$0x9] =	stream.linear.gather [hbm4b:s6+s3], $0xC00, $0x38;
	[tilespmem:$0x1BF00] =	vst v63  }
0x227: {  	_ =	swait.ge [sflag:s10], $0xC00  }
0x228: {  	s9 =	rddreg [dreg:$0x4];
	[sflag:s10] =	ssyncset.done $0x0  }
0x229: {  	[sflag:s10] =	ssyncadd.s32 $0xFFFFF400;
	s6 =	sadd.s32 s20, s9  }
0x22a: {  	[tilespmem:s22], [sflag:$0x9] =	stream.linear.gather [hbm4b:s6+s3], $0xC00, $0x38;
	[tilespmem:$0x1BF00] =	vst v63  }
0x22b: {  	_ =	swait.ge [sflag:s10], $0xC00  }
0x22c: {  	[sflag:s10] =	ssyncset.done $0x0  }
0x22d: {  	[sflag:s10] =	ssyncadd.s32 $0xFFFFF400  }
0x22e: {  	[tilespmem:s24], [sflag:$0x1] =	stream.indirect.gather [hbm4b:s4+s23], $0x10, s21, s23, $0xb8;
	[tilespmem:$0x1BF00] =	vst v63  }
0x22f: {  	s19 =	rddreg [dreg:$0x6]  }
0x230: {  	[tilespmem:s25], [sflag:$0x2] =	stream.indirect.gather [hbm4b:s4+s23], $0x10, s19, s23, $0xb8;
	[tilespmem:$0x1BF00] =	vst v63  }
0x231: {  	s9 =	rddreg [dreg:$0x7]  }
0x232: {  	[tilespmem:s26], [sflag:$0x3] =	stream.indirect.gather [hbm4b:s4+s23], $0x10, s9, s23, $0xb8;
	[tilespmem:$0x1BF00] =	vst v63  }
0x233: {  	_ =	swait.ge [sflag:s28], $0x800  }
0x234: {  	[sflag:s28] =	ssyncset.done $0x0  }
0x235: {  	[sflag:s28] =	ssyncadd.s32 $0xFFFFF800  }
0x236: {  	[spmem:s2] =	stream.indirect.scatter.add.bf16 [tilespmem:s24], [sflag:$0x5], $0x10, s22, s23, $0xb8;
	[tilespmem:$0x1BF00] =	vst v63  }
0x237: {  	s20 =	rddreg [dreg:$0x8]  }
0x238: {  	[tilespmem:s29], [sflag:$0x4] =	stream.indirect.gather [hbm4b:s4+s23], $0x10, s20, s23, $0xb8;
	[tilespmem:$0x1BF00] =	vst v63  }
0x239: {  	_ =	swait.ge [sflag:s30], $0x800  }
0x23a: {  	[sflag:s30] =	ssyncset.done $0x0  }
0x23b: {  	s9 =	rddreg [dreg:$0x9];
	[sflag:s30] =	ssyncadd.s32 $0xFFFFF800  }
0x23c: {  	[spmem:s2] =	stream.indirect.scatter.add.bf16 [tilespmem:s25], [sflag:$0x6], $0x10, s9, s23, $0xb8;
	[tilespmem:$0x1BF00] =	vst v63  }
0x23d: {  	_ =	swait.ge [sflag:s31], $0x800  }
0x23e: {  	[sflag:s31] =	ssyncset.done $0x0  }
0x23f: {  	s19 =	rddreg [dreg:$0xa];
	[sflag:s31] =	ssyncadd.s32 $0xFFFFF800  }
0x240: {  	[tilespmem:s24], [sflag:$0x1] =	stream.indirect.gather [hbm4b:s4+s23], $0x10, s19, s23, $0xb8;
	[tilespmem:$0x1BF00] =	vst v63  }
0x241: {  	_ =	swait.ge [sflag:s0], $0x800  }
0x242: {  	[sflag:s0] =	ssyncset.done $0x0  }
0x243: {  	s20 =	rddreg [dreg:$0xb];
	[sflag:s0] =	ssyncadd.s32 $0xFFFFF800  }
0x244: {  	[spmem:s2] =	stream.indirect.scatter.add.bf16 [tilespmem:s26], [sflag:$0x7], $0x10, s20, s23, $0xb8;
	[tilespmem:$0x1BF00] =	vst v63  }
0x245: {  	_ =	swait.ge [sflag:s1], $0x800  }
0x246: {  	[sflag:s1] =	ssyncset.done $0x0  }
0x247: {  	s9 =	rddreg [dreg:$0xc];
	[sflag:s1] =	ssyncadd.s32 $0xFFFFF800  }
0x248: {  	[tilespmem:s25], [sflag:$0x2] =	stream.indirect.gather [hbm4b:s4+s23], $0x10, s9, s23, $0xb8;
	[tilespmem:$0x1BF00] =	vst v63  }
0x249: {  	_ =	swait.ge [sflag:s5], $0x800  }
0x24a: {  	[sflag:s5] =	ssyncset.done $0x0  }
0x24b: {  	s19 =	rddreg [dreg:$0xd];
	[sflag:s5] =	ssyncadd.s32 $0xFFFFF800  }
0x24c: {  	[spmem:s2] =	stream.indirect.scatter.add.bf16 [tilespmem:s29], [sflag:$0x8], $0x10, s19, s23, $0xb8;
	[tilespmem:$0x1BF00] =	vst v63  }
0x24d: {  	_ =	swait.ge [sflag:s7], $0x800  }
0x24e: {  	[sflag:s7] =	ssyncset.done $0x0  }
0x24f: {  	s20 =	rddreg [dreg:$0xe];
	[sflag:s7] =	ssyncadd.s32 $0xFFFFF800  }
0x250: {  	[tilespmem:s26], [sflag:$0x3] =	stream.indirect.gather [hbm4b:s4+s23], $0x10, s20, s23, $0xb8;
	[tilespmem:$0x1BF00] =	vst v63  }
0x251: {  	_ =	swait.ge [sflag:s28], $0x800  }
0x252: {  	[sflag:s28] =	ssyncset.done $0x0  }
0x253: {  	s9 =	rddreg [dreg:$0xf];
	[sflag:s28] =	ssyncadd.s32 $0xFFFFF800  }
0x254: {  	[spmem:s2] =	stream.indirect.scatter.add.bf16 [tilespmem:s24], [sflag:$0x5], $0x10, s9, s23, $0xb8;
	[tilespmem:$0x1BF00] =	vst v63  }
0x255: {  	_ =	swait.ge [sflag:s8], $0x800  }
0x256: {  	[sflag:s8] =	ssyncset.done $0x0  }
0x257: {  	s19 =	rddreg [dreg:$0x10];
	[sflag:s8] =	ssyncadd.s32 $0xFFFFF800  }
0x258: {  	[tilespmem:s29], [sflag:$0x4] =	stream.indirect.gather [hbm4b:s4+s23], $0x10, s19, s23, $0xb8;
	[tilespmem:$0x1BF00] =	vst v63  }
0x259: {  	_ =	swait.ge [sflag:s30], $0x800  }
0x25a: {  	[sflag:s30] =	ssyncset.done $0x0  }
0x25b: {  	s20 =	rddreg [dreg:$0x11];
	[sflag:s30] =	ssyncadd.s32 $0xFFFFF800  }
0x25c: {  	[spmem:s2] =	stream.indirect.scatter.add.bf16 [tilespmem:s25], [sflag:$0x6], $0x10, s20, s23, $0xb8;
	[tilespmem:$0x1BF00] =	vst v63  }
0x25d: {  	_ =	swait.ge [sflag:s31], $0x800  }
0x25e: {  	[sflag:s31] =	ssyncset.done $0x0  }
0x25f: {  	s9 =	rddreg [dreg:$0x12];
	[sflag:s31] =	ssyncadd.s32 $0xFFFFF800  }
0x260: {  	[tilespmem:s24], [sflag:$0x1] =	stream.indirect.gather [hbm4b:s4+s23], $0x10, s9, s23, $0xb8;
	[tilespmem:$0x1BF00] =	vst v63  }
0x261: {  	_ =	swait.ge [sflag:s0], $0x800  }
0x262: {  	[sflag:s0] =	ssyncset.done $0x0  }
0x263: {  	s19 =	rddreg [dreg:$0x13];
	[sflag:s0] =	ssyncadd.s32 $0xFFFFF800  }
0x264: {  	[spmem:s2] =	stream.indirect.scatter.add.bf16 [tilespmem:s26], [sflag:$0x7], $0x10, s19, s23, $0xb8;
	[tilespmem:$0x1BF00] =	vst v63  }
0x265: {  	_ =	swait.ge [sflag:s1], $0x800  }
0x266: {  	[sflag:s1] =	ssyncset.done $0x0  }
0x267: {  	s20 =	rddreg [dreg:$0x14];
	[sflag:s1] =	ssyncadd.s32 $0xFFFFF800  }
0x268: {  	[tilespmem:s25], [sflag:$0x2] =	stream.indirect.gather [hbm4b:s4+s23], $0x10, s20, s23, $0xb8;
	[tilespmem:$0x1BF00] =	vst v63  }
0x269: {  	_ =	swait.ge [sflag:s5], $0x800  }
0x26a: {  	[sflag:s5] =	ssyncset.done $0x0  }
0x26b: {  	s9 =	rddreg [dreg:$0x15];
	[sflag:s5] =	ssyncadd.s32 $0xFFFFF800  }
0x26c: {  	[spmem:s2] =	stream.indirect.scatter.add.bf16 [tilespmem:s29], [sflag:$0x8], $0x10, s9, s23, $0xb8;
	[tilespmem:$0x1BF00] =	vst v63  }
0x26d: {  	_ =	swait.ge [sflag:s7], $0x800  }
0x26e: {  	[sflag:s7] =	ssyncset.done $0x0  }
0x26f: {  	s19 =	rddreg [dreg:$0x16];
	[sflag:s7] =	ssyncadd.s32 $0xFFFFF800  }
0x270: {  	[tilespmem:s26], [sflag:$0x3] =	stream.indirect.gather [hbm4b:s4+s23], $0x10, s19, s23, $0xb8;
	[tilespmem:$0x1BF00] =	vst v63  }
0x271: {  	_ =	swait.ge [sflag:s28], $0x800  }
0x272: {  	[sflag:s28] =	ssyncset.done $0x0  }
0x273: {  	s20 =	rddreg [dreg:$0x17];
	[sflag:s28] =	ssyncadd.s32 $0xFFFFF800  }
0x274: {  	[spmem:s2] =	stream.indirect.scatter.add.bf16 [tilespmem:s24], [sflag:$0x5], $0x10, s20, s23, $0xb8;
	[tilespmem:$0x1BF00] =	vst v63  }
0x275: {  	_ =	swait.ge [sflag:s8], $0x800  }
0x276: {  	[sflag:s8] =	ssyncset.done $0x0  }
0x277: {  	s9 =	rddreg [dreg:$0x18];
	[sflag:s8] =	ssyncadd.s32 $0xFFFFF800  }
0x278: {  	[tilespmem:s29], [sflag:$0x4] =	stream.indirect.gather [hbm4b:s4+s23], $0x10, s9, s23, $0xb8;
	[tilespmem:$0x1BF00] =	vst v63  }
0x279: {  	_ =	swait.ge [sflag:s30], $0x800  }
0x27a: {  	[sflag:s30] =	ssyncset.done $0x0  }
0x27b: {  	s19 =	rddreg [dreg:$0x19];
	[sflag:s30] =	ssyncadd.s32 $0xFFFFF800  }
0x27c: {  	[spmem:s2] =	stream.indirect.scatter.add.bf16 [tilespmem:s25], [sflag:$0x6], $0x10, s19, s23, $0xb8;
	[tilespmem:$0x1BF00] =	vst v63  }
0x27d: {  	_ =	swait.ge [sflag:s31], $0x800  }
0x27e: {  	[sflag:s31] =	ssyncset.done $0x0  }
0x27f: {  	s20 =	rddreg [dreg:$0x1a];
	[sflag:s31] =	ssyncadd.s32 $0xFFFFF800  }
0x280: {  	[tilespmem:s24], [sflag:$0x1] =	stream.indirect.gather [hbm4b:s4+s23], $0x10, s20, s23, $0xb8;
	[tilespmem:$0x1BF00] =	vst v63  }
0x281: {  	_ =	swait.ge [sflag:s0], $0x800  }
0x282: {  	[sflag:s0] =	ssyncset.done $0x0  }
0x283: {  	s9 =	rddreg [dreg:$0x1b];
	[sflag:s0] =	ssyncadd.s32 $0xFFFFF800  }
0x284: {  	[spmem:s2] =	stream.indirect.scatter.add.bf16 [tilespmem:s26], [sflag:$0x7], $0x10, s9, s23, $0xb8;
	[tilespmem:$0x1BF00] =	vst v63  }
0x285: {  	_ =	swait.ge [sflag:s1], $0x800  }
0x286: {  	[sflag:s1] =	ssyncset.done $0x0  }
0x287: {  	s19 =	rddreg [dreg:$0x1c];
	[sflag:s1] =	ssyncadd.s32 $0xFFFFF800  }
0x288: {  	[tilespmem:s25], [sflag:$0x2] =	stream.indirect.gather [hbm4b:s4+s23], $0x10, s19, s23, $0xb8;
	[tilespmem:$0x1BF00] =	vst v63  }
0x289: {  	_ =	swait.ge [sflag:s5], $0x800  }
0x28a: {  	[sflag:s5] =	ssyncset.done $0x0  }
0x28b: {  	s20 =	rddreg [dreg:$0x1d];
	[sflag:s5] =	ssyncadd.s32 $0xFFFFF800  }
0x28c: {  	[spmem:s2] =	stream.indirect.scatter.add.bf16 [tilespmem:s29], [sflag:$0x8], $0x10, s20, s23, $0xb8;
	[tilespmem:$0x1BF00] =	vst v63  }
0x28d: {  	_ =	swait.ge [sflag:s7], $0x800  }
0x28e: {  	[sflag:s7] =	ssyncset.done $0x0  }
0x28f: {  	s9 =	rddreg [dreg:$0x1e];
	[sflag:s7] =	ssyncadd.s32 $0xFFFFF800  }
0x290: {  	[tilespmem:s26], [sflag:$0x3] =	stream.indirect.gather [hbm4b:s4+s23], $0x10, s9, s23, $0xb8;
	[tilespmem:$0x1BF00] =	vst v63  }
0x291: {  	_ =	swait.ge [sflag:s28], $0x800  }
0x292: {  	[sflag:s28] =	ssyncset.done $0x0  }
0x293: {  	s19 =	rddreg [dreg:$0x1f];
	[sflag:s28] =	ssyncadd.s32 $0xFFFFF800  }
0x294: {  	[spmem:s2] =	stream.indirect.scatter.add.bf16 [tilespmem:s24], [sflag:$0x5], $0x10, s19, s23, $0xb8;
	[tilespmem:$0x1BF00] =	vst v63  }
0x295: {  	_ =	swait.ge [sflag:s8], $0x800  }
0x296: {  	s20 =	sld [smem:$0x7EA]  }
0x297: {  	[sflag:s8] =	ssyncset.done $0x0  }
0x298: {  	[sflag:s8] =	ssyncadd.s32 $0xFFFFF800  }
0x299: {  	[tilespmem:s29], [sflag:$0x4] =	stream.indirect.gather [hbm4b:s4+s23], $0x10, s20, s23, $0xb8;
	[tilespmem:$0x1BF00] =	vst v63  }
0x29a: {  	_ =	swait.ge [sflag:s30], $0x800  }
0x29b: {  	s9 =	sld [smem:$0x7EC]  }
0x29c: {  	[sflag:s30] =	ssyncset.done $0x0  }
0x29d: {  	[sflag:s30] =	ssyncadd.s32 $0xFFFFF800  }
0x29e: {  	[spmem:s2] =	stream.indirect.scatter.add.bf16 [tilespmem:s25], [sflag:$0x6], $0x10, s9, s23, $0xb8;
	[tilespmem:$0x1BF00] =	vst v63  }
0x29f: {  	_ =	swait.ge [sflag:s31], $0x800  }
0x2a0: {  	s19 =	sld [smem:$0x7EE]  }
0x2a1: {  	[sflag:s31] =	ssyncset.done $0x0  }
0x2a2: {  	[sflag:s31] =	ssyncadd.s32 $0xFFFFF800  }
0x2a3: {  	[tilespmem:s24], [sflag:$0x1] =	stream.indirect.gather [hbm4b:s4+s23], $0x10, s19, s23, $0xb8;
	[tilespmem:$0x1BF00] =	vst v63  }
0x2a4: {  	_ =	swait.ge [sflag:s0], $0x800  }
0x2a5: {  	s20 =	sld [smem:$0x7F0]  }
0x2a6: {  	[sflag:s0] =	ssyncset.done $0x0  }
0x2a7: {  	[sflag:s0] =	ssyncadd.s32 $0xFFFFF800  }
0x2a8: {  	[spmem:s2] =	stream.indirect.scatter.add.bf16 [tilespmem:s26], [sflag:$0x7], $0x10, s20, s23, $0xb8;
	[tilespmem:$0x1BF00] =	vst v63  }
0x2a9: {  	_ =	swait.ge [sflag:s1], $0x800  }
0x2aa: {  	s9 =	sld [smem:$0x7F2]  }
0x2ab: {  	[sflag:s1] =	ssyncset.done $0x0  }
0x2ac: {  	[sflag:s1] =	ssyncadd.s32 $0xFFFFF800  }
0x2ad: {  	[tilespmem:s25], [sflag:$0x2] =	stream.indirect.gather [hbm4b:s4+s23], $0x10, s9, s23, $0xb8;
	[tilespmem:$0x1BF00] =	vst v63  }
0x2ae: {  	_ =	swait.ge [sflag:s5], $0x800  }
0x2af: {  	s19 =	sld [smem:$0x7F4]  }
0x2b0: {  	[sflag:s5] =	ssyncset.done $0x0  }
0x2b1: {  	[sflag:s5] =	ssyncadd.s32 $0xFFFFF800  }
0x2b2: {  	[spmem:s2] =	stream.indirect.scatter.add.bf16 [tilespmem:s29], [sflag:$0x8], $0x10, s19, s23, $0xb8;
	[tilespmem:$0x1BF00] =	vst v63  }
0x2b3: {  	_ =	swait.ge [sflag:s7], $0x800  }
0x2b4: {  	s20 =	sld [smem:$0x7F6]  }
0x2b5: {  	[sflag:s7] =	ssyncset.done $0x0  }
0x2b6: {  	[sflag:s7] =	ssyncadd.s32 $0xFFFFF800  }
0x2b7: {  	[tilespmem:s26], [sflag:$0x3] =	stream.indirect.gather [hbm4b:s4+s23], $0x10, s20, s23, $0xb8;
	[tilespmem:$0x1BF00] =	vst v63  }
0x2b8: {  	_ =	swait.ge [sflag:s28], $0x800  }
0x2b9: {  	s9 =	sld [smem:$0x7F7]  }
0x2ba: {  	[sflag:s28] =	ssyncset.done $0x0  }
0x2bb: {  	[sflag:s28] =	ssyncadd.s32 $0xFFFFF800  }
0x2bc: {  	[spmem:s2] =	stream.indirect.scatter.add.bf16 [tilespmem:s24], [sflag:$0x5], $0x10, s9, s23, $0xb8;
	[tilespmem:$0x1BF00] =	vst v63  }
0x2bd: {  	_ =	swait.ge [sflag:s8], $0x800  }
0x2be: {  	s19 =	sld [smem:$0x7F8]  }
0x2bf: {  	[sflag:s8] =	ssyncset.done $0x0  }
0x2c0: {  	[sflag:s8] =	ssyncadd.s32 $0xFFFFF800  }
0x2c1: {  	[tilespmem:s29], [sflag:$0x4] =	stream.indirect.gather [hbm4b:s4+s23], $0x10, s19, s23, $0xb8;
	[tilespmem:$0x1BF00] =	vst v63  }
0x2c2: {  	_ =	swait.ge [sflag:s30], $0x800  }
0x2c3: {  	s20 =	sld [smem:$0x7F9]  }
0x2c4: {  	[sflag:s30] =	ssyncset.done $0x0  }
0x2c5: {  	[sflag:s30] =	ssyncadd.s32 $0xFFFFF800  }
0x2c6: {  	[spmem:s2] =	stream.indirect.scatter.add.bf16 [tilespmem:s25], [sflag:$0x6], $0x10, s20, s23, $0xb8;
	[tilespmem:$0x1BF00] =	vst v63  }
0x2c7: {  	_ =	swait.ge [sflag:s31], $0x800  }
0x2c8: {  	s9 =	sld [smem:$0x7FA]  }
0x2c9: {  	[sflag:s31] =	ssyncset.done $0x0  }
0x2ca: {  	[sflag:s31] =	ssyncadd.s32 $0xFFFFF800  }
0x2cb: {  	[tilespmem:s24], [sflag:$0x1] =	stream.indirect.gather [hbm4b:s4+s23], $0x10, s9, s23, $0xb8;
	[tilespmem:$0x1BF00] =	vst v63  }
0x2cc: {  	_ =	swait.ge [sflag:s0], $0x800  }
0x2cd: {  	s19 =	sld [smem:$0x7FB]  }
0x2ce: {  	[sflag:s0] =	ssyncset.done $0x0  }
0x2cf: {  	[sflag:s0] =	ssyncadd.s32 $0xFFFFF800  }
0x2d0: {  	[spmem:s2] =	stream.indirect.scatter.add.bf16 [tilespmem:s26], [sflag:$0x7], $0x10, s19, s23, $0xb8;
	[tilespmem:$0x1BF00] =	vst v63  }
0x2d1: {  	_ =	swait.ge [sflag:s1], $0x800  }
0x2d2: {  	[sflag:s1] =	ssyncset.done $0x0  }
0x2d3: {  	[sflag:s1] =	ssyncadd.s32 $0xFFFFF800  }
0x2d4: {  	[tilespmem:s25], [sflag:$0x2] =	stream.indirect.gather [hbm4b:s4+s23], $0x10, s11, s23, $0xb8;
	[tilespmem:$0x1BF00] =	vst v63  }
0x2d5: {  	_ =	swait.ge [sflag:s5], $0x800  }
0x2d6: {  	[sflag:s5] =	ssyncset.done $0x0  }
0x2d7: {  	[sflag:s5] =	ssyncadd.s32 $0xFFFFF800  }
0x2d8: {  	[spmem:s2] =	stream.indirect.scatter.add.bf16 [tilespmem:s29], [sflag:$0x8], $0x10, s12, s23, $0xb8;
	[tilespmem:$0x1BF00] =	vst v63  }
0x2d9: {  	_ =	swait.ge [sflag:s7], $0x800  }
0x2da: {  	[sflag:s7] =	ssyncset.done $0x0  }
0x2db: {  	[sflag:s7] =	ssyncadd.s32 $0xFFFFF800  }
0x2dc: {  	[tilespmem:s26], [sflag:$0x3] =	stream.indirect.gather [hbm4b:s4+s23], $0x10, s13, s23, $0xb8;
	[tilespmem:$0x1BF00] =	vst v63  }
0x2dd: {  	_ =	swait.ge [sflag:s28], $0x800  }
0x2de: {  	[sflag:s28] =	ssyncset.done $0x0  }
0x2df: {  	[sflag:s28] =	ssyncadd.s32 $0xFFFFF800  }
0x2e0: {  	[spmem:s2] =	stream.indirect.scatter.add.bf16 [tilespmem:s24], [sflag:$0x5], $0x10, s14, s23, $0xb8;
	[tilespmem:$0x1BF00] =	vst v63  }
0x2e1: {  	_ =	swait.ge [sflag:s8], $0x800  }
0x2e2: {  	[sflag:s8] =	ssyncset.done $0x0  }
0x2e3: {  	[sflag:s8] =	ssyncadd.s32 $0xFFFFF800  }
0x2e4: {  	[tilespmem:s29], [sflag:$0x4] =	stream.indirect.gather [hbm4b:s4+s23], $0x10, s15, s23, $0xb8;
	[tilespmem:$0x1BF00] =	vst v63  }
0x2e5: {  	_ =	swait.ge [sflag:s30], $0x800  }
0x2e6: {  	[sflag:s30] =	ssyncset.done $0x0  }
0x2e7: {  	[sflag:s30] =	ssyncadd.s32 $0xFFFFF800  }
0x2e8: {  	[spmem:s2] =	stream.indirect.scatter.add.bf16 [tilespmem:s25], [sflag:$0x6], $0x10, s16, s23, $0xb8;
	[tilespmem:$0x1BF00] =	vst v63  }
0x2e9: {  	_ =	swait.ge [sflag:s0], $0x800  }
0x2ea: {  	[sflag:s0] =	ssyncset.done $0x0  }
0x2eb: {  	[sflag:s0] =	ssyncadd.s32 $0xFFFFF800  }
0x2ec: {  	[spmem:s2] =	stream.indirect.scatter.add.bf16 [tilespmem:s26], [sflag:$0x7], $0x10, s17, s23, $0xb8;
	[tilespmem:$0x1BF00] =	vst v63  }
0x2ed: {  	_ =	swait.ge [sflag:s5], $0x800  }
0x2ee: {  	[sflag:s5] =	ssyncset.done $0x0  }
0x2ef: {  	[sflag:s5] =	ssyncadd.s32 $0xFFFFF800  }
0x2f0: {  	[spmem:s2] =	stream.indirect.scatter.add.bf16 [tilespmem:s29], [sflag:$0x8], $0x10, s18, s23, $0xb8;
	[tilespmem:$0x1BF00] =	vst v63  }
0x2f1: {  	_ =	swait.ge [sflag:s31], $0x800  }
0x2f2: {  	[sflag:s31] =	ssyncset.done $0x0  }
0x2f3: {  	[sflag:s31] =	ssyncadd.s32 $0xFFFFF800  }
0x2f4: {  	_ =	swait.ge [sflag:s1], $0x800  }
0x2f5: {  	[sflag:s1] =	ssyncset.done $0x0  }
0x2f6: {  	[sflag:s1] =	ssyncadd.s32 $0xFFFFF800  }
0x2f7: {  	_ =	swait.ge [sflag:s7], $0x800  }
0x2f8: {  	[sflag:s7] =	ssyncset.done $0x0  }
0x2f9: {  	[sflag:s7] =	ssyncadd.s32 $0xFFFFF800  }
0x2fa: {  	_ =	swait.ge [sflag:s8], $0x800  }
0x2fb: {  	[sflag:s8] =	ssyncset.done $0x0  }
0x2fc: {  	[sflag:s8] =	ssyncadd.s32 $0xFFFFF800  }
0x2fd: {  	[bflag:$0x0] =	sbarrier.arrive $0xFFFF  }
0x2fe: {  	s9 =	sld [smem:$0x7FC]  }
0x2ff: {  	s20 =	sld [smem:$0x7E4]  }
0x300: {  	s19 =	sld [smem:$0x7FD];
	_ =	sdelay $0x2  }
0x301: {  	[hbm:s20@s5], [sflag:s9] =	dma.strided [spmem:s19@s30], $0x30E0, s28, $0x2   }
0x302: {  	_ =	swait.ge [sflag:s10], $0x30E0  }
0x303: {  	s6 =	sld [smem:$0x7E2];
	_ =	sdelay $0x2  }
0x304: {  	s20 =	sadd.s32 $0x1, s6;
	s6 =	sld [smem:$0x7E5];
	_ =	sdelay $0x2  }
0x305: {  	p0 =	sne.s32 s20, s6  }
.Ltmp1:
0x306: {  	_ = 	snop;
	(pc) =	sbr.rel @p0 .LBB2_1-.Ltmp1, $3  }
0x307: {  	_ =	sdelay $0x1  }
0x308: {  	[sflag:s10] =	ssyncset.done $0x0  }
0x309: {  	[sflag:s10] =	ssyncadd.s32 $0xFFFFCF20  }
0x30a: {  	_ =	sfence.sel $0x180000  }
0x30b: {  	[bflag:$0x0] =	sbarrier.arrive $0xFFFF  }
0x30c: {  	_ =	strace $0x9000004A  }
0x30d: {  	s0 =	stileid.u32;
	[bflag:$0x2] =	sbarrier.arrive $0xFFFF  }
0x30e: {  	p0 =	sne.s32 s0, $0x0;
	s0 =	rddreg [dreg:$0x3]  }
0x30f: {  	s0 =	sadd.s32 @!p0 $0x100000, s0  }
0x310: {  	[sflag:s0] =	ssyncadd.tile.s32 @!p0 $0x1;
	_ =	shalt  }
.Lfunc_end2:
_tile_overlayer_lowered:
.L_overlay_start_2:
0x311: {  	(tag) =	ssettag $0x2  }
0x312: {  	s0 =	rddreg [dreg:$0x0];
	s2 =	stileid.u32  }
0x313: {  	s1 =	rddreg [dreg:$0x1];
	p0 =	sne.s32 s2, $0x0  }
0x314: {  	s3 =	rddreg [dreg:$0x2];
	[bflag:$0x3] =	sbarrier.arrive $0xFFFF;
	s2 =	simm.s32 @!p0 $0x1C09  }
0x315: {  	[timem:s3], [sflag:s2] =	dma.local @!p0 [hbm:s0], s1  }
0x316: {  	s0 =	simm.s32 @!p0 $0x9  }
0x317: {  	_ =	swait.ge @!p0 [sflag:s0], s1  }
0x318: {  	s1 =	ssub.s32 @!p0 $0x0, s1;
	[sflag:s0] =	ssyncset.done @!p0 $0x0  }
0x319: {  	[sflag:s0] =	ssyncadd.s32 @!p0 s1  }
0x31a: {  	[bflag:$0x3] =	sbarrier.arrive $0xFFFF  }
0x31b: {  	_ =	shalt  }

// kernel: sparse-core-data-format-call.cloned.1.call-start
scs
called_computation_lowered:
.L_overlay_start_0:
0x0: {  	s1 =	sld [smem:$0x3FD9]  }
0x1: {  	s2 =	sld [smem:$0x3FFE];
	_ =	sdelay $0x1  }
0x2: {  	s3 =	srdreg.scid  }
0x3: {  	s0 =	sand.u32 $0x1, s3  }
0x4: {  	s17 =	sshll.u32 s0, $0xA;
	s1 =	sadd.s32 s2, s1  }
0x5: {  	s1 =	sadd.s32 s1, s17  }
0x6: {  	[smem:$0x3FC3] =	sst s1  }
0x7: {  	_ = 	snop  }
0x8: {  	(tm) =	ssettm $0x1  }
0x9: {  	s18 =	sld [smem:$0x3FFB];
	_ =	sdelay $0x3  }
0xa: {  	_ =	strace s18  }
0xb: {  	s1 =	sld [smem:$0x3FFC];
	_ =	sdelay $0x3  }
0xc: {  	_ =	strace s1  }
0xd: {  	s1 =	sld [smem:$0x3FFD];
	_ =	sdelay $0x3  }
0xe: {  	_ =	strace s1  }
0xf: {  	_ =	strace $0x8FFFFFFF  }
0x10: {  	s19 =	sld [smem:$0x3FDB];
	_ =	sdelay $0x1  }
0x11: {  	s20 =	simm.s32 $_scs_section_size  }
0x12: {  	s4 =	simm.s32 $_size__tile_overlayer_lowered;
	s5 =	simm.s32 $_tile_overlayer_lowered  }
0x13: {  	s23 =	simm.s32 $0x1BFF;
	s22 =	sshll.u32 s5, $0x1;
	s1 =	sadd.s32 s20, s19  }
0x14: {  	s6 =	simm.s32 $0x0;
	s21 =	sshll.u32 s4, $0x1;
	s4 =	sadd.s32 s22, s1  }
0x15: {  	[timem:s6], [sflag:s23] =	dma.local [hbm:s4], s21  }
0x16: {  	_ =	swait.ge [sflag:s23], s21  }
0x17: {  	s2 =	ssub.s32 $0x0, s21;
	[sflag:s23] =	ssyncset.done $0x0  }
0x18: {  	[sflag:s23] =	ssyncadd.s32 s2;
	_ =	sdelay $0x1  }
0x19: {  	s24 =	simm.s32 $0x1B8B  }
0x1a: {  	_ =	swait.ge [sflag:s24], $0x1  }
0x1b: {  	[sflag:s24] =	ssyncset.done $0x0  }
0x1c: {  	s26 =	simm.s32 $0x1B8E;
	s25 =	sld [smem:$0x3FFE];
	[sflag:s24] =	ssyncadd.s32 $0xFFFFFFFF  }
0x1d: {  	s27 =	simm.s32 $execute0_lowered;
	[smem:$0x3FD2] =	sst s26  }
0x1e: {  	s4 =	sshll.u32 s27, $0x1;
	_ =	strace $0x80000046;
	[dreg:$0x1] =	wrdreg $0xFFFFFFFF  }
0x1f: {  	s28 =	simm.s32 $_size_execute0_lowered;
	s1 =	sadd.s32 s1, s4;
	[dreg:$0x0] =	wrdreg $0x0  }
0x20: {  	s4 =	sshll.u32 s28, $0x1;
	[dreg:$0x2] =	wrdreg s1  }
0x21: {  	[dreg:$0x3] =	wrdreg s4  }
0x22: {  	[dreg:$0x4] =	wrdreg $0xC0  }
0x23: {  	_ =	task [dreg:s6], $0x5FFFF  }
0x24: {  	[dreg:$0x1] =	wrdreg $0xFFFFFFFF  }
0x25: {  	[dreg:$0x0] =	wrdreg $0x60  }
0x26: {  	[dreg:$0x2] =	wrdreg s25  }
0x27: {  	[dreg:$0x3] =	wrdreg $0x9  }
0x28: {  	_ =	task.clear_ibuf [dreg:s6], $0x4FFFF;
	_ =	strace $0x90000046  }
0x29: {  	s29 =	simm.s32 $0x9;
	_ =	strace $0x80000048  }
0x2a: {  	_ =	swait.ge [sflag:s29], $0x1  }
0x2b: {  	[sflag:s29] =	ssyncadd.s32 $0xFFFFFFFF  }
0x2c: {  	_ =	strace $0x90000048  }
0x2d: {  	_ =	sfence  }
0x2e: {  	s30 =	sld [smem:$0x0];
	_ =	sdelay $0x2  }
0x2f: {  	s31 =	sshll.u32 s3, $0xD;
	s3 =	sshrl.u32 s3, $0x2  }
0x30: {  	s2 =	sand.u32 $0x4000, s31;
	s1 =	sadd.s32 s3, s30  }
0x31: {  	s0 =	sor.u32 s2, s0;
	s1 =	sshll.u32 s1, $0x11  }
0x32: {  	s0 =	sor.u32 s1, s0  }
0x33: {  	s0 =	sadd.s32 $0x8F2B, s0  }
0x34: {  	[sflag:s0] =	ssyncadd.remote.s32 $0x1  }
0x35: {  	_ =	sfence.sel $0xFFFF  }
0x36: {  	[dreg:$0x0] =	wrdreg $0xFFFFFFFF;
	(pc) =	sbr.abs _section_cstart, $3  }
0x37: {  	[dreg:$0x1] =	wrdreg $0xFFFFFFFF  }
0x38: {  	_ =	task.clear_ibuf [dreg:s6], $0x2FFFF;
	_ =	strace $0x9FFFFFFF  }
0x39: {  	(tm) =	ssettm $0x7FFFFFFF  }
tec
execute0_lowered:
.L_overlay_start_1:
0x0: {  	(tag) =	ssettag $0x1  }
0x1: {  	s0 =	srdreg.scid  }
0x2: {  	s5 =	rddreg [dreg:$0x0];
	s1 =	stileid.u32;
	s4 =	simm.s32 $0x1  }
0x3: {  	s6 =	simm.s32 $0x2;
	s8 =	simm.s32 $0x0;
	s2 =	sshll.u32 s0, $0x4  }
0x4: {  	s9 =	simm.s32 $0x0;
	s13 =	simm.s32 $0x0;
	s2 =	sand.u32 $0x10, s2  }
.Ltmp0:
0x5: {  	s10 =	simm.s32 $0x0;
	s3 =	sor.u32 s1, s2;
	(pc) =	sbr.rel .LBB1_1-.Ltmp0, $4  }
0x6: {  	s0 =	rddreg [dreg:$0x1];
	_ =	strace $0x80000047;
	s3 =	sshll.u32 s3, $0x4  }
0x7: {  	s12 =	simm.s32 $0x0;
	[sflag:s4] =	ssyncpa.u1 $0x0;
	s7 =	ssub.s32 $0x155C0, s3  }
0x8: {  	s2 =	sadd.s32 $0x1400, s5;
	[sflag:s6] =	ssyncpa.u1 $0x0;
	s6 =	sshrl.u32 s7, $0x9  }
0x9: {  	s5 =	sadd.s32 $0xAAFA00, s5;
	s11 =	smov.u32 s3;
	s7 =	sadd.s32 $0x2, s6  }
.LBB1_7:
0xa: {  	s15 =	sshll.u32 s12, $0xF  }
0xb: {  	s15 =	sand.u32 $0x8000, s15  }
0xc: {  	s16 =	sshll.u32 s10, $0x7;
	s15 =	sshrl.u32 s15, $0x1  }
0xd: {  	s16 =	sadd.s32 s5, s16;
	s15 =	sor.u32 $0x8000, s15  }
0xe: {  	[hbm4b:s16+s8] =	stream.linear.scatter [tilespmem:s15], [sflag:$0x2], s14, $0x38;
	[tilespmem:$0x10000] =	vst v63  }
.LBB1_8:
0xf: {  	p0 =	slt.u32 s12, $0x2  }
0x10: {  	p1 =	sgt.s32 @!p0 s13, $0x155BC  }
0x11: {  	s14 =	smov.u32 s13;
	s15 =	sshra.s32 @!p0 s13, $0x1F;
	p1 =	por !p1, p0  }
0x12: {  	s13 =	sand.u32 @!p0 s15, s13;
	s14 =	simm.s32 @p1 $0x155BC  }
0x13: {  	s13 =	ssub.s32 @!p0 s14, s13  }
0x14: {  	s13 =	sadd.s32 @!p0 $0xFFFEAA44, s13  }
0x15: {  	s14 =	sshll.u32 @!p0 s13, $0xC  }
0x16: {  	p1 =	sgt.s32 @!p0 s13, $0xF;
	s13 =	ssub.s32 @!p0 $0x10000, s14  }
0x17: {  	s15 =	sadd.s32 $0x200, s11;
	p1 =	por !p1, p0;
	s13 =	sshrl.u32 @!p0 s13, $0x2  }
0x18: {  	s13 =	simm.s32 @!p1 $0x0;
	p1 =	sgt.s32 s15, $0x155CB  }
0x19: {  	s15 =	smov.u32 @p1 s3;
	p1 =	sne.s32 s12, s7  }
.Ltmp1:
0x1a: {  	_ = 	snop;
	(pc) =	sbr.rel @!p1 .LBB1_9-.Ltmp1, $4  }
0x1b: {  	s14 =	simm.s32 @!p0 $0x2  }
0x1c: {  	s9 =	sadd.s32 $0x8000, s9;
	_ =	swait.ge @!p0 [sflag:s14], s13;
	s16 =	ssub.s32 @!p0 $0x0, s13  }
0x1d: {  	s13 =	smov.u32 s10;
	s12 =	sadd.s32 $0x1, s12;
	[sflag:s14] =	ssyncset.done @!p0 $0x0  }
0x1e: {  	s10 =	smov.u32 s11;
	s11 =	smov.u32 s15;
	[sflag:s14] =	ssyncadd.s32 @!p0 s16  }
.LBB1_1:
0x1f: {  	p0 =	sgt.u32 s12, s6  }
0x20: {  	p1 =	sgt.s32 @!p0 s11, $0x155BC  }
0x21: {  	s14 =	smov.u32 s11;
	s15 =	sshra.s32 @!p0 s11, $0x1F;
	p1 =	por !p1, p0  }
0x22: {  	s15 =	sand.u32 @!p0 s15, s11;
	s14 =	simm.s32 @p1 $0x155BC  }
0x23: {  	s14 =	ssub.s32 @!p0 s14, s15  }
0x24: {  	s14 =	sadd.s32 @!p0 $0xFFFEAA44, s14  }
0x25: {  	s16 =	sshll.u32 @!p0 s11, $0x7;
	s17 =	simm.s32 @!p0 $0x0;
	s15 =	sshll.u32 @!p0 s14, $0xC  }
0x26: {  	p1 =	sgt.s32 @!p0 s14, $0xF;
	s14 =	ssub.s32 @!p0 $0x10000, s15;
	s15 =	sxor.u32 @!p0 $0xFFFFFFFF, s12  }
0x27: {  	p1 =	por !p1, p0;
	s14 =	sshrl.u32 @!p0 s14, $0x2;
	s15 =	sshll.u32 @!p0 s15, $0xE  }
0x28: {  	s16 =	sadd.s32 @!p0 s2, s16;
	s14 =	simm.s32 @!p1 $0x0;
	s15 =	sand.u32 @!p0 $0x4000, s15  }
0x29: {  	[tilespmem:s15], [sflag:$0x1] =	stream.linear.gather @!p0 [hbm4b:s16+s17], s14, $0x38;
	[tilespmem:$0x10000] =	vst v63  }
0x2a: {  	p0 =	seq.s32 s12, $0x0  }
0x2b: {  	p1 =	sge.u32 @!p0 s12, s7  }
0x2c: {  	p0 =	por p0, p1  }
.Ltmp2:
0x2d: {  	_ = 	snop;
	(pc) =	sbr.rel @p0 .LBB1_8-.Ltmp2, $1  }
0x2e: {  	_ =	sdelay $0x3  }
0x2f: {  	p0 =	sgt.s32 s10, $0x155BC;
	s14 =	smov.u32 s10;
	s15 =	sshra.s32 s10, $0x1F  }
0x30: {  	s14 =	simm.s32 @!p0 $0x155BC;
	s15 =	sand.u32 s15, s10  }
0x31: {  	s14 =	ssub.s32 s14, s15  }
0x32: {  	s16 =	sadd.s32 $0x10, s10;
	s14 =	sadd.s32 $0xFFFEAA44, s14  }
0x33: {  	p1 =	slt.s32 s16, $0x155CC;
	s30 =	sshll.u32 s14, $0xC  }
0x34: {  	s16 =	simm.s32 @!p1 $0x155CC;
	s15 =	ssub.s32 $0x10000, s30  }
0x35: {  	p0 =	sgt.s32 s14, $0xF;
	s14 =	sshrl.u32 s15, $0x2;
	s15 =	ssub.s32 s16, s10  }
0x36: {  	s14 =	simm.s32 @p0 $0x0;
	p0 =	slt.s32 s15, $0x1  }
.Ltmp3:
0x37: {  	_ = 	snop;
	(pc) =	sbr.rel @p0 .LBB1_7-.Ltmp3, $4  }
0x38: {  	_ = 	snop  }
0x39: {  	_ =	swait.ge [sflag:s4], s14  }
0x3a: {  	s31 =	ssub.s32 $0x0, s14;
	[sflag:s4] =	ssyncset.done $0x0  }
0x3b: {  	[sflag:s4] =	ssyncadd.s32 s31  }
0x3c: {  	s16 =	sshrl.u32 s9, $0x1  }
0x3d: {  	s17 =	sand.u32 $0x4000, s16  }
0x3e: {  	s18 =	simm.s32 $0x0;
	s16 =	sor.u32 $0x200, s17;
	s17 =	sor.u32 $0x8080, s17  }
.LBB1_4:
0x3f: {  	v0 =	vld [tilespmem:s16+$0xFFFFFE70]  }
0x40: {  	v1 =	vld [tilespmem:s16+$0x70]  }
0x41: {  	v2 =	vld [tilespmem:s16+$0x0]  }
0x42: {  	v3 =	vld [tilespmem:s16+$0xFFFFFE10]  }
0x43: {  	v4 =	vld [tilespmem:s16+$0x10]  }
0x44: {  	v5 =	vld [tilespmem:s16+$0xFFFFFE20]  }
0x45: {  	v7 =	vld [tilespmem:s16+$0x20]  }
0x46: {  	v11 =	vld [tilespmem:s16+$0x30];
	v6 =	vunpack.i.l.s16.s32 v0;
	v8 =	vunpack.i.u.s16.s32 v0;
	v9 =	vunpack.i.u.s16.s32 v1  }
0x47: {  	v10 =	vunpack.i.l.s16.s32 v1;
	v0 =	vunpack.i.u.s16.s32 v2;
	v1 =	vunpack.i.l.s16.s32 v2;
	v2 =	vld [tilespmem:s16+$0xFFFFFE30]  }
0x48: {  	v8 =	vpack.i.b32.b16 v9, v8;
	v9 =	vunpack.i.u.s16.s32 v3;
	v3 =	vunpack.i.l.s16.s32 v3  }
0x49: {  	v12 =	vld [tilespmem:s16+$0xFFFFFE40];
	v6 =	vpack.i.b32.b16 v10, v6;
	[tilespmem:s17+$0x70] =	vst v8;
	v8 =	vunpack.i.u.s16.s32 v4;
	v4 =	vunpack.i.l.s16.s32 v4  }
0x4a: {  	v13 =	vld [tilespmem:s16+$0x40];
	v10 =	vunpack.i.u.s16.s32 v5;
	v5 =	vunpack.i.l.s16.s32 v5;
	[tilespmem:s17+$0xFFFFFFF0] =	vst v6;
	v3 =	vpack.i.b32.b16 v4, v3  }
0x4b: {  	v6 =	vunpack.i.l.s16.s32 v7;
	v4 =	vld [tilespmem:s16+$0xFFFFFE50];
	[tilespmem:s17+$0xFFFFFF90] =	vst v3;
	v3 =	vpack.i.b32.b16 v8, v9;
	v8 =	vunpack.i.u.s16.s32 v7  }
0x4c: {  	v7 =	vunpack.i.l.s16.s32 v11;
	[tilespmem:s17+$0x10] =	vst v3;
	v3 =	vpack.i.b32.b16 v6, v5;
	v9 =	vunpack.i.u.s16.s32 v2;
	v6 =	vld [tilespmem:s16+$0x50]  }
0x4d: {  	v5 =	vunpack.i.l.s16.s32 v2;
	v2 =	vld [tilespmem:s16+$0xFFFFFE60];
	[tilespmem:s17+$0xFFFFFFA0] =	vst v3;
	v3 =	vpack.i.b32.b16 v8, v10;
	v10 =	vunpack.i.u.s16.s32 v11  }
0x4e: {  	s21 =	simm.s32 $0x0;
	v11 =	vpack.i.b32.b16 v7, v5;
	v7 =	vunpack.i.u.s16.s32 v12;
	v8 =	vunpack.i.l.s16.s32 v12;
	[tilespmem:s17+$0x20] =	vst v3;
	v3 =	vld [tilespmem:s16+$0x60]  }
0x4f: {  	s22 =	sadd.s32 $0x80, s16;
	s20 =	smov.u32 s17;
	s19 =	smov.u32 s17;
	v5 =	vld [tilespmem:s16+$0xFFFFFE00];
	[tilespmem:s17+$0xFFFFFFB0] =	vst v11;
	v10 =	vpack.i.b32.b16 v10, v9;
	v9 =	vunpack.i.u.s16.s32 v13;
	v11 =	vunpack.i.l.s16.s32 v13  }
.LBB1_5:
0x50: {  	v12 =	vld [tilespmem:s22+$0xFFFFFE70];
	[tilespmem:s20+$0x30] =	vst v10;
	v8 =	vpack.i.b32.b16 v11, v8;
	v10 =	vunpack.i.u.s16.s32 v4;
	v4 =	vunpack.i.l.s16.s32 v4  }
0x51: {  	s21 =	sadd.s32 $0x2, s21;
	v7 =	vpack.i.b32.b16 v9, v7;
	v11 =	vld [tilespmem:s22+$0x70];
	[tilespmem:s20+$0xFFFFFFC0] =	vst v8;
	v8 =	vunpack.i.u.s16.s32 v6;
	v6 =	vunpack.i.l.s16.s32 v6  }
0x52: {  	p0 =	slt.u32 s21, $0x6;
	v9 =	vld [tilespmem:s22+$0x0];
	[tilespmem:s20+$0x40] =	vst v7;
	v4 =	vpack.i.b32.b16 v6, v4;
	v6 =	vunpack.i.u.s16.s32 v2;
	v2 =	vunpack.i.l.s16.s32 v2  }
0x53: {  	v7 =	vld [tilespmem:s22+$0xFFFFFE10];
	[tilespmem:s20+$0xFFFFFFD0] =	vst v4;
	v4 =	vpack.i.b32.b16 v8, v10;
	v8 =	vunpack.i.u.s16.s32 v3;
	v3 =	vunpack.i.l.s16.s32 v3  }
0x54: {  	v10 =	vld [tilespmem:s22+$0x10];
	v13 =	vunpack.i.u.s16.s32 v5;
	v5 =	vunpack.i.l.s16.s32 v5;
	[tilespmem:s20+$0x50] =	vst v4;
	v2 =	vpack.i.b32.b16 v3, v2  }
0x55: {  	v3 =	vld [tilespmem:s22+$0xFFFFFE20];
	v4 =	vunpack.i.l.s16.s32 v12;
	v1 =	vpack.i.b32.b16 v1, v5;
	v5 =	vpack.i.b32.b16 v0, v13;
	[tilespmem:s20+$0xFFFFFFE0] =	vst v2  }
0x56: {  	v12 =	vunpack.i.u.s16.s32 v12;
	v2 =	vld [tilespmem:s22+$0x20];
	v13 =	vunpack.i.u.s16.s32 v11;
	v11 =	vunpack.i.l.s16.s32 v11;
	[tilespmem:s20+$0xFFFFFF80] =	vst v1  }
0x57: {  	s20 =	sadd.s32 $0x100, s20;
	v0 =	vunpack.i.u.s16.s32 v9;
	v1 =	vunpack.i.l.s16.s32 v9;
	v9 =	vld [tilespmem:s22+$0xFFFFFE30];
	v12 =	vpack.i.b32.b16 v13, v12;
	[tilespmem:s19+$0x0] =	vst v5  }
0x58: {  	v6 =	vpack.i.b32.b16 v8, v6;
	v5 =	vunpack.i.u.s16.s32 v7;
	v7 =	vunpack.i.l.s16.s32 v7;
	v13 =	vld [tilespmem:s22+$0x30];
	[tilespmem:s20+$0x70] =	vst v12  }
0x59: {  	v4 =	vpack.i.b32.b16 v11, v4;
	v8 =	vunpack.i.u.s16.s32 v10;
	v10 =	vunpack.i.l.s16.s32 v10;
	v12 =	vld [tilespmem:s22+$0xFFFFFE40];
	[tilespmem:s19+$0x60] =	vst v6;
	s19 =	smov.u32 s20  }
0x5a: {  	v6 =	vpack.i.b32.b16 v10, v7;
	v7 =	vunpack.i.u.s16.s32 v3;
	v3 =	vunpack.i.l.s16.s32 v3;
	v11 =	vld [tilespmem:s22+$0x40];
	[tilespmem:s20+$0xFFFFFFF0] =	vst v4  }
.Ltmp4:
0x5b: {  	v5 =	vpack.i.b32.b16 v8, v5;
	[tilespmem:s20+$0xFFFFFF90] =	vst v6;
	v8 =	vunpack.i.u.s16.s32 v2;
	v2 =	vunpack.i.l.s16.s32 v2;
	v4 =	vld [tilespmem:s22+$0xFFFFFE50];
	(pc) =	sbr.rel @p0 .LBB1_5-.Ltmp4, $4  }
0x5c: {  	[tilespmem:s20+$0x10] =	vst v5;
	v2 =	vpack.i.b32.b16 v2, v3;
	v10 =	vunpack.i.u.s16.s32 v9;
	v3 =	vunpack.i.l.s16.s32 v9;
	v6 =	vld [tilespmem:s22+$0x50]  }
0x5d: {  	v5 =	vpack.i.b32.b16 v8, v7;
	[tilespmem:s20+$0xFFFFFFA0] =	vst v2;
	v9 =	vunpack.i.u.s16.s32 v13;
	v7 =	vunpack.i.l.s16.s32 v13;
	v2 =	vld [tilespmem:s22+$0xFFFFFE60]  }
0x5e: {  	[tilespmem:s20+$0x20] =	vst v5;
	v13 =	vpack.i.b32.b16 v7, v3;
	v7 =	vunpack.i.u.s16.s32 v12;
	v8 =	vunpack.i.l.s16.s32 v12;
	v3 =	vld [tilespmem:s22+$0x60]  }
0x5f: {  	v10 =	vpack.i.b32.b16 v9, v10;
	v5 =	vld [tilespmem:s22+$0xFFFFFE00];
	[tilespmem:s20+$0xFFFFFFB0] =	vst v13;
	v9 =	vunpack.i.u.s16.s32 v11;
	v11 =	vunpack.i.l.s16.s32 v11;
	s22 =	sadd.s32 $0x80, s22  }
0x60: {  	[tilespmem:s20+$0x30] =	vst v10;
	v8 =	vpack.i.b32.b16 v11, v8  }
0x61: {  	v51 =	vunpack.i.l.s16.s32 v4;
	v7 =	vpack.i.b32.b16 v9, v7;
	[tilespmem:s20+$0xFFFFFFC0] =	vst v8;
	v52 =	vunpack.i.l.s16.s32 v6  }
0x62: {  	v53 =	vunpack.i.u.s16.s32 v4;
	s18 =	sadd.s32 $0x1, s18;
	v54 =	vunpack.i.u.s16.s32 v6;
	[tilespmem:s20+$0x40] =	vst v7;
	v55 =	vpack.i.b32.b16 v52, v51  }
0x63: {  	p0 =	sne.s32 s18, s15;
	v56 =	vunpack.i.l.s16.s32 v2;
	v4 =	vpack.i.b32.b16 v54, v53;
	[tilespmem:s20+$0xFFFFFFD0] =	vst v55;
	v57 =	vunpack.i.l.s16.s32 v3  }
.Ltmp5:
0x64: {  	[tilespmem:s20+$0x50] =	vst v4;
	v58 =	vunpack.i.l.s16.s32 v5;
	v59 =	vpack.i.b32.b16 v57, v56;
	(pc) =	sbr.rel @p0 .LBB1_4-.Ltmp5, $4  }
.Ltmp6:
0x65: {  	v61 =	vunpack.i.u.s16.s32 v2;
	v62 =	vunpack.i.u.s16.s32 v3;
	v1 =	vpack.i.b32.b16 v1, v58;
	[tilespmem:s20+$0xFFFFFFE0] =	vst v59;
	(pc) =	sbr.rel @!p0 .LBB1_7-.Ltmp6, $4  }
0x66: {  	v60 =	vunpack.i.u.s16.s32 v5;
	v63 =	vpack.i.b32.b16 v62, v61;
	[tilespmem:s20+$0xFFFFFF80] =	vst v1  }
0x67: {  	v0 =	vpack.i.b32.b16 v0, v60;
	[tilespmem:s19+$0x60] =	vst v63  }
0x68: {  	s16 =	sadd.s32 $0x400, s16;
	s17 =	sadd.s32 $0x400, s17;
	[tilespmem:s19+$0x0] =	vst v0  }
0x69: {  	_ = 	snop  }
.LBB1_9:
0x6a: {  	_ =	sfence.sel $0x180000  }
0x6b: {  	s2 =	simm.s32 $0x1;
	[bflag:$0x0] =	sbarrier.arrive $0xFFFF  }
0x6c: {  	s31 =	simm.s32 $0x2;
	[sflag:s2] =	ssyncpa.u1 $0x1  }
0x6d: {  	[sflag:s31] =	ssyncpa.u1 $0x1  }
0x6e: {  	p0 =	sne.s32 s1, $0x0;
	_ =	strace $0x90000047  }
0x6f: {  	s0 =	sadd.s32 @!p0 $0x100000, s0;
	[bflag:$0x2] =	sbarrier.arrive $0xFFFF  }
0x70: {  	[sflag:s0] =	ssyncadd.tile.s32 @!p0 $0x1;
	_ =	shalt  }
.Lfunc_end1:
_tile_overlayer_lowered:
.L_overlay_start_2:
0x71: {  	(tag) =	ssettag $0x2  }
0x72: {  	s0 =	rddreg [dreg:$0x0];
	s2 =	stileid.u32  }
0x73: {  	s1 =	rddreg [dreg:$0x1];
	p0 =	sne.s32 s2, $0x0  }
0x74: {  	s3 =	rddreg [dreg:$0x2];
	[bflag:$0x3] =	sbarrier.arrive $0xFFFF;
	s2 =	simm.s32 @!p0 $0x1C01  }
0x75: {  	[timem:s3], [sflag:s2] =	dma.local @!p0 [hbm:s0], s1  }
0x76: {  	s0 =	simm.s32 @!p0 $0x1  }
0x77: {  	_ =	swait.ge @!p0 [sflag:s0], s1  }
0x78: {  	s1 =	ssub.s32 @!p0 $0x0, s1;
	[sflag:s0] =	ssyncset.done @!p0 $0x0  }
0x79: {  	[sflag:s0] =	ssyncadd.s32 @!p0 s1  }
0x7a: {  	[bflag:$0x3] =	sbarrier.arrive $0xFFFF  }
0x7b: {  	_ =	shalt  }

</sc_bundles>
